<compile_context>
chip_gen: v7x
topology: tpu7x:2x2x1
jax: 0.10.2.dev20260603
libtpu: 0.0.44.dev20260713+nightly
codegen_flags: <defaults>
</compile_context>

<pallas_src>
import jax
import jax.numpy as jnp
import math
from jax import lax
from jax.experimental import pallas as pl
from jax.experimental.pallas import tpu as pltpu, tpu_sc as plsc

N_ENT = 10000
N_REL = 1000
N_TRI = 160000
D = 128

NT = 16
TPW = N_TRI // NT
CHUNK = 16
NCHUNKS = TPW // CHUNK

NB = 157
BLK_ROWS = 64
BLK_CELLS = BLK_ROWS * N_ENT
ACC_CELLS = 640128
ACC_PER_TILE = ACC_CELLS // 16
NSEG = 176
REGION = TPW + NSEG * 8 + 128
ROWS_PER_DMA = 2
WCELLS = ROWS_PER_DMA * N_ENT
SCALE = 3.0 * math.sqrt(D)

_mesh = plsc.VectorSubcoreMesh(core_axis_name="c", subcore_axis_name="s")


def _permute16(x, idx):
    dn = lax.GatherDimensionNumbers(
        offset_dims=(), collapsed_slice_dims=(0,), start_index_map=(0,))
    return lax.gather(x, idx[:, None], dn, (1,),
                      mode=lax.GatherScatterMode.PROMISE_IN_BOUNDS)


def _sum16(x, lane):
    for sh in (8, 4, 2, 1):
        x = x + _permute16(x, lane ^ sh)
    return x


def _sqrt16(x):
    x = jnp.maximum(x, jnp.float32(1e-30))
    i = lax.bitcast_convert_type(x, jnp.int32)
    i = jnp.int32(0x5F3759DF) - lax.shift_right_arithmetic(i, 1)
    y = lax.bitcast_convert_type(i, jnp.float32)
    half = jnp.float32(0.5) * x
    for _ in range(3):
        y = y * (jnp.float32(1.5) - half * y * y)
    return x * y


def _fused_kernel(ent_sr, ent_tg, rel_sr, rel_tg,
                  h_sr, t_sr, r_sr, h_tg, t_tg, r_tg,
                  out,
                  acc,
                  hidx, tidx, ridx, hrows, trows, rrows,
                  score,
                  cells_stage, scores_stage, hist, cursor,
                  cbounce, sbounce, wbuf,
                  sem_h, sem_t, sem_r, sem_g, sem_w):
    side = lax.axis_index("c")
    tile = lax.axis_index("s")
    base = pl.multiple_of(tile * TPW, 8)
    lane = lax.iota(jnp.int32, 16)

    def p1(ent, rel, h_all, t_all, r_all):
        pltpu.sync_copy(h_all.at[pl.ds(base, TPW)], hidx.at[pl.ds(0, TPW)])
        pltpu.sync_copy(t_all.at[pl.ds(base, TPW)], tidx.at[pl.ds(0, TPW)])
        pltpu.sync_copy(r_all.at[pl.ds(base, TPW)], ridx.at[pl.ds(0, TPW)])

        def chunk_body(k, _):
            off = k * CHUNK
            cp_h = pltpu.async_copy(ent.at[hidx.at[pl.ds(off, CHUNK)]], hrows, sem_h)
            cp_t = pltpu.async_copy(ent.at[tidx.at[pl.ds(off, CHUNK)]], trows, sem_t)
            cp_r = pltpu.async_copy(rel.at[ridx.at[pl.ds(off, CHUNK)]], rrows, sem_r)
            cp_h.wait()
            cp_t.wait()
            cp_r.wait()

            def tri_body(j, sv):
                a = jnp.zeros((16,), jnp.float32)
                for jj in range(8):
                    hv = hrows[j, pl.ds(jj * 16, 16)]
                    tv = trows[j, pl.ds(jj * 16, 16)]
                    rv = rrows[j, pl.ds(jj * 16, 16)]
                    x = hv + rv - tv
                    a = a + x * x
                s = _sum16(a, lane)
                return jnp.where(lane == j, s, sv)

            sv = lax.fori_loop(0, 16, tri_body, jnp.zeros((16,), jnp.float32))
            score[pl.ds(off, 16)] = (
                jnp.float32(1.0) - _sqrt16(sv) * jnp.float32(1.0 / SCALE))
            return 0

        lax.fori_loop(0, NCHUNKS, chunk_body, 0)

    @pl.when(side == 0)
    def _():
        p1(ent_sr, rel_sr, h_sr, t_sr, r_sr)

    @pl.when(side == 1)
    def _():
        p1(ent_tg, rel_tg, h_tg, t_tg, r_tg)

    def hz_body(v, _):
        hist[pl.ds(v * 16, 16)] = jnp.zeros((16,), jnp.int32)
        return 0
    lax.fori_loop(0, NSEG // 16, hz_body, 0)

    def hist_body(v, _):
        b = lax.shift_right_logical(hidx[pl.ds(v * 16, 16)], 6)
        cnt, is_last = plsc.scan_count(b)
        old = plsc.load_gather(hist, [b])
        plsc.store_scatter(hist, [b], old + cnt, mask=is_last)
        return 0
    lax.fori_loop(0, TPW // 16, hist_body, 0)

    def scan_body(v, off):
        c = hist[pl.ds(v * 16, 16)]
        padded = (c + 7) & ~7
        incl = plsc.cumsum(padded)
        vals = incl - padded + off
        cursor[pl.ds(v * 16, 16)] = vals
        hist[pl.ds(v * 16, 16)] = vals
        return off + incl[15]
    lax.fori_loop(0, NSEG // 16, scan_body, jnp.int32(0))

    def sfill_body(v, _):
        cells_stage[pl.ds(v * 16, 16)] = jnp.full((16,), BLK_CELLS, jnp.int32) + lane
        scores_stage[pl.ds(v * 16, 16)] = jnp.zeros((16,), jnp.float32)
        return 0
    lax.fori_loop(0, REGION // 16, sfill_body, 0)

    def scat_body(v, _):
        o = v * 16
        hv = hidx[pl.ds(o, 16)]
        tv = tidx[pl.ds(o, 16)]
        b = lax.shift_right_logical(hv, 6)
        w = (hv & 63) * N_ENT + tv
        s = score[pl.ds(o, 16)]
        cnt, is_last = plsc.scan_count(b)
        old = plsc.load_gather(cursor, [b])
        pos = old + cnt - 1
        plsc.store_scatter(cells_stage, [pos], w)
        plsc.store_scatter(scores_stage, [pos], s)
        plsc.store_scatter(cursor, [b], old + cnt, mask=is_last)
        return 0
    lax.fori_loop(0, TPW // 16, scat_body, 0)

    def zf_body(v, _):
        score[pl.ds(v * 16, 16)] = jnp.zeros((16,), jnp.float32)
        return 0
    lax.fori_loop(0, TPW // 16, zf_body, 0)

    a0 = pl.multiple_of(tile * ACC_PER_TILE, 8)
    for zi in range(5):
        zl = ACC_PER_TILE - 4 * TPW if zi == 4 else TPW
        pltpu.sync_copy(score.at[pl.ds(0, zl)],
                        acc.at[pl.ds(pl.multiple_of(a0 + zi * TPW, 8), zl)])

    plsc.subcore_barrier()

    def blk_body(b, _):
        start = hist[pl.ds(b, 16)][0]
        cnt = cursor[pl.ds(b, 16)][0] - start
        nch = lax.shift_right_logical(cnt + 127, 7)

        def ch_body(k, _):
            o = pl.multiple_of(start + k * 128, 8)
            rem = cnt - k * 128
            dump = jnp.int32(BLK_CELLS) + lane
            for v in range(8):
                lv = lane + (16 * v)
                m = lv >= rem
                cv = cells_stage[pl.ds(o + v * 16, 16)]
                sv = scores_stage[pl.ds(o + v * 16, 16)]
                cbounce[0, pl.ds(v * 16, 16)] = jnp.where(m, dump, cv)
                sbounce[pl.ds(v * 16, 16)] = jnp.where(m, jnp.float32(0.0), sv)
            pltpu.sync_copy(sbounce, acc.at[cbounce.at[0]], add=True)
            return 0
        lax.fori_loop(0, nch, ch_body, 0)
        plsc.subcore_barrier()

        def emit_halves(nh, src_base, dst_base):
            bufs = [wbuf.at[pl.ds(0, 5000)], wbuf.at[pl.ds(5000, 5000)]]
            cpg = pltpu.async_copy(acc.at[pl.ds(src_base, 5000)], bufs[0], sem_g)
            cpg.wait()
            for h in range(nh):
                if h + 1 < nh:
                    cpn = pltpu.async_copy(
                        acc.at[pl.ds(pl.multiple_of(src_base + (h + 1) * 5000, 8), 5000)],
                        bufs[(h + 1) % 2], sem_g)
                pltpu.sync_copy(
                    bufs[h % 2],
                    out.at[pl.ds(pl.multiple_of(dst_base + h * 5000, 8), 5000)])
                if h + 1 < nh:
                    cpn.wait()

        @pl.when(b < NB - 1)
        def _():
            src0 = pl.multiple_of(tile * (4 * N_ENT), 8)
            dst0 = pl.multiple_of(
                side * (N_ENT * N_ENT) + b * BLK_CELLS + tile * (4 * N_ENT), 8)
            emit_halves(8, src0, dst0)

        @pl.when(b == NB - 1)
        def _():
            src0 = pl.multiple_of(tile * N_ENT, 8)
            dst0 = pl.multiple_of(
                side * (N_ENT * N_ENT) + (NB - 1) * BLK_CELLS + tile * N_ENT, 8)
            emit_halves(2, src0, dst0)

        plsc.subcore_barrier()

        def zr_body(k, _):
            o = pl.multiple_of(start + k * 128, 8)
            for v in range(8):
                cbounce[0, pl.ds(v * 16, 16)] = cells_stage[pl.ds(o + v * 16, 16)]
            pltpu.sync_copy(score.at[pl.ds(0, 128)], acc.at[cbounce.at[0]])
            return 0
        lax.fori_loop(0, nch, zr_body, 0)
        plsc.subcore_barrier()
        return 0

    lax.fori_loop(0, NB, blk_body, 0)


@jax.jit
def kernel(entity_emb_sr, entity_emb_tg, relation_emb_sr, relation_emb_tg,
           head_sr, tail_sr, relation_sr, head_tg, tail_tg, relation_tg):
    k = pl.kernel(
        _fused_kernel,
        out_type=jax.ShapeDtypeStruct((2 * N_ENT * N_ENT,), jnp.float32),
        mesh=_mesh,
        compiler_params=pltpu.CompilerParams(needs_layout_passes=False),
        scratch_types=[
            pltpu.VMEM_SHARED((ACC_CELLS,), jnp.float32),
            pltpu.VMEM((TPW,), jnp.int32),
            pltpu.VMEM((TPW,), jnp.int32),
            pltpu.VMEM((TPW,), jnp.int32),
            pltpu.VMEM((CHUNK, D), jnp.float32),
            pltpu.VMEM((CHUNK, D), jnp.float32),
            pltpu.VMEM((CHUNK, D), jnp.float32),
            pltpu.VMEM((TPW,), jnp.float32),
            pltpu.VMEM((REGION,), jnp.int32),
            pltpu.VMEM((REGION,), jnp.float32),
            pltpu.VMEM((NSEG,), jnp.int32),
            pltpu.VMEM((NSEG,), jnp.int32),
            pltpu.VMEM((1, 128), jnp.int32),
            pltpu.VMEM((128,), jnp.float32),
            pltpu.VMEM((N_ENT,), jnp.float32),
            pltpu.SemaphoreType.DMA,
            pltpu.SemaphoreType.DMA,
            pltpu.SemaphoreType.DMA,
            pltpu.SemaphoreType.DMA,
            pltpu.SemaphoreType.DMA,
        ],
    )
    out = k(entity_emb_sr, entity_emb_tg, relation_emb_sr, relation_emb_tg,
            head_sr, tail_sr, relation_sr, head_tg, tail_tg, relation_tg)
    return out.reshape((2, N_ENT, N_ENT))

# --- scband reference (transcript-rebuilt; emitter-appended) ---
"""Pipeline reference for scband-cross-adjacency-matrix-78735340470477 (READ-ONLY COPY).

The authoritative reference and input builder live on the scoring server;
editing this copy changes nothing except your own understanding.
"""

import jax, jax.numpy as jnp
import numpy as np
import math

N_ENT = 10000
N_REL = 1000
N_TRI = 160000
D = 128

def setup_inputs(seed: int = 0) -> dict:
    key = jax.random.key(seed)
    ks = jax.random.split(key, 10)
    return {
        "entity_emb_sr": jax.random.normal(ks[0], (N_ENT, D), dtype=jnp.float32) * 0.05,
        "entity_emb_tg": jax.random.normal(ks[1], (N_ENT, D), dtype=jnp.float32) * 0.05,
        "relation_emb_sr": jax.random.normal(ks[2], (N_REL, D), dtype=jnp.float32) * 0.05,
        "relation_emb_tg": jax.random.normal(ks[3], (N_REL, D), dtype=jnp.float32) * 0.05,
        "head_sr": jax.random.randint(ks[4], (N_TRI,), 0, N_ENT, dtype=jnp.int32),
        "tail_sr": jax.random.randint(ks[5], (N_TRI,), 0, N_ENT, dtype=jnp.int32),
        "relation_sr": jax.random.randint(ks[6], (N_TRI,), 0, N_REL, dtype=jnp.int32),
        "head_tg": jax.random.randint(ks[7], (N_TRI,), 0, N_ENT, dtype=jnp.int32),
        "tail_tg": jax.random.randint(ks[8], (N_TRI,), 0, N_ENT, dtype=jnp.int32),
        "relation_tg": jax.random.randint(ks[9], (N_TRI,), 0, N_REL, dtype=jnp.int32),
    }

def reference(entity_emb_sr, entity_emb_tg, relation_emb_sr, relation_emb_tg,
              head_sr, tail_sr, relation_sr, head_tg, tail_tg, relation_tg):
    d = entity_emb_sr.shape[1]
    scale = 3.0 * math.sqrt(d)

    def score_side(ent_emb, rel_emb, h, t, r):
        hv = jnp.take(ent_emb, h, axis=0)
        tv = jnp.take(ent_emb, t, axis=0)
        rv = jnp.take(rel_emb, r, axis=0)
        score = 1.0 - jnp.linalg.norm(hv + rv - tv, axis=1) / scale
        n = ent_emb.shape[0]
        # torch.sparse.FloatTensor(...).todense() sums duplicate coordinates -> scatter-add
        return jnp.zeros((n, n), dtype=jnp.float32).at[h, t].add(score)

    score_m_sr = score_side(entity_emb_sr, relation_emb_sr, head_sr, tail_sr, relation_sr)
    score_m_tg = score_side(entity_emb_tg, relation_emb_tg, head_tg, tail_tg, relation_tg)
    return jnp.stack([score_m_sr, score_m_tg], axis=0)

if __name__ == "__main__":
    import jax
    _d = setup_inputs()
    print(jax.jit(kernel)(*tuple(_d.values())))

</pallas_src>

<mosaic_0001>
#map = affine_map<(d0, d1) -> (0, 0)>
#map1 = affine_map<(d0, d1) -> (0)>
module attributes {stable_mosaic.version = 14 : i64} {
  func.func @_fused_kernel(%arg0: i32, %arg1: i32, %arg2: memref<10000x128xf32, #tpu.memory_space<hbm>>, %arg3: memref<10000x128xf32, #tpu.memory_space<hbm>>, %arg4: memref<1000x128xf32, #tpu.memory_space<hbm>>, %arg5: memref<1000x128xf32, #tpu.memory_space<hbm>>, %arg6: memref<160000xi32, #tpu.memory_space<hbm>>, %arg7: memref<160000xi32, #tpu.memory_space<hbm>>, %arg8: memref<160000xi32, #tpu.memory_space<hbm>>, %arg9: memref<160000xi32, #tpu.memory_space<hbm>>, %arg10: memref<160000xi32, #tpu.memory_space<hbm>>, %arg11: memref<160000xi32, #tpu.memory_space<hbm>>, %arg12: memref<200000000xf32, #tpu.memory_space<hbm>>, %arg13: memref<640128xf32, #tpu.memory_space<vmem_shared>>, %arg14: memref<10000xi32, #tpu.memory_space<vmem>>, %arg15: memref<10000xi32, #tpu.memory_space<vmem>>, %arg16: memref<10000xi32, #tpu.memory_space<vmem>>, %arg17: memref<16x128xf32, #tpu.memory_space<vmem>>, %arg18: memref<16x128xf32, #tpu.memory_space<vmem>>, %arg19: memref<16x128xf32, #tpu.memory_space<vmem>>, %arg20: memref<10000xf32, #tpu.memory_space<vmem>>, %arg21: memref<11536xi32, #tpu.memory_space<vmem>>, %arg22: memref<11536xf32, #tpu.memory_space<vmem>>, %arg23: memref<176xi32, #tpu.memory_space<vmem>>, %arg24: memref<176xi32, #tpu.memory_space<vmem>>, %arg25: memref<1x128xi32, #tpu.memory_space<vmem>>, %arg26: memref<128xf32, #tpu.memory_space<vmem>>, %arg27: memref<10000xf32, #tpu.memory_space<vmem>>, %arg28: memref<!tpu.dma_semaphore, #tpu.memory_space<semaphore_mem>>, %arg29: memref<!tpu.dma_semaphore, #tpu.memory_space<semaphore_mem>>, %arg30: memref<!tpu.dma_semaphore, #tpu.memory_space<semaphore_mem>>, %arg31: memref<!tpu.dma_semaphore, #tpu.memory_space<semaphore_mem>>, %arg32: memref<!tpu.dma_semaphore, #tpu.memory_space<semaphore_mem>>) attributes {dimension_semantics = [#tpu.dimension_semantics<core_parallel>, #tpu.dimension_semantics<subcore_parallel>], iteration_bounds = array<i64: 2, 16>, scalar_prefetch = 0 : i64, scratch_operands = 20 : i64, tpu.core_type = #tpu.core_type<sc_vector_subcore>, window_params = [{transform_indices = #map}, {transform_indices = #map}, {transform_indices = #map}, {transform_indices = #map}, {transform_indices = #map1}, {transform_indices = #map1}, {transform_indices = #map1}, {transform_indices = #map1}, {transform_indices = #map1}, {transform_indices = #map1}, {transform_indices = #map1}]} {
    %mul3A = arith.constant 10000 : i32
    %mul3A_0 = arith.muli %arg1, %mul3A : i32
    %multiple_of3A = tpu.assume_multiple %mul3A_0, 8 : i32
    %iota3A = tpu.iota {dimensions = array<i32: 0>} : vector<16xi32>
    %eq3A = arith.constant 0 : i32
    %eq3A_1 = arith.cmpi eq, %arg0, %eq3A : i32
    %convert_element_type3A = arith.extui %eq3A_1 : i1 to i32
    %cond3A = arith.constant 0 : i32
    %cond3A_2 = arith.cmpi ne, %convert_element_type3A, %cond3A : i32
    scf.if %cond3A_2 {
      "tpu.region"() ({
        %run_scoped3A = tpu.sem_alloc : memref<!tpu.dma_semaphore, #tpu.memory_space<semaphore_mem>>
        %dma_start3A = arith.constant 0 : i32
        %dma_start3A_80 = tpu.memref_slice %arg14[%dma_start3A] : memref<10000xi32, #tpu.memory_space<vmem>> -> memref<10000xi32, #tpu.memory_space<vmem>>
        %dma_start3A_81 = tpu.memref_slice %arg6[%multiple_of3A] : memref<160000xi32, #tpu.memory_space<hbm>> -> memref<10000xi32, #tpu.memory_space<hbm>>
        %dma_start3A_82 = arith.constant 0 : i32
        %dma_start3A_83 = tpu.memref_slice %arg14[%dma_start3A_82] : memref<10000xi32, #tpu.memory_space<vmem>> -> memref<10000xi32, #tpu.memory_space<vmem>>
        %dma_start3A_84 = tpu.memref_slice %arg6[%multiple_of3A] : memref<160000xi32, #tpu.memory_space<hbm>> -> memref<10000xi32, #tpu.memory_space<hbm>>
        tpu.enqueue_dma source(%dma_start3A_84 : memref<10000xi32, #tpu.memory_space<hbm>>) target(%dma_start3A_83 : memref<10000xi32, #tpu.memory_space<vmem>>) target_semaphore(%run_scoped3A : memref<!tpu.dma_semaphore, #tpu.memory_space<semaphore_mem>>)
        %dma_wait3A = arith.constant 0 : i32
        %dma_wait3A_85 = tpu.memref_slice %arg14[%dma_wait3A] : memref<10000xi32, #tpu.memory_space<vmem>> -> memref<10000xi32, #tpu.memory_space<vmem>>
        %dma_wait3A_86 = tpu.memref_slice %arg6[%multiple_of3A] : memref<160000xi32, #tpu.memory_space<hbm>> -> memref<10000xi32, #tpu.memory_space<hbm>>
        %dma_wait3A_87 = arith.constant 0 : i32
        %dma_wait3A_88 = tpu.memref_slice %arg14[%dma_wait3A_87] : memref<10000xi32, #tpu.memory_space<vmem>> -> memref<10000xi32, #tpu.memory_space<vmem>>
        %dma_wait3A_89 = tpu.memref_slice %arg6[%multiple_of3A] : memref<160000xi32, #tpu.memory_space<hbm>> -> memref<10000xi32, #tpu.memory_space<hbm>>
        tpu.wait_dma2 semaphore(%run_scoped3A : memref<!tpu.dma_semaphore, #tpu.memory_space<semaphore_mem>>) src(%dma_wait3A_89 : memref<10000xi32, #tpu.memory_space<hbm>>) dst(%dma_wait3A_88 : memref<10000xi32, #tpu.memory_space<vmem>>)
        tpu.yield
      }) : () -> ()
      "tpu.region"() ({
        %run_scoped3A = tpu.sem_alloc : memref<!tpu.dma_semaphore, #tpu.memory_space<semaphore_mem>>
        %dma_start3A = arith.constant 0 : i32
        %dma_start3A_80 = tpu.memref_slice %arg15[%dma_start3A] : memref<10000xi32, #tpu.memory_space<vmem>> -> memref<10000xi32, #tpu.memory_space<vmem>>
        %dma_start3A_81 = tpu.memref_slice %arg7[%multiple_of3A] : memref<160000xi32, #tpu.memory_space<hbm>> -> memref<10000xi32, #tpu.memory_space<hbm>>
        %dma_start3A_82 = arith.constant 0 : i32
        %dma_start3A_83 = tpu.memref_slice %arg15[%dma_start3A_82] : memref<10000xi32, #tpu.memory_space<vmem>> -> memref<10000xi32, #tpu.memory_space<vmem>>
        %dma_start3A_84 = tpu.memref_slice %arg7[%multiple_of3A] : memref<160000xi32, #tpu.memory_space<hbm>> -> memref<10000xi32, #tpu.memory_space<hbm>>
        tpu.enqueue_dma source(%dma_start3A_84 : memref<10000xi32, #tpu.memory_space<hbm>>) target(%dma_start3A_83 : memref<10000xi32, #tpu.memory_space<vmem>>) target_semaphore(%run_scoped3A : memref<!tpu.dma_semaphore, #tpu.memory_space<semaphore_mem>>)
        %dma_wait3A = arith.constant 0 : i32
        %dma_wait3A_85 = tpu.memref_slice %arg15[%dma_wait3A] : memref<10000xi32, #tpu.memory_space<vmem>> -> memref<10000xi32, #tpu.memory_space<vmem>>
        %dma_wait3A_86 = tpu.memref_slice %arg7[%multiple_of3A] : memref<160000xi32, #tpu.memory_space<hbm>> -> memref<10000xi32, #tpu.memory_space<hbm>>
        %dma_wait3A_87 = arith.constant 0 : i32
        %dma_wait3A_88 = tpu.memref_slice %arg15[%dma_wait3A_87] : memref<10000xi32, #tpu.memory_space<vmem>> -> memref<10000xi32, #tpu.memory_space<vmem>>
        %dma_wait3A_89 = tpu.memref_slice %arg7[%multiple_of3A] : memref<160000xi32, #tpu.memory_space<hbm>> -> memref<10000xi32, #tpu.memory_space<hbm>>
        tpu.wait_dma2 semaphore(%run_scoped3A : memref<!tpu.dma_semaphore, #tpu.memory_space<semaphore_mem>>) src(%dma_wait3A_89 : memref<10000xi32, #tpu.memory_space<hbm>>) dst(%dma_wait3A_88 : memref<10000xi32, #tpu.memory_space<vmem>>)
        tpu.yield
      }) : () -> ()
      "tpu.region"() ({
        %run_scoped3A = tpu.sem_alloc : memref<!tpu.dma_semaphore, #tpu.memory_space<semaphore_mem>>
        %dma_start3A = arith.constant 0 : i32
        %dma_start3A_80 = tpu.memref_slice %arg16[%dma_start3A] : memref<10000xi32, #tpu.memory_space<vmem>> -> memref<10000xi32, #tpu.memory_space<vmem>>
        %dma_start3A_81 = tpu.memref_slice %arg8[%multiple_of3A] : memref<160000xi32, #tpu.memory_space<hbm>> -> memref<10000xi32, #tpu.memory_space<hbm>>
        %dma_start3A_82 = arith.constant 0 : i32
        %dma_start3A_83 = tpu.memref_slice %arg16[%dma_start3A_82] : memref<10000xi32, #tpu.memory_space<vmem>> -> memref<10000xi32, #tpu.memory_space<vmem>>
        %dma_start3A_84 = tpu.memref_slice %arg8[%multiple_of3A] : memref<160000xi32, #tpu.memory_space<hbm>> -> memref<10000xi32, #tpu.memory_space<hbm>>
        tpu.enqueue_dma source(%dma_start3A_84 : memref<10000xi32, #tpu.memory_space<hbm>>) target(%dma_start3A_83 : memref<10000xi32, #tpu.memory_space<vmem>>) target_semaphore(%run_scoped3A : memref<!tpu.dma_semaphore, #tpu.memory_space<semaphore_mem>>)
        %dma_wait3A = arith.constant 0 : i32
        %dma_wait3A_85 = tpu.memref_slice %arg16[%dma_wait3A] : memref<10000xi32, #tpu.memory_space<vmem>> -> memref<10000xi32, #tpu.memory_space<vmem>>
        %dma_wait3A_86 = tpu.memref_slice %arg8[%multiple_of3A] : memref<160000xi32, #tpu.memory_space<hbm>> -> memref<10000xi32, #tpu.memory_space<hbm>>
        %dma_wait3A_87 = arith.constant 0 : i32
        %dma_wait3A_88 = tpu.memref_slice %arg16[%dma_wait3A_87] : memref<10000xi32, #tpu.memory_space<vmem>> -> memref<10000xi32, #tpu.memory_space<vmem>>
        %dma_wait3A_89 = tpu.memref_slice %arg8[%multiple_of3A] : memref<160000xi32, #tpu.memory_space<hbm>> -> memref<10000xi32, #tpu.memory_space<hbm>>
        tpu.wait_dma2 semaphore(%run_scoped3A : memref<!tpu.dma_semaphore, #tpu.memory_space<semaphore_mem>>) src(%dma_wait3A_89 : memref<10000xi32, #tpu.memory_space<hbm>>) dst(%dma_wait3A_88 : memref<10000xi32, #tpu.memory_space<vmem>>)
        tpu.yield
      }) : () -> ()
      %scan3A_73 = arith.constant 0 : i32
      %scan3A_74 = arith.constant 0 : i32
      %scan3A_75 = arith.constant 625 : i32
      %scan3A_76 = arith.addi %scan3A_74, %scan3A_75 : i32
      %scan3A_77 = arith.constant 1 : i32
      %scan3A_78 = scf.for %scan3A_80 = %scan3A_74 to %scan3A_76 step %scan3A_77 iter_args(%scan3A_81 = %scan3A_73) -> (i32)  : i32 {
        %mul3A_82 = arith.constant 16 : i32
        %mul3A_83 = arith.muli %scan3A_80, %mul3A_82 : i32
        %dma_start3A = tpu.memref_slice %arg14[%mul3A_83] : memref<10000xi32, #tpu.memory_space<vmem>> -> memref<16xi32, #tpu.memory_space<vmem>>
        %dma_start3A_84 = arith.constant 0 : i32
        %dma_start3A_85 = arith.constant 0 : i32
        %dma_start3A_86 = tpu.memref_slice %arg2[%dma_start3A_84, %dma_start3A_85] : memref<10000x128xf32, #tpu.memory_space<hbm>> -> memref<10000x128xf32, #tpu.memory_space<hbm>>
        tpu.enqueue_indirect_dma source(%dma_start3A_86 : memref<10000x128xf32, #tpu.memory_space<hbm>>) target(%arg17 : memref<16x128xf32, #tpu.memory_space<vmem>>) offsets(%dma_start3A : memref<16xi32, #tpu.memory_space<vmem>>) semaphore(%arg28 : memref<!tpu.dma_semaphore, #tpu.memory_space<semaphore_mem>>)
        %dma_start3A_87 = tpu.memref_slice %arg15[%mul3A_83] : memref<10000xi32, #tpu.memory_space<vmem>> -> memref<16xi32, #tpu.memory_space<vmem>>
        %dma_start3A_88 = arith.constant 0 : i32
        %dma_start3A_89 = arith.constant 0 : i32
        %dma_start3A_90 = tpu.memref_slice %arg2[%dma_start3A_88, %dma_start3A_89] : memref<10000x128xf32, #tpu.memory_space<hbm>> -> memref<10000x128xf32, #tpu.memory_space<hbm>>
        tpu.enqueue_indirect_dma source(%dma_start3A_90 : memref<10000x128xf32, #tpu.memory_space<hbm>>) target(%arg18 : memref<16x128xf32, #tpu.memory_space<vmem>>) offsets(%dma_start3A_87 : memref<16xi32, #tpu.memory_space<vmem>>) semaphore(%arg29 : memref<!tpu.dma_semaphore, #tpu.memory_space<semaphore_mem>>)
        %dma_start3A_91 = tpu.memref_slice %arg16[%mul3A_83] : memref<10000xi32, #tpu.memory_space<vmem>> -> memref<16xi32, #tpu.memory_space<vmem>>
        %dma_start3A_92 = arith.constant 0 : i32
        %dma_start3A_93 = arith.constant 0 : i32
        %dma_start3A_94 = tpu.memref_slice %arg4[%dma_start3A_92, %dma_start3A_93] : memref<1000x128xf32, #tpu.memory_space<hbm>> -> memref<1000x128xf32, #tpu.memory_space<hbm>>
        tpu.enqueue_indirect_dma source(%dma_start3A_94 : memref<1000x128xf32, #tpu.memory_space<hbm>>) target(%arg19 : memref<16x128xf32, #tpu.memory_space<vmem>>) offsets(%dma_start3A_91 : memref<16xi32, #tpu.memory_space<vmem>>) semaphore(%arg30 : memref<!tpu.dma_semaphore, #tpu.memory_space<semaphore_mem>>)
        %dma_wait3A = tpu.memref_slice %arg14[%mul3A_83] : memref<10000xi32, #tpu.memory_space<vmem>> -> memref<16xi32, #tpu.memory_space<vmem>>
        %dma_wait3A_95 = arith.constant 0 : i32
        %dma_wait3A_96 = arith.constant 0 : i32
        %dma_wait3A_97 = tpu.memref_slice %arg2[%dma_wait3A_95, %dma_wait3A_96] : memref<10000x128xf32, #tpu.memory_space<hbm>> -> memref<10000x128xf32, #tpu.memory_space<hbm>>
        tpu.wait_indirect_dma semaphore(%arg28 : memref<!tpu.dma_semaphore, #tpu.memory_space<semaphore_mem>>) src(%dma_wait3A_97 : memref<10000x128xf32, #tpu.memory_space<hbm>>) dst(%arg17 : memref<16x128xf32, #tpu.memory_space<vmem>>)
        %dma_wait3A_98 = tpu.memref_slice %arg15[%mul3A_83] : memref<10000xi32, #tpu.memory_space<vmem>> -> memref<16xi32, #tpu.memory_space<vmem>>
        %dma_wait3A_99 = arith.constant 0 : i32
        %dma_wait3A_100 = arith.constant 0 : i32
        %dma_wait3A_101 = tpu.memref_slice %arg2[%dma_wait3A_99, %dma_wait3A_100] : memref<10000x128xf32, #tpu.memory_space<hbm>> -> memref<10000x128xf32, #tpu.memory_space<hbm>>
        tpu.wait_indirect_dma semaphore(%arg29 : memref<!tpu.dma_semaphore, #tpu.memory_space<semaphore_mem>>) src(%dma_wait3A_101 : memref<10000x128xf32, #tpu.memory_space<hbm>>) dst(%arg18 : memref<16x128xf32, #tpu.memory_space<vmem>>)
        %dma_wait3A_102 = tpu.memref_slice %arg16[%mul3A_83] : memref<10000xi32, #tpu.memory_space<vmem>> -> memref<16xi32, #tpu.memory_space<vmem>>
        %dma_wait3A_103 = arith.constant 0 : i32
        %dma_wait3A_104 = arith.constant 0 : i32
        %dma_wait3A_105 = tpu.memref_slice %arg4[%dma_wait3A_103, %dma_wait3A_104] : memref<1000x128xf32, #tpu.memory_space<hbm>> -> memref<1000x128xf32, #tpu.memory_space<hbm>>
        tpu.wait_indirect_dma semaphore(%arg30 : memref<!tpu.dma_semaphore, #tpu.memory_space<semaphore_mem>>) src(%dma_wait3A_105 : memref<1000x128xf32, #tpu.memory_space<hbm>>) dst(%arg19 : memref<16x128xf32, #tpu.memory_space<vmem>>)
        %broadcast_in_dim3A = arith.constant 0.000000e+00 : f32
        %broadcast_in_dim3A_106 = vector.broadcast %broadcast_in_dim3A : f32 to vector<16xf32>
        %scan3A_107 = arith.constant 0 : i32
        %scan3A_108 = arith.constant 16 : i32
        %scan3A_109 = arith.addi %scan3A_107, %scan3A_108 : i32
        %scan3A_110 = arith.constant 1 : i32
        %scan3A_111 = scf.for %scan3A_150 = %scan3A_107 to %scan3A_109 step %scan3A_110 iter_args(%scan3A_151 = %broadcast_in_dim3A_106) -> (vector<16xf32>)  : i32 {
          %broadcast_in_dim3A_152 = arith.constant 0.000000e+00 : f32
          %broadcast_in_dim3A_153 = vector.broadcast %broadcast_in_dim3A_152 : f32 to vector<16xf32>
          %get3A = arith.index_cast %scan3A_150 : i32 to index
          %get3A_154 = arith.constant 0 : index
          %get3A_155 = tpu.vector_load %arg17[%get3A, %get3A_154] {strides = array<i32>} : memref<16x128xf32, #tpu.memory_space<vmem>>, vector<16xf32>,
          %get3A_156 = arith.index_cast %scan3A_150 : i32 to index
          %get3A_157 = arith.constant 0 : index
          %get3A_158 = tpu.vector_load %arg18[%get3A_156, %get3A_157] {strides = array<i32>} : memref<16x128xf32, #tpu.memory_space<vmem>>, vector<16xf32>,
          %get3A_159 = arith.index_cast %scan3A_150 : i32 to index
          %get3A_160 = arith.constant 0 : index
          %get3A_161 = tpu.vector_load %arg19[%get3A_159, %get3A_160] {strides = array<i32>} : memref<16x128xf32, #tpu.memory_space<vmem>>, vector<16xf32>,
          %add3A_162 = arith.addf %get3A_155, %get3A_161 : vector<16xf32>
          %sub3A_163 = arith.subf %add3A_162, %get3A_158 : vector<16xf32>
          %mul3A_164 = arith.mulf %sub3A_163, %sub3A_163 : vector<16xf32>
          %add3A_165 = arith.addf %broadcast_in_dim3A_153, %mul3A_164 : vector<16xf32>
          %get3A_166 = arith.index_cast %scan3A_150 : i32 to index
          %get3A_167 = arith.constant 16 : index
          %get3A_168 = tpu.vector_load %arg17[%get3A_166, %get3A_167] {strides = array<i32>} : memref<16x128xf32, #tpu.memory_space<vmem>>, vector<16xf32>,
          %get3A_169 = arith.index_cast %scan3A_150 : i32 to index
          %get3A_170 = arith.constant 16 : index
          %get3A_171 = tpu.vector_load %arg18[%get3A_169, %get3A_170] {strides = array<i32>} : memref<16x128xf32, #tpu.memory_space<vmem>>, vector<16xf32>,
          %get3A_172 = arith.index_cast %scan3A_150 : i32 to index
          %get3A_173 = arith.constant 16 : index
          %get3A_174 = tpu.vector_load %arg19[%get3A_172, %get3A_173] {strides = array<i32>} : memref<16x128xf32, #tpu.memory_space<vmem>>, vector<16xf32>,
          %add3A_175 = arith.addf %get3A_168, %get3A_174 : vector<16xf32>
          %sub3A_176 = arith.subf %add3A_175, %get3A_171 : vector<16xf32>
          %mul3A_177 = arith.mulf %sub3A_176, %sub3A_176 : vector<16xf32>
          %add3A_178 = arith.addf %add3A_165, %mul3A_177 : vector<16xf32>
          %get3A_179 = arith.index_cast %scan3A_150 : i32 to index
          %get3A_180 = arith.constant 32 : index
          %get3A_181 = tpu.vector_load %arg17[%get3A_179, %get3A_180] {strides = array<i32>} : memref<16x128xf32, #tpu.memory_space<vmem>>, vector<16xf32>,
          %get3A_182 = arith.index_cast %scan3A_150 : i32 to index
          %get3A_183 = arith.constant 32 : index
          %get3A_184 = tpu.vector_load %arg18[%get3A_182, %get3A_183] {strides = array<i32>} : memref<16x128xf32, #tpu.memory_space<vmem>>, vector<16xf32>,
          %get3A_185 = arith.index_cast %scan3A_150 : i32 to index
          %get3A_186 = arith.constant 32 : index
          %get3A_187 = tpu.vector_load %arg19[%get3A_185, %get3A_186] {strides = array<i32>} : memref<16x128xf32, #tpu.memory_space<vmem>>, vector<16xf32>,
          %add3A_188 = arith.addf %get3A_181, %get3A_187 : vector<16xf32>
          %sub3A_189 = arith.subf %add3A_188, %get3A_184 : vector<16xf32>
          %mul3A_190 = arith.mulf %sub3A_189, %sub3A_189 : vector<16xf32>
          %add3A_191 = arith.addf %add3A_178, %mul3A_190 : vector<16xf32>
          %get3A_192 = arith.index_cast %scan3A_150 : i32 to index
          %get3A_193 = arith.constant 48 : index
          %get3A_194 = tpu.vector_load %arg17[%get3A_192, %get3A_193] {strides = array<i32>} : memref<16x128xf32, #tpu.memory_space<vmem>>, vector<16xf32>,
          %get3A_195 = arith.index_cast %scan3A_150 : i32 to index
          %get3A_196 = arith.constant 48 : index
          %get3A_197 = tpu.vector_load %arg18[%get3A_195, %get3A_196] {strides = array<i32>} : memref<16x128xf32, #tpu.memory_space<vmem>>, vector<16xf32>,
          %get3A_198 = arith.index_cast %scan3A_150 : i32 to index
          %get3A_199 = arith.constant 48 : index
          %get3A_200 = tpu.vector_load %arg19[%get3A_198, %get3A_199] {strides = array<i32>} : memref<16x128xf32, #tpu.memory_space<vmem>>, vector<16xf32>,
          %add3A_201 = arith.addf %get3A_194, %get3A_200 : vector<16xf32>
          %sub3A_202 = arith.subf %add3A_201, %get3A_197 : vector<16xf32>
          %mul3A_203 = arith.mulf %sub3A_202, %sub3A_202 : vector<16xf32>
          %add3A_204 = arith.addf %add3A_191, %mul3A_203 : vector<16xf32>
          %get3A_205 = arith.index_cast %scan3A_150 : i32 to index
          %get3A_206 = arith.constant 64 : index
          %get3A_207 = tpu.vector_load %arg17[%get3A_205, %get3A_206] {strides = array<i32>} : memref<16x128xf32, #tpu.memory_space<vmem>>, vector<16xf32>,
          %get3A_208 = arith.index_cast %scan3A_150 : i32 to index
          %get3A_209 = arith.constant 64 : index
          %get3A_210 = tpu.vector_load %arg18[%get3A_208, %get3A_209] {strides = array<i32>} : memref<16x128xf32, #tpu.memory_space<vmem>>, vector<16xf32>,
          %get3A_211 = arith.index_cast %scan3A_150 : i32 to index
          %get3A_212 = arith.constant 64 : index
          %get3A_213 = tpu.vector_load %arg19[%get3A_211, %get3A_212] {strides = array<i32>} : memref<16x128xf32, #tpu.memory_space<vmem>>, vector<16xf32>,
          %add3A_214 = arith.addf %get3A_207, %get3A_213 : vector<16xf32>
          %sub3A_215 = arith.subf %add3A_214, %get3A_210 : vector<16xf32>
          %mul3A_216 = arith.mulf %sub3A_215, %sub3A_215 : vector<16xf32>
          %add3A_217 = arith.addf %add3A_204, %mul3A_216 : vector<16xf32>
          %get3A_218 = arith.index_cast %scan3A_150 : i32 to index
          %get3A_219 = arith.constant 80 : index
          %get3A_220 = tpu.vector_load %arg17[%get3A_218, %get3A_219] {strides = array<i32>} : memref<16x128xf32, #tpu.memory_space<vmem>>, vector<16xf32>,
          %get3A_221 = arith.index_cast %scan3A_150 : i32 to index
          %get3A_222 = arith.constant 80 : index
          %get3A_223 = tpu.vector_load %arg18[%get3A_221, %get3A_222] {strides = array<i32>} : memref<16x128xf32, #tpu.memory_space<vmem>>, vector<16xf32>,
          %get3A_224 = arith.index_cast %scan3A_150 : i32 to index
          %get3A_225 = arith.constant 80 : index
          %get3A_226 = tpu.vector_load %arg19[%get3A_224, %get3A_225] {strides = array<i32>} : memref<16x128xf32, #tpu.memory_space<vmem>>, vector<16xf32>,
          %add3A_227 = arith.addf %get3A_220, %get3A_226 : vector<16xf32>
          %sub3A_228 = arith.subf %add3A_227, %get3A_223 : vector<16xf32>
          %mul3A_229 = arith.mulf %sub3A_228, %sub3A_228 : vector<16xf32>
          %add3A_230 = arith.addf %add3A_217, %mul3A_229 : vector<16xf32>
          %get3A_231 = arith.index_cast %scan3A_150 : i32 to index
          %get3A_232 = arith.constant 96 : index
          %get3A_233 = tpu.vector_load %arg17[%get3A_231, %get3A_232] {strides = array<i32>} : memref<16x128xf32, #tpu.memory_space<vmem>>, vector<16xf32>,
          %get3A_234 = arith.index_cast %scan3A_150 : i32 to index
          %get3A_235 = arith.constant 96 : index
          %get3A_236 = tpu.vector_load %arg18[%get3A_234, %get3A_235] {strides = array<i32>} : memref<16x128xf32, #tpu.memory_space<vmem>>, vector<16xf32>,
          %get3A_237 = arith.index_cast %scan3A_150 : i32 to index
          %get3A_238 = arith.constant 96 : index
          %get3A_239 = tpu.vector_load %arg19[%get3A_237, %get3A_238] {strides = array<i32>} : memref<16x128xf32, #tpu.memory_space<vmem>>, vector<16xf32>,
          %add3A_240 = arith.addf %get3A_233, %get3A_239 : vector<16xf32>
          %sub3A_241 = arith.subf %add3A_240, %get3A_236 : vector<16xf32>
          %mul3A_242 = arith.mulf %sub3A_241, %sub3A_241 : vector<16xf32>
          %add3A_243 = arith.addf %add3A_230, %mul3A_242 : vector<16xf32>
          %get3A_244 = arith.index_cast %scan3A_150 : i32 to index
          %get3A_245 = arith.constant 112 : index
          %get3A_246 = tpu.vector_load %arg17[%get3A_244, %get3A_245] {strides = array<i32>} : memref<16x128xf32, #tpu.memory_space<vmem>>, vector<16xf32>,
          %get3A_247 = arith.index_cast %scan3A_150 : i32 to index
          %get3A_248 = arith.constant 112 : index
          %get3A_249 = tpu.vector_load %arg18[%get3A_247, %get3A_248] {strides = array<i32>} : memref<16x128xf32, #tpu.memory_space<vmem>>, vector<16xf32>,
          %get3A_250 = arith.index_cast %scan3A_150 : i32 to index
          %get3A_251 = arith.constant 112 : index
          %get3A_252 = tpu.vector_load %arg19[%get3A_250, %get3A_251] {strides = array<i32>} : memref<16x128xf32, #tpu.memory_space<vmem>>, vector<16xf32>,
          %add3A_253 = arith.addf %get3A_246, %get3A_252 : vector<16xf32>
          %sub3A_254 = arith.subf %add3A_253, %get3A_249 : vector<16xf32>
          %mul3A_255 = arith.mulf %sub3A_254, %sub3A_254 : vector<16xf32>
          %add3A_256 = arith.addf %add3A_243, %mul3A_255 : vector<16xf32>
          %xor3A = arith.constant 8 : i32
          %xor3A_257 = vector.broadcast %xor3A : i32 to vector<16xi32>
          %xor3A_258 = arith.xori %iota3A, %xor3A_257 : vector<16xi32>
          %broadcast_in_dim3A_259 = vector.shape_cast %xor3A_258 : vector<16xi32> to vector<16x1xi32>
          %gather3A = vector.shape_cast %broadcast_in_dim3A_259 : vector<16x1xi32> to vector<16xi32>
          %gather3A_260 = tpu.dynamic_gather %add3A_256[%gather3A] in [0] : vector<16xf32>, vector<16xi32> -> vector<16xf32>
          %add3A_261 = arith.addf %add3A_256, %gather3A_260 : vector<16xf32>
          %xor3A_262 = arith.constant 4 : i32
          %xor3A_263 = vector.broadcast %xor3A_262 : i32 to vector<16xi32>
          %xor3A_264 = arith.xori %iota3A, %xor3A_263 : vector<16xi32>
          %broadcast_in_dim3A_265 = vector.shape_cast %xor3A_264 : vector<16xi32> to vector<16x1xi32>
          %gather3A_266 = vector.shape_cast %broadcast_in_dim3A_265 : vector<16x1xi32> to vector<16xi32>
          %gather3A_267 = tpu.dynamic_gather %add3A_261[%gather3A_266] in [0] : vector<16xf32>, vector<16xi32> -> vector<16xf32>
          %add3A_268 = arith.addf %add3A_261, %gather3A_267 : vector<16xf32>
          %xor3A_269 = arith.constant 2 : i32
          %xor3A_270 = vector.broadcast %xor3A_269 : i32 to vector<16xi32>
          %xor3A_271 = arith.xori %iota3A, %xor3A_270 : vector<16xi32>
          %broadcast_in_dim3A_272 = vector.shape_cast %xor3A_271 : vector<16xi32> to vector<16x1xi32>
          %gather3A_273 = vector.shape_cast %broadcast_in_dim3A_272 : vector<16x1xi32> to vector<16xi32>
          %gather3A_274 = tpu.dynamic_gather %add3A_268[%gather3A_273] in [0] : vector<16xf32>, vector<16xi32> -> vector<16xf32>
          %add3A_275 = arith.addf %add3A_268, %gather3A_274 : vector<16xf32>
          %xor3A_276 = arith.constant 1 : i32
          %xor3A_277 = vector.broadcast %xor3A_276 : i32 to vector<16xi32>
          %xor3A_278 = arith.xori %iota3A, %xor3A_277 : vector<16xi32>
          %broadcast_in_dim3A_279 = vector.shape_cast %xor3A_278 : vector<16xi32> to vector<16x1xi32>
          %gather3A_280 = vector.shape_cast %broadcast_in_dim3A_279 : vector<16x1xi32> to vector<16xi32>
          %gather3A_281 = tpu.dynamic_gather %add3A_275[%gather3A_280] in [0] : vector<16xf32>, vector<16xi32> -> vector<16xf32>
          %add3A_282 = arith.addf %add3A_275, %gather3A_281 : vector<16xf32>
          %eq3A_283 = vector.broadcast %scan3A_150 : i32 to vector<16xi32>
          %eq3A_284 = arith.cmpi eq, %iota3A, %eq3A_283 : vector<16xi32>
          %select_n3A = arith.select %eq3A_284, %add3A_282, %scan3A_151 : vector<16xi1>, vector<16xf32>
          scf.yield %select_n3A : vector<16xf32>
        }
        %scan3A_112 = arith.constant 16 : i32
        %max3A = arith.constant 1.000000e-30 : f32
        %max3A_113 = vector.broadcast %max3A : f32 to vector<16xf32>
        %max3A_114 = arith.maximumf %scan3A_111, %max3A_113 : vector<16xf32>
        %bitcast_convert_type3A = tpu.bitcast %max3A_114 : vector<16xf32> -> vector<16xi32>
        %shift_right_arithmetic3A = arith.constant 1 : i32
        %shift_right_arithmetic3A_115 = vector.broadcast %shift_right_arithmetic3A : i32 to vector<16xi32>
        %shift_right_arithmetic3A_116 = arith.shrsi %bitcast_convert_type3A, %shift_right_arithmetic3A_115 : vector<16xi32>
        %sub3A = arith.constant 1597463007 : i32
        %sub3A_117 = vector.broadcast %sub3A : i32 to vector<16xi32>
        %sub3A_118 = arith.subi %sub3A_117, %shift_right_arithmetic3A_116 : vector<16xi32>
        %bitcast_convert_type3A_119 = tpu.bitcast %sub3A_118 : vector<16xi32> -> vector<16xf32>
        %mul3A_120 = arith.constant 5.000000e-01 : f32
        %mul3A_121 = vector.broadcast %mul3A_120 : f32 to vector<16xf32>
        %mul3A_122 = arith.mulf %mul3A_121, %max3A_114 : vector<16xf32>
        %mul3A_123 = arith.mulf %mul3A_122, %bitcast_convert_type3A_119 : vector<16xf32>
        %mul3A_124 = arith.mulf %mul3A_123, %bitcast_convert_type3A_119 : vector<16xf32>
        %sub3A_125 = arith.constant 1.500000e+00 : f32
        %sub3A_126 = vector.broadcast %sub3A_125 : f32 to vector<16xf32>
        %sub3A_127 = arith.subf %sub3A_126, %mul3A_124 : vector<16xf32>
        %mul3A_128 = arith.mulf %bitcast_convert_type3A_119, %sub3A_127 : vector<16xf32>
        %mul3A_129 = arith.mulf %mul3A_122, %mul3A_128 : vector<16xf32>
        %mul3A_130 = arith.mulf %mul3A_129, %mul3A_128 : vector<16xf32>
        %sub3A_131 = arith.constant 1.500000e+00 : f32
        %sub3A_132 = vector.broadcast %sub3A_131 : f32 to vector<16xf32>
        %sub3A_133 = arith.subf %sub3A_132, %mul3A_130 : vector<16xf32>
        %mul3A_134 = arith.mulf %mul3A_128, %sub3A_133 : vector<16xf32>
        %mul3A_135 = arith.mulf %mul3A_122, %mul3A_134 : vector<16xf32>
        %mul3A_136 = arith.mulf %mul3A_135, %mul3A_134 : vector<16xf32>
        %sub3A_137 = arith.constant 1.500000e+00 : f32
        %sub3A_138 = vector.broadcast %sub3A_137 : f32 to vector<16xf32>
        %sub3A_139 = arith.subf %sub3A_138, %mul3A_136 : vector<16xf32>
        %mul3A_140 = arith.mulf %mul3A_134, %sub3A_139 : vector<16xf32>
        %mul3A_141 = arith.mulf %max3A_114, %mul3A_140 : vector<16xf32>
        %mul3A_142 = arith.constant 0.0294627827 : f32
        %mul3A_143 = vector.broadcast %mul3A_142 : f32 to vector<16xf32>
        %mul3A_144 = arith.mulf %mul3A_141, %mul3A_143 : vector<16xf32>
        %sub3A_145 = arith.constant 1.000000e+00 : f32
        %sub3A_146 = vector.broadcast %sub3A_145 : f32 to vector<16xf32>
        %sub3A_147 = arith.subf %sub3A_146, %mul3A_144 : vector<16xf32>
        %swap3A = arith.index_cast %mul3A_83 : i32 to index
        %swap3A_148 = tpu.vector_load %arg20[%swap3A] {strides = array<i32>} : memref<10000xf32, #tpu.memory_space<vmem>>, vector<16xf32>,
        tpu.vector_store %arg20[%swap3A], %sub3A_147 {strides = array<i32>} : memref<10000xf32, #tpu.memory_space<vmem>>, vector<16xf32>,
        %scan3A_149 = arith.constant 0 : i32
        scf.yield %scan3A_149 : i32
      }
      %scan3A_79 = arith.constant 625 : i32
    } else {
    }
    %eq3A_3 = arith.constant 1 : i32
    %eq3A_4 = arith.cmpi eq, %arg0, %eq3A_3 : i32
    %convert_element_type3A_5 = arith.extui %eq3A_4 : i1 to i32
    %cond3A_6 = arith.constant 0 : i32
    %cond3A_7 = arith.cmpi ne, %convert_element_type3A_5, %cond3A_6 : i32
    scf.if %cond3A_7 {
      "tpu.region"() ({
        %run_scoped3A = tpu.sem_alloc : memref<!tpu.dma_semaphore, #tpu.memory_space<semaphore_mem>>
        %dma_start3A = arith.constant 0 : i32
        %dma_start3A_80 = tpu.memref_slice %arg14[%dma_start3A] : memref<10000xi32, #tpu.memory_space<vmem>> -> memref<10000xi32, #tpu.memory_space<vmem>>
        %dma_start3A_81 = tpu.memref_slice %arg9[%multiple_of3A] : memref<160000xi32, #tpu.memory_space<hbm>> -> memref<10000xi32, #tpu.memory_space<hbm>>
        %dma_start3A_82 = arith.constant 0 : i32
        %dma_start3A_83 = tpu.memref_slice %arg14[%dma_start3A_82] : memref<10000xi32, #tpu.memory_space<vmem>> -> memref<10000xi32, #tpu.memory_space<vmem>>
        %dma_start3A_84 = tpu.memref_slice %arg9[%multiple_of3A] : memref<160000xi32, #tpu.memory_space<hbm>> -> memref<10000xi32, #tpu.memory_space<hbm>>
        tpu.enqueue_dma source(%dma_start3A_84 : memref<10000xi32, #tpu.memory_space<hbm>>) target(%dma_start3A_83 : memref<10000xi32, #tpu.memory_space<vmem>>) target_semaphore(%run_scoped3A : memref<!tpu.dma_semaphore, #tpu.memory_space<semaphore_mem>>)
        %dma_wait3A = arith.constant 0 : i32
        %dma_wait3A_85 = tpu.memref_slice %arg14[%dma_wait3A] : memref<10000xi32, #tpu.memory_space<vmem>> -> memref<10000xi32, #tpu.memory_space<vmem>>
        %dma_wait3A_86 = tpu.memref_slice %arg9[%multiple_of3A] : memref<160000xi32, #tpu.memory_space<hbm>> -> memref<10000xi32, #tpu.memory_space<hbm>>
        %dma_wait3A_87 = arith.constant 0 : i32
        %dma_wait3A_88 = tpu.memref_slice %arg14[%dma_wait3A_87] : memref<10000xi32, #tpu.memory_space<vmem>> -> memref<10000xi32, #tpu.memory_space<vmem>>
        %dma_wait3A_89 = tpu.memref_slice %arg9[%multiple_of3A] : memref<160000xi32, #tpu.memory_space<hbm>> -> memref<10000xi32, #tpu.memory_space<hbm>>
        tpu.wait_dma2 semaphore(%run_scoped3A : memref<!tpu.dma_semaphore, #tpu.memory_space<semaphore_mem>>) src(%dma_wait3A_89 : memref<10000xi32, #tpu.memory_space<hbm>>) dst(%dma_wait3A_88 : memref<10000xi32, #tpu.memory_space<vmem>>)
        tpu.yield
      }) : () -> ()
      "tpu.region"() ({
        %run_scoped3A = tpu.sem_alloc : memref<!tpu.dma_semaphore, #tpu.memory_space<semaphore_mem>>
        %dma_start3A = arith.constant 0 : i32
        %dma_start3A_80 = tpu.memref_slice %arg15[%dma_start3A] : memref<10000xi32, #tpu.memory_space<vmem>> -> memref<10000xi32, #tpu.memory_space<vmem>>
        %dma_start3A_81 = tpu.memref_slice %arg10[%multiple_of3A] : memref<160000xi32, #tpu.memory_space<hbm>> -> memref<10000xi32, #tpu.memory_space<hbm>>
        %dma_start3A_82 = arith.constant 0 : i32
        %dma_start3A_83 = tpu.memref_slice %arg15[%dma_start3A_82] : memref<10000xi32, #tpu.memory_space<vmem>> -> memref<10000xi32, #tpu.memory_space<vmem>>
        %dma_start3A_84 = tpu.memref_slice %arg10[%multiple_of3A] : memref<160000xi32, #tpu.memory_space<hbm>> -> memref<10000xi32, #tpu.memory_space<hbm>>
        tpu.enqueue_dma source(%dma_start3A_84 : memref<10000xi32, #tpu.memory_space<hbm>>) target(%dma_start3A_83 : memref<10000xi32, #tpu.memory_space<vmem>>) target_semaphore(%run_scoped3A : memref<!tpu.dma_semaphore, #tpu.memory_space<semaphore_mem>>)
        %dma_wait3A = arith.constant 0 : i32
        %dma_wait3A_85 = tpu.memref_slice %arg15[%dma_wait3A] : memref<10000xi32, #tpu.memory_space<vmem>> -> memref<10000xi32, #tpu.memory_space<vmem>>
        %dma_wait3A_86 = tpu.memref_slice %arg10[%multiple_of3A] : memref<160000xi32, #tpu.memory_space<hbm>> -> memref<10000xi32, #tpu.memory_space<hbm>>
        %dma_wait3A_87 = arith.constant 0 : i32
        %dma_wait3A_88 = tpu.memref_slice %arg15[%dma_wait3A_87] : memref<10000xi32, #tpu.memory_space<vmem>> -> memref<10000xi32, #tpu.memory_space<vmem>>
        %dma_wait3A_89 = tpu.memref_slice %arg10[%multiple_of3A] : memref<160000xi32, #tpu.memory_space<hbm>> -> memref<10000xi32, #tpu.memory_space<hbm>>
        tpu.wait_dma2 semaphore(%run_scoped3A : memref<!tpu.dma_semaphore, #tpu.memory_space<semaphore_mem>>) src(%dma_wait3A_89 : memref<10000xi32, #tpu.memory_space<hbm>>) dst(%dma_wait3A_88 : memref<10000xi32, #tpu.memory_space<vmem>>)
        tpu.yield
      }) : () -> ()
      "tpu.region"() ({
        %run_scoped3A = tpu.sem_alloc : memref<!tpu.dma_semaphore, #tpu.memory_space<semaphore_mem>>
        %dma_start3A = arith.constant 0 : i32
        %dma_start3A_80 = tpu.memref_slice %arg16[%dma_start3A] : memref<10000xi32, #tpu.memory_space<vmem>> -> memref<10000xi32, #tpu.memory_space<vmem>>
        %dma_start3A_81 = tpu.memref_slice %arg11[%multiple_of3A] : memref<160000xi32, #tpu.memory_space<hbm>> -> memref<10000xi32, #tpu.memory_space<hbm>>
        %dma_start3A_82 = arith.constant 0 : i32
        %dma_start3A_83 = tpu.memref_slice %arg16[%dma_start3A_82] : memref<10000xi32, #tpu.memory_space<vmem>> -> memref<10000xi32, #tpu.memory_space<vmem>>
        %dma_start3A_84 = tpu.memref_slice %arg11[%multiple_of3A] : memref<160000xi32, #tpu.memory_space<hbm>> -> memref<10000xi32, #tpu.memory_space<hbm>>
        tpu.enqueue_dma source(%dma_start3A_84 : memref<10000xi32, #tpu.memory_space<hbm>>) target(%dma_start3A_83 : memref<10000xi32, #tpu.memory_space<vmem>>) target_semaphore(%run_scoped3A : memref<!tpu.dma_semaphore, #tpu.memory_space<semaphore_mem>>)
        %dma_wait3A = arith.constant 0 : i32
        %dma_wait3A_85 = tpu.memref_slice %arg16[%dma_wait3A] : memref<10000xi32, #tpu.memory_space<vmem>> -> memref<10000xi32, #tpu.memory_space<vmem>>
        %dma_wait3A_86 = tpu.memref_slice %arg11[%multiple_of3A] : memref<160000xi32, #tpu.memory_space<hbm>> -> memref<10000xi32, #tpu.memory_space<hbm>>
        %dma_wait3A_87 = arith.constant 0 : i32
        %dma_wait3A_88 = tpu.memref_slice %arg16[%dma_wait3A_87] : memref<10000xi32, #tpu.memory_space<vmem>> -> memref<10000xi32, #tpu.memory_space<vmem>>
        %dma_wait3A_89 = tpu.memref_slice %arg11[%multiple_of3A] : memref<160000xi32, #tpu.memory_space<hbm>> -> memref<10000xi32, #tpu.memory_space<hbm>>
        tpu.wait_dma2 semaphore(%run_scoped3A : memref<!tpu.dma_semaphore, #tpu.memory_space<semaphore_mem>>) src(%dma_wait3A_89 : memref<10000xi32, #tpu.memory_space<hbm>>) dst(%dma_wait3A_88 : memref<10000xi32, #tpu.memory_space<vmem>>)
        tpu.yield
      }) : () -> ()
      %scan3A_73 = arith.constant 0 : i32
      %scan3A_74 = arith.constant 0 : i32
      %scan3A_75 = arith.constant 625 : i32
      %scan3A_76 = arith.addi %scan3A_74, %scan3A_75 : i32
      %scan3A_77 = arith.constant 1 : i32
      %scan3A_78 = scf.for %scan3A_80 = %scan3A_74 to %scan3A_76 step %scan3A_77 iter_args(%scan3A_81 = %scan3A_73) -> (i32)  : i32 {
        %mul3A_82 = arith.constant 16 : i32
        %mul3A_83 = arith.muli %scan3A_80, %mul3A_82 : i32
        %dma_start3A = tpu.memref_slice %arg14[%mul3A_83] : memref<10000xi32, #tpu.memory_space<vmem>> -> memref<16xi32, #tpu.memory_space<vmem>>
        %dma_start3A_84 = arith.constant 0 : i32
        %dma_start3A_85 = arith.constant 0 : i32
        %dma_start3A_86 = tpu.memref_slice %arg3[%dma_start3A_84, %dma_start3A_85] : memref<10000x128xf32, #tpu.memory_space<hbm>> -> memref<10000x128xf32, #tpu.memory_space<hbm>>
        tpu.enqueue_indirect_dma source(%dma_start3A_86 : memref<10000x128xf32, #tpu.memory_space<hbm>>) target(%arg17 : memref<16x128xf32, #tpu.memory_space<vmem>>) offsets(%dma_start3A : memref<16xi32, #tpu.memory_space<vmem>>) semaphore(%arg28 : memref<!tpu.dma_semaphore, #tpu.memory_space<semaphore_mem>>)
        %dma_start3A_87 = tpu.memref_slice %arg15[%mul3A_83] : memref<10000xi32, #tpu.memory_space<vmem>> -> memref<16xi32, #tpu.memory_space<vmem>>
        %dma_start3A_88 = arith.constant 0 : i32
        %dma_start3A_89 = arith.constant 0 : i32
        %dma_start3A_90 = tpu.memref_slice %arg3[%dma_start3A_88, %dma_start3A_89] : memref<10000x128xf32, #tpu.memory_space<hbm>> -> memref<10000x128xf32, #tpu.memory_space<hbm>>
        tpu.enqueue_indirect_dma source(%dma_start3A_90 : memref<10000x128xf32, #tpu.memory_space<hbm>>) target(%arg18 : memref<16x128xf32, #tpu.memory_space<vmem>>) offsets(%dma_start3A_87 : memref<16xi32, #tpu.memory_space<vmem>>) semaphore(%arg29 : memref<!tpu.dma_semaphore, #tpu.memory_space<semaphore_mem>>)
        %dma_start3A_91 = tpu.memref_slice %arg16[%mul3A_83] : memref<10000xi32, #tpu.memory_space<vmem>> -> memref<16xi32, #tpu.memory_space<vmem>>
        %dma_start3A_92 = arith.constant 0 : i32
        %dma_start3A_93 = arith.constant 0 : i32
        %dma_start3A_94 = tpu.memref_slice %arg5[%dma_start3A_92, %dma_start3A_93] : memref<1000x128xf32, #tpu.memory_space<hbm>> -> memref<1000x128xf32, #tpu.memory_space<hbm>>
        tpu.enqueue_indirect_dma source(%dma_start3A_94 : memref<1000x128xf32, #tpu.memory_space<hbm>>) target(%arg19 : memref<16x128xf32, #tpu.memory_space<vmem>>) offsets(%dma_start3A_91 : memref<16xi32, #tpu.memory_space<vmem>>) semaphore(%arg30 : memref<!tpu.dma_semaphore, #tpu.memory_space<semaphore_mem>>)
        %dma_wait3A = tpu.memref_slice %arg14[%mul3A_83] : memref<10000xi32, #tpu.memory_space<vmem>> -> memref<16xi32, #tpu.memory_space<vmem>>
        %dma_wait3A_95 = arith.constant 0 : i32
        %dma_wait3A_96 = arith.constant 0 : i32
        %dma_wait3A_97 = tpu.memref_slice %arg3[%dma_wait3A_95, %dma_wait3A_96] : memref<10000x128xf32, #tpu.memory_space<hbm>> -> memref<10000x128xf32, #tpu.memory_space<hbm>>
        tpu.wait_indirect_dma semaphore(%arg28 : memref<!tpu.dma_semaphore, #tpu.memory_space<semaphore_mem>>) src(%dma_wait3A_97 : memref<10000x128xf32, #tpu.memory_space<hbm>>) dst(%arg17 : memref<16x128xf32, #tpu.memory_space<vmem>>)
        %dma_wait3A_98 = tpu.memref_slice %arg15[%mul3A_83] : memref<10000xi32, #tpu.memory_space<vmem>> -> memref<16xi32, #tpu.memory_space<vmem>>
        %dma_wait3A_99 = arith.constant 0 : i32
        %dma_wait3A_100 = arith.constant 0 : i32
        %dma_wait3A_101 = tpu.memref_slice %arg3[%dma_wait3A_99, %dma_wait3A_100] : memref<10000x128xf32, #tpu.memory_space<hbm>> -> memref<10000x128xf32, #tpu.memory_space<hbm>>
        tpu.wait_indirect_dma semaphore(%arg29 : memref<!tpu.dma_semaphore, #tpu.memory_space<semaphore_mem>>) src(%dma_wait3A_101 : memref<10000x128xf32, #tpu.memory_space<hbm>>) dst(%arg18 : memref<16x128xf32, #tpu.memory_space<vmem>>)
        %dma_wait3A_102 = tpu.memref_slice %arg16[%mul3A_83] : memref<10000xi32, #tpu.memory_space<vmem>> -> memref<16xi32, #tpu.memory_space<vmem>>
        %dma_wait3A_103 = arith.constant 0 : i32
        %dma_wait3A_104 = arith.constant 0 : i32
        %dma_wait3A_105 = tpu.memref_slice %arg5[%dma_wait3A_103, %dma_wait3A_104] : memref<1000x128xf32, #tpu.memory_space<hbm>> -> memref<1000x128xf32, #tpu.memory_space<hbm>>
        tpu.wait_indirect_dma semaphore(%arg30 : memref<!tpu.dma_semaphore, #tpu.memory_space<semaphore_mem>>) src(%dma_wait3A_105 : memref<1000x128xf32, #tpu.memory_space<hbm>>) dst(%arg19 : memref<16x128xf32, #tpu.memory_space<vmem>>)
        %broadcast_in_dim3A = arith.constant 0.000000e+00 : f32
        %broadcast_in_dim3A_106 = vector.broadcast %broadcast_in_dim3A : f32 to vector<16xf32>
        %scan3A_107 = arith.constant 0 : i32
        %scan3A_108 = arith.constant 16 : i32
        %scan3A_109 = arith.addi %scan3A_107, %scan3A_108 : i32
        %scan3A_110 = arith.constant 1 : i32
        %scan3A_111 = scf.for %scan3A_150 = %scan3A_107 to %scan3A_109 step %scan3A_110 iter_args(%scan3A_151 = %broadcast_in_dim3A_106) -> (vector<16xf32>)  : i32 {
          %broadcast_in_dim3A_152 = arith.constant 0.000000e+00 : f32
          %broadcast_in_dim3A_153 = vector.broadcast %broadcast_in_dim3A_152 : f32 to vector<16xf32>
          %get3A = arith.index_cast %scan3A_150 : i32 to index
          %get3A_154 = arith.constant 0 : index
          %get3A_155 = tpu.vector_load %arg17[%get3A, %get3A_154] {strides = array<i32>} : memref<16x128xf32, #tpu.memory_space<vmem>>, vector<16xf32>,
          %get3A_156 = arith.index_cast %scan3A_150 : i32 to index
          %get3A_157 = arith.constant 0 : index
          %get3A_158 = tpu.vector_load %arg18[%get3A_156, %get3A_157] {strides = array<i32>} : memref<16x128xf32, #tpu.memory_space<vmem>>, vector<16xf32>,
          %get3A_159 = arith.index_cast %scan3A_150 : i32 to index
          %get3A_160 = arith.constant 0 : index
          %get3A_161 = tpu.vector_load %arg19[%get3A_159, %get3A_160] {strides = array<i32>} : memref<16x128xf32, #tpu.memory_space<vmem>>, vector<16xf32>,
          %add3A_162 = arith.addf %get3A_155, %get3A_161 : vector<16xf32>
          %sub3A_163 = arith.subf %add3A_162, %get3A_158 : vector<16xf32>
          %mul3A_164 = arith.mulf %sub3A_163, %sub3A_163 : vector<16xf32>
          %add3A_165 = arith.addf %broadcast_in_dim3A_153, %mul3A_164 : vector<16xf32>
          %get3A_166 = arith.index_cast %scan3A_150 : i32 to index
          %get3A_167 = arith.constant 16 : index
          %get3A_168 = tpu.vector_load %arg17[%get3A_166, %get3A_167] {strides = array<i32>} : memref<16x128xf32, #tpu.memory_space<vmem>>, vector<16xf32>,
          %get3A_169 = arith.index_cast %scan3A_150 : i32 to index
          %get3A_170 = arith.constant 16 : index
          %get3A_171 = tpu.vector_load %arg18[%get3A_169, %get3A_170] {strides = array<i32>} : memref<16x128xf32, #tpu.memory_space<vmem>>, vector<16xf32>,
          %get3A_172 = arith.index_cast %scan3A_150 : i32 to index
          %get3A_173 = arith.constant 16 : index
          %get3A_174 = tpu.vector_load %arg19[%get3A_172, %get3A_173] {strides = array<i32>} : memref<16x128xf32, #tpu.memory_space<vmem>>, vector<16xf32>,
          %add3A_175 = arith.addf %get3A_168, %get3A_174 : vector<16xf32>
          %sub3A_176 = arith.subf %add3A_175, %get3A_171 : vector<16xf32>
          %mul3A_177 = arith.mulf %sub3A_176, %sub3A_176 : vector<16xf32>
          %add3A_178 = arith.addf %add3A_165, %mul3A_177 : vector<16xf32>
          %get3A_179 = arith.index_cast %scan3A_150 : i32 to index
          %get3A_180 = arith.constant 32 : index
          %get3A_181 = tpu.vector_load %arg17[%get3A_179, %get3A_180] {strides = array<i32>} : memref<16x128xf32, #tpu.memory_space<vmem>>, vector<16xf32>,
          %get3A_182 = arith.index_cast %scan3A_150 : i32 to index
          %get3A_183 = arith.constant 32 : index
          %get3A_184 = tpu.vector_load %arg18[%get3A_182, %get3A_183] {strides = array<i32>} : memref<16x128xf32, #tpu.memory_space<vmem>>, vector<16xf32>,
          %get3A_185 = arith.index_cast %scan3A_150 : i32 to index
          %get3A_186 = arith.constant 32 : index
          %get3A_187 = tpu.vector_load %arg19[%get3A_185, %get3A_186] {strides = array<i32>} : memref<16x128xf32, #tpu.memory_space<vmem>>, vector<16xf32>,
          %add3A_188 = arith.addf %get3A_181, %get3A_187 : vector<16xf32>
          %sub3A_189 = arith.subf %add3A_188, %get3A_184 : vector<16xf32>
          %mul3A_190 = arith.mulf %sub3A_189, %sub3A_189 : vector<16xf32>
          %add3A_191 = arith.addf %add3A_178, %mul3A_190 : vector<16xf32>
          %get3A_192 = arith.index_cast %scan3A_150 : i32 to index
          %get3A_193 = arith.constant 48 : index
          %get3A_194 = tpu.vector_load %arg17[%get3A_192, %get3A_193] {strides = array<i32>} : memref<16x128xf32, #tpu.memory_space<vmem>>, vector<16xf32>,
          %get3A_195 = arith.index_cast %scan3A_150 : i32 to index
          %get3A_196 = arith.constant 48 : index
          %get3A_197 = tpu.vector_load %arg18[%get3A_195, %get3A_196] {strides = array<i32>} : memref<16x128xf32, #tpu.memory_space<vmem>>, vector<16xf32>,
          %get3A_198 = arith.index_cast %scan3A_150 : i32 to index
          %get3A_199 = arith.constant 48 : index
          %get3A_200 = tpu.vector_load %arg19[%get3A_198, %get3A_199] {strides = array<i32>} : memref<16x128xf32, #tpu.memory_space<vmem>>, vector<16xf32>,
          %add3A_201 = arith.addf %get3A_194, %get3A_200 : vector<16xf32>
          %sub3A_202 = arith.subf %add3A_201, %get3A_197 : vector<16xf32>
          %mul3A_203 = arith.mulf %sub3A_202, %sub3A_202 : vector<16xf32>
          %add3A_204 = arith.addf %add3A_191, %mul3A_203 : vector<16xf32>
          %get3A_205 = arith.index_cast %scan3A_150 : i32 to index
          %get3A_206 = arith.constant 64 : index
          %get3A_207 = tpu.vector_load %arg17[%get3A_205, %get3A_206] {strides = array<i32>} : memref<16x128xf32, #tpu.memory_space<vmem>>, vector<16xf32>,
          %get3A_208 = arith.index_cast %scan3A_150 : i32 to index
          %get3A_209 = arith.constant 64 : index
          %get3A_210 = tpu.vector_load %arg18[%get3A_208, %get3A_209] {strides = array<i32>} : memref<16x128xf32, #tpu.memory_space<vmem>>, vector<16xf32>,
          %get3A_211 = arith.index_cast %scan3A_150 : i32 to index
          %get3A_212 = arith.constant 64 : index
          %get3A_213 = tpu.vector_load %arg19[%get3A_211, %get3A_212] {strides = array<i32>} : memref<16x128xf32, #tpu.memory_space<vmem>>, vector<16xf32>,
          %add3A_214 = arith.addf %get3A_207, %get3A_213 : vector<16xf32>
          %sub3A_215 = arith.subf %add3A_214, %get3A_210 : vector<16xf32>
          %mul3A_216 = arith.mulf %sub3A_215, %sub3A_215 : vector<16xf32>
          %add3A_217 = arith.addf %add3A_204, %mul3A_216 : vector<16xf32>
          %get3A_218 = arith.index_cast %scan3A_150 : i32 to index
          %get3A_219 = arith.constant 80 : index
          %get3A_220 = tpu.vector_load %arg17[%get3A_218, %get3A_219] {strides = array<i32>} : memref<16x128xf32, #tpu.memory_space<vmem>>, vector<16xf32>,
          %get3A_221 = arith.index_cast %scan3A_150 : i32 to index
          %get3A_222 = arith.constant 80 : index
          %get3A_223 = tpu.vector_load %arg18[%get3A_221, %get3A_222] {strides = array<i32>} : memref<16x128xf32, #tpu.memory_space<vmem>>, vector<16xf32>,
          %get3A_224 = arith.index_cast %scan3A_150 : i32 to index
          %get3A_225 = arith.constant 80 : index
          %get3A_226 = tpu.vector_load %arg19[%get3A_224, %get3A_225] {strides = array<i32>} : memref<16x128xf32, #tpu.memory_space<vmem>>, vector<16xf32>,
          %add3A_227 = arith.addf %get3A_220, %get3A_226 : vector<16xf32>
          %sub3A_228 = arith.subf %add3A_227, %get3A_223 : vector<16xf32>
          %mul3A_229 = arith.mulf %sub3A_228, %sub3A_228 : vector<16xf32>
          %add3A_230 = arith.addf %add3A_217, %mul3A_229 : vector<16xf32>
          %get3A_231 = arith.index_cast %scan3A_150 : i32 to index
          %get3A_232 = arith.constant 96 : index
          %get3A_233 = tpu.vector_load %arg17[%get3A_231, %get3A_232] {strides = array<i32>} : memref<16x128xf32, #tpu.memory_space<vmem>>, vector<16xf32>,
          %get3A_234 = arith.index_cast %scan3A_150 : i32 to index
          %get3A_235 = arith.constant 96 : index
          %get3A_236 = tpu.vector_load %arg18[%get3A_234, %get3A_235] {strides = array<i32>} : memref<16x128xf32, #tpu.memory_space<vmem>>, vector<16xf32>,
          %get3A_237 = arith.index_cast %scan3A_150 : i32 to index
          %get3A_238 = arith.constant 96 : index
          %get3A_239 = tpu.vector_load %arg19[%get3A_237, %get3A_238] {strides = array<i32>} : memref<16x128xf32, #tpu.memory_space<vmem>>, vector<16xf32>,
          %add3A_240 = arith.addf %get3A_233, %get3A_239 : vector<16xf32>
          %sub3A_241 = arith.subf %add3A_240, %get3A_236 : vector<16xf32>
          %mul3A_242 = arith.mulf %sub3A_241, %sub3A_241 : vector<16xf32>
          %add3A_243 = arith.addf %add3A_230, %mul3A_242 : vector<16xf32>
          %get3A_244 = arith.index_cast %scan3A_150 : i32 to index
          %get3A_245 = arith.constant 112 : index
          %get3A_246 = tpu.vector_load %arg17[%get3A_244, %get3A_245] {strides = array<i32>} : memref<16x128xf32, #tpu.memory_space<vmem>>, vector<16xf32>,
          %get3A_247 = arith.index_cast %scan3A_150 : i32 to index
          %get3A_248 = arith.constant 112 : index
          %get3A_249 = tpu.vector_load %arg18[%get3A_247, %get3A_248] {strides = array<i32>} : memref<16x128xf32, #tpu.memory_space<vmem>>, vector<16xf32>,
          %get3A_250 = arith.index_cast %scan3A_150 : i32 to index
          %get3A_251 = arith.constant 112 : index
          %get3A_252 = tpu.vector_load %arg19[%get3A_250, %get3A_251] {strides = array<i32>} : memref<16x128xf32, #tpu.memory_space<vmem>>, vector<16xf32>,
          %add3A_253 = arith.addf %get3A_246, %get3A_252 : vector<16xf32>
          %sub3A_254 = arith.subf %add3A_253, %get3A_249 : vector<16xf32>
          %mul3A_255 = arith.mulf %sub3A_254, %sub3A_254 : vector<16xf32>
          %add3A_256 = arith.addf %add3A_243, %mul3A_255 : vector<16xf32>
          %xor3A = arith.constant 8 : i32
          %xor3A_257 = vector.broadcast %xor3A : i32 to vector<16xi32>
          %xor3A_258 = arith.xori %iota3A, %xor3A_257 : vector<16xi32>
          %broadcast_in_dim3A_259 = vector.shape_cast %xor3A_258 : vector<16xi32> to vector<16x1xi32>
          %gather3A = vector.shape_cast %broadcast_in_dim3A_259 : vector<16x1xi32> to vector<16xi32>
          %gather3A_260 = tpu.dynamic_gather %add3A_256[%gather3A] in [0] : vector<16xf32>, vector<16xi32> -> vector<16xf32>
          %add3A_261 = arith.addf %add3A_256, %gather3A_260 : vector<16xf32>
          %xor3A_262 = arith.constant 4 : i32
          %xor3A_263 = vector.broadcast %xor3A_262 : i32 to vector<16xi32>
          %xor3A_264 = arith.xori %iota3A, %xor3A_263 : vector<16xi32>
          %broadcast_in_dim3A_265 = vector.shape_cast %xor3A_264 : vector<16xi32> to vector<16x1xi32>
          %gather3A_266 = vector.shape_cast %broadcast_in_dim3A_265 : vector<16x1xi32> to vector<16xi32>
          %gather3A_267 = tpu.dynamic_gather %add3A_261[%gather3A_266] in [0] : vector<16xf32>, vector<16xi32> -> vector<16xf32>
          %add3A_268 = arith.addf %add3A_261, %gather3A_267 : vector<16xf32>
          %xor3A_269 = arith.constant 2 : i32
          %xor3A_270 = vector.broadcast %xor3A_269 : i32 to vector<16xi32>
          %xor3A_271 = arith.xori %iota3A, %xor3A_270 : vector<16xi32>
          %broadcast_in_dim3A_272 = vector.shape_cast %xor3A_271 : vector<16xi32> to vector<16x1xi32>
          %gather3A_273 = vector.shape_cast %broadcast_in_dim3A_272 : vector<16x1xi32> to vector<16xi32>
          %gather3A_274 = tpu.dynamic_gather %add3A_268[%gather3A_273] in [0] : vector<16xf32>, vector<16xi32> -> vector<16xf32>
          %add3A_275 = arith.addf %add3A_268, %gather3A_274 : vector<16xf32>
          %xor3A_276 = arith.constant 1 : i32
          %xor3A_277 = vector.broadcast %xor3A_276 : i32 to vector<16xi32>
          %xor3A_278 = arith.xori %iota3A, %xor3A_277 : vector<16xi32>
          %broadcast_in_dim3A_279 = vector.shape_cast %xor3A_278 : vector<16xi32> to vector<16x1xi32>
          %gather3A_280 = vector.shape_cast %broadcast_in_dim3A_279 : vector<16x1xi32> to vector<16xi32>
          %gather3A_281 = tpu.dynamic_gather %add3A_275[%gather3A_280] in [0] : vector<16xf32>, vector<16xi32> -> vector<16xf32>
          %add3A_282 = arith.addf %add3A_275, %gather3A_281 : vector<16xf32>
          %eq3A_283 = vector.broadcast %scan3A_150 : i32 to vector<16xi32>
          %eq3A_284 = arith.cmpi eq, %iota3A, %eq3A_283 : vector<16xi32>
          %select_n3A = arith.select %eq3A_284, %add3A_282, %scan3A_151 : vector<16xi1>, vector<16xf32>
          scf.yield %select_n3A : vector<16xf32>
        }
        %scan3A_112 = arith.constant 16 : i32
        %max3A = arith.constant 1.000000e-30 : f32
        %max3A_113 = vector.broadcast %max3A : f32 to vector<16xf32>
        %max3A_114 = arith.maximumf %scan3A_111, %max3A_113 : vector<16xf32>
        %bitcast_convert_type3A = tpu.bitcast %max3A_114 : vector<16xf32> -> vector<16xi32>
        %shift_right_arithmetic3A = arith.constant 1 : i32
        %shift_right_arithmetic3A_115 = vector.broadcast %shift_right_arithmetic3A : i32 to vector<16xi32>
        %shift_right_arithmetic3A_116 = arith.shrsi %bitcast_convert_type3A, %shift_right_arithmetic3A_115 : vector<16xi32>
        %sub3A = arith.constant 1597463007 : i32
        %sub3A_117 = vector.broadcast %sub3A : i32 to vector<16xi32>
        %sub3A_118 = arith.subi %sub3A_117, %shift_right_arithmetic3A_116 : vector<16xi32>
        %bitcast_convert_type3A_119 = tpu.bitcast %sub3A_118 : vector<16xi32> -> vector<16xf32>
        %mul3A_120 = arith.constant 5.000000e-01 : f32
        %mul3A_121 = vector.broadcast %mul3A_120 : f32 to vector<16xf32>
        %mul3A_122 = arith.mulf %mul3A_121, %max3A_114 : vector<16xf32>
        %mul3A_123 = arith.mulf %mul3A_122, %bitcast_convert_type3A_119 : vector<16xf32>
        %mul3A_124 = arith.mulf %mul3A_123, %bitcast_convert_type3A_119 : vector<16xf32>
        %sub3A_125 = arith.constant 1.500000e+00 : f32
        %sub3A_126 = vector.broadcast %sub3A_125 : f32 to vector<16xf32>
        %sub3A_127 = arith.subf %sub3A_126, %mul3A_124 : vector<16xf32>
        %mul3A_128 = arith.mulf %bitcast_convert_type3A_119, %sub3A_127 : vector<16xf32>
        %mul3A_129 = arith.mulf %mul3A_122, %mul3A_128 : vector<16xf32>
        %mul3A_130 = arith.mulf %mul3A_129, %mul3A_128 : vector<16xf32>
        %sub3A_131 = arith.constant 1.500000e+00 : f32
        %sub3A_132 = vector.broadcast %sub3A_131 : f32 to vector<16xf32>
        %sub3A_133 = arith.subf %sub3A_132, %mul3A_130 : vector<16xf32>
        %mul3A_134 = arith.mulf %mul3A_128, %sub3A_133 : vector<16xf32>
        %mul3A_135 = arith.mulf %mul3A_122, %mul3A_134 : vector<16xf32>
        %mul3A_136 = arith.mulf %mul3A_135, %mul3A_134 : vector<16xf32>
        %sub3A_137 = arith.constant 1.500000e+00 : f32
        %sub3A_138 = vector.broadcast %sub3A_137 : f32 to vector<16xf32>
        %sub3A_139 = arith.subf %sub3A_138, %mul3A_136 : vector<16xf32>
        %mul3A_140 = arith.mulf %mul3A_134, %sub3A_139 : vector<16xf32>
        %mul3A_141 = arith.mulf %max3A_114, %mul3A_140 : vector<16xf32>
        %mul3A_142 = arith.constant 0.0294627827 : f32
        %mul3A_143 = vector.broadcast %mul3A_142 : f32 to vector<16xf32>
        %mul3A_144 = arith.mulf %mul3A_141, %mul3A_143 : vector<16xf32>
        %sub3A_145 = arith.constant 1.000000e+00 : f32
        %sub3A_146 = vector.broadcast %sub3A_145 : f32 to vector<16xf32>
        %sub3A_147 = arith.subf %sub3A_146, %mul3A_144 : vector<16xf32>
        %swap3A = arith.index_cast %mul3A_83 : i32 to index
        %swap3A_148 = tpu.vector_load %arg20[%swap3A] {strides = array<i32>} : memref<10000xf32, #tpu.memory_space<vmem>>, vector<16xf32>,
        tpu.vector_store %arg20[%swap3A], %sub3A_147 {strides = array<i32>} : memref<10000xf32, #tpu.memory_space<vmem>>, vector<16xf32>,
        %scan3A_149 = arith.constant 0 : i32
        scf.yield %scan3A_149 : i32
      }
      %scan3A_79 = arith.constant 625 : i32
    } else {
    }
    %scan3A = arith.constant 0 : i32
    %scan3A_8 = arith.constant 0 : i32
    %scan3A_9 = arith.constant 11 : i32
    %scan3A_10 = arith.addi %scan3A_8, %scan3A_9 : i32
    %scan3A_11 = arith.constant 1 : i32
    %scan3A_12 = scf.for %scan3A_73 = %scan3A_8 to %scan3A_10 step %scan3A_11 iter_args(%scan3A_74 = %scan3A) -> (i32)  : i32 {
      %broadcast_in_dim3A = arith.constant 0 : i32
      %broadcast_in_dim3A_75 = vector.broadcast %broadcast_in_dim3A : i32 to vector<16xi32>
      %mul3A_76 = arith.constant 16 : i32
      %mul3A_77 = arith.muli %scan3A_73, %mul3A_76 : i32
      %swap3A = arith.index_cast %mul3A_77 : i32 to index
      %swap3A_78 = tpu.vector_load %arg23[%swap3A] {strides = array<i32>} : memref<176xi32, #tpu.memory_space<vmem>>, vector<16xi32>,
      tpu.vector_store %arg23[%swap3A], %broadcast_in_dim3A_75 {strides = array<i32>} : memref<176xi32, #tpu.memory_space<vmem>>, vector<16xi32>,
      %scan3A_79 = arith.constant 0 : i32
      scf.yield %scan3A_79 : i32
    }
    %scan3A_13 = arith.constant 11 : i32
    %scan3A_14 = arith.constant 0 : i32
    %scan3A_15 = arith.constant 0 : i32
    %scan3A_16 = arith.constant 625 : i32
    %scan3A_17 = arith.addi %scan3A_15, %scan3A_16 : i32
    %scan3A_18 = arith.constant 1 : i32
    %scan3A_19 = scf.for %scan3A_73 = %scan3A_15 to %scan3A_17 step %scan3A_18 iter_args(%scan3A_74 = %scan3A_14) -> (i32)  : i32 {
      %mul3A_75 = arith.constant 16 : i32
      %mul3A_76 = arith.muli %scan3A_73, %mul3A_75 : i32
      %get3A = arith.index_cast %mul3A_76 : i32 to index
      %get3A_77 = tpu.vector_load %arg14[%get3A] {strides = array<i32>} : memref<10000xi32, #tpu.memory_space<vmem>>, vector<16xi32>,
      %shift_right_logical3A = arith.constant 6 : i32
      %shift_right_logical3A_78 = vector.broadcast %shift_right_logical3A : i32 to vector<16xi32>
      %shift_right_logical3A_79 = arith.shrui %get3A_77, %shift_right_logical3A_78 : vector<16xi32>
      %broadcast_in_dim3A = arith.constant true
      %broadcast_in_dim3A_80 = vector.broadcast %broadcast_in_dim3A : i1 to vector<16xi1>
      %unique3A, %unique3A_81 = tpu.scan_count mask(%broadcast_in_dim3A_80 : vector<16xi1>) value(%shift_right_logical3A_79 : vector<16xi32>) : vector<16xi1>, vector<16xi32>
      %gather3A = tpu.vector_load_idx %arg23[%shift_right_logical3A_79] : memref<176xi32, #tpu.memory_space<vmem>>[vector<16xi32>], vector<16xi32>,
      %add3A_82 = arith.addi %gather3A, %unique3A_81 : vector<16xi32>
      tpu.vector_store_idx %arg23[%shift_right_logical3A_79], %add3A_82 masked %unique3A : memref<176xi32, #tpu.memory_space<vmem>>[vector<16xi32>], vector<16xi32>, vector<16xi1>
      %scan3A_83 = arith.constant 0 : i32
      scf.yield %scan3A_83 : i32
    }
    %scan3A_20 = arith.constant 625 : i32
    %scan3A_21 = arith.constant 0 : i32
    %scan3A_22 = arith.constant 0 : i32
    %scan3A_23 = arith.constant 11 : i32
    %scan3A_24 = arith.addi %scan3A_22, %scan3A_23 : i32
    %scan3A_25 = arith.constant 1 : i32
    %scan3A_26 = scf.for %scan3A_73 = %scan3A_22 to %scan3A_24 step %scan3A_25 iter_args(%scan3A_74 = %scan3A_21) -> (i32)  : i32 {
      %mul3A_75 = arith.constant 16 : i32
      %mul3A_76 = arith.muli %scan3A_73, %mul3A_75 : i32
      %get3A = arith.index_cast %mul3A_76 : i32 to index
      %get3A_77 = tpu.vector_load %arg23[%get3A] {strides = array<i32>} : memref<176xi32, #tpu.memory_space<vmem>>, vector<16xi32>,
      %add3A_78 = arith.constant 7 : i32
      %add3A_79 = vector.broadcast %add3A_78 : i32 to vector<16xi32>
      %add3A_80 = arith.addi %get3A_77, %add3A_79 : vector<16xi32>
      %and3A = arith.constant -8 : i32
      %and3A_81 = vector.broadcast %and3A : i32 to vector<16xi32>
      %and3A_82 = arith.andi %add3A_80, %and3A_81 : vector<16xi32>
      %broadcast_in_dim3A = arith.constant true
      %broadcast_in_dim3A_83 = vector.broadcast %broadcast_in_dim3A : i1 to vector<16xi1>
      %masked_cumsum3A = tpu.scan <sum>, %and3A_82 masked %broadcast_in_dim3A_83 : vector<16xi32>, vector<16xi1> -> vector<16xi32>
      %sub3A = arith.subi %masked_cumsum3A, %and3A_82 : vector<16xi32>
      %add3A_84 = vector.broadcast %scan3A_74 : i32 to vector<16xi32>
      %add3A_85 = arith.addi %sub3A, %add3A_84 : vector<16xi32>
      %mul3A_86 = arith.constant 16 : i32
      %mul3A_87 = arith.muli %scan3A_73, %mul3A_86 : i32
      %swap3A = arith.index_cast %mul3A_87 : i32 to index
      %swap3A_88 = tpu.vector_load %arg24[%swap3A] {strides = array<i32>} : memref<176xi32, #tpu.memory_space<vmem>>, vector<16xi32>,
      tpu.vector_store %arg24[%swap3A], %add3A_85 {strides = array<i32>} : memref<176xi32, #tpu.memory_space<vmem>>, vector<16xi32>,
      %mul3A_89 = arith.constant 16 : i32
      %mul3A_90 = arith.muli %scan3A_73, %mul3A_89 : i32
      %swap3A_91 = arith.index_cast %mul3A_90 : i32 to index
      %swap3A_92 = tpu.vector_load %arg23[%swap3A_91] {strides = array<i32>} : memref<176xi32, #tpu.memory_space<vmem>>, vector<16xi32>,
      tpu.vector_store %arg23[%swap3A_91], %add3A_85 {strides = array<i32>} : memref<176xi32, #tpu.memory_space<vmem>>, vector<16xi32>,
      %slice3A = vector.extract_strided_slice %masked_cumsum3A {offsets = [15], sizes = [1], strides = [1]} : vector<16xi32> to vector<1xi32>
      %squeeze3A = vector.extract %slice3A[0] : i32 from vector<1xi32>
      %add3A_93 = arith.addi %scan3A_74, %squeeze3A : i32
      scf.yield %add3A_93 : i32
    }
    %scan3A_27 = arith.constant 11 : i32
    %scan3A_28 = arith.constant 0 : i32
    %scan3A_29 = arith.constant 0 : i32
    %scan3A_30 = arith.constant 721 : i32
    %scan3A_31 = arith.addi %scan3A_29, %scan3A_30 : i32
    %scan3A_32 = arith.constant 1 : i32
    %scan3A_33 = scf.for %scan3A_73 = %scan3A_29 to %scan3A_31 step %scan3A_32 iter_args(%scan3A_74 = %scan3A_28) -> (i32)  : i32 {
      %broadcast_in_dim3A = arith.constant 640000 : i32
      %broadcast_in_dim3A_75 = vector.broadcast %broadcast_in_dim3A : i32 to vector<16xi32>
      %add3A_76 = arith.addi %broadcast_in_dim3A_75, %iota3A : vector<16xi32>
      %mul3A_77 = arith.constant 16 : i32
      %mul3A_78 = arith.muli %scan3A_73, %mul3A_77 : i32
      %swap3A = arith.index_cast %mul3A_78 : i32 to index
      %swap3A_79 = tpu.vector_load %arg21[%swap3A] {strides = array<i32>} : memref<11536xi32, #tpu.memory_space<vmem>>, vector<16xi32>,
      tpu.vector_store %arg21[%swap3A], %add3A_76 {strides = array<i32>} : memref<11536xi32, #tpu.memory_space<vmem>>, vector<16xi32>,
      %broadcast_in_dim3A_80 = arith.constant 0.000000e+00 : f32
      %broadcast_in_dim3A_81 = vector.broadcast %broadcast_in_dim3A_80 : f32 to vector<16xf32>
      %mul3A_82 = arith.constant 16 : i32
      %mul3A_83 = arith.muli %scan3A_73, %mul3A_82 : i32
      %swap3A_84 = arith.index_cast %mul3A_83 : i32 to index
      %swap3A_85 = tpu.vector_load %arg22[%swap3A_84] {strides = array<i32>} : memref<11536xf32, #tpu.memory_space<vmem>>, vector<16xf32>,
      tpu.vector_store %arg22[%swap3A_84], %broadcast_in_dim3A_81 {strides = array<i32>} : memref<11536xf32, #tpu.memory_space<vmem>>, vector<16xf32>,
      %scan3A_86 = arith.constant 0 : i32
      scf.yield %scan3A_86 : i32
    }
    %scan3A_34 = arith.constant 721 : i32
    %scan3A_35 = arith.constant 0 : i32
    %scan3A_36 = arith.constant 0 : i32
    %scan3A_37 = arith.constant 625 : i32
    %scan3A_38 = arith.addi %scan3A_36, %scan3A_37 : i32
    %scan3A_39 = arith.constant 1 : i32
    %scan3A_40 = scf.for %scan3A_73 = %scan3A_36 to %scan3A_38 step %scan3A_39 iter_args(%scan3A_74 = %scan3A_35) -> (i32)  : i32 {
      %mul3A_75 = arith.constant 16 : i32
      %mul3A_76 = arith.muli %scan3A_73, %mul3A_75 : i32
      %get3A = arith.index_cast %mul3A_76 : i32 to index
      %get3A_77 = tpu.vector_load %arg14[%get3A] {strides = array<i32>} : memref<10000xi32, #tpu.memory_space<vmem>>, vector<16xi32>,
      %get3A_78 = arith.index_cast %mul3A_76 : i32 to index
      %get3A_79 = tpu.vector_load %arg15[%get3A_78] {strides = array<i32>} : memref<10000xi32, #tpu.memory_space<vmem>>, vector<16xi32>,
      %shift_right_logical3A = arith.constant 6 : i32
      %shift_right_logical3A_80 = vector.broadcast %shift_right_logical3A : i32 to vector<16xi32>
      %shift_right_logical3A_81 = arith.shrui %get3A_77, %shift_right_logical3A_80 : vector<16xi32>
      %and3A = arith.constant 63 : i32
      %and3A_82 = vector.broadcast %and3A : i32 to vector<16xi32>
      %and3A_83 = arith.andi %get3A_77, %and3A_82 : vector<16xi32>
      %mul3A_84 = arith.constant 10000 : i32
      %mul3A_85 = vector.broadcast %mul3A_84 : i32 to vector<16xi32>
      %mul3A_86 = arith.muli %and3A_83, %mul3A_85 : vector<16xi32>
      %add3A_87 = arith.addi %mul3A_86, %get3A_79 : vector<16xi32>
      %get3A_88 = arith.index_cast %mul3A_76 : i32 to index
      %get3A_89 = tpu.vector_load %arg20[%get3A_88] {strides = array<i32>} : memref<10000xf32, #tpu.memory_space<vmem>>, vector<16xf32>,
      %broadcast_in_dim3A = arith.constant true
      %broadcast_in_dim3A_90 = vector.broadcast %broadcast_in_dim3A : i1 to vector<16xi1>
      %unique3A, %unique3A_91 = tpu.scan_count mask(%broadcast_in_dim3A_90 : vector<16xi1>) value(%shift_right_logical3A_81 : vector<16xi32>) : vector<16xi1>, vector<16xi32>
      %gather3A = tpu.vector_load_idx %arg24[%shift_right_logical3A_81] : memref<176xi32, #tpu.memory_space<vmem>>[vector<16xi32>], vector<16xi32>,
      %add3A_92 = arith.addi %gather3A, %unique3A_91 : vector<16xi32>
      %sub3A = arith.constant 1 : i32
      %sub3A_93 = vector.broadcast %sub3A : i32 to vector<16xi32>
      %sub3A_94 = arith.subi %add3A_92, %sub3A_93 : vector<16xi32>
      tpu.vector_store_idx %arg21[%sub3A_94], %add3A_87 : memref<11536xi32, #tpu.memory_space<vmem>>[vector<16xi32>], vector<16xi32>,
      tpu.vector_store_idx %arg22[%sub3A_94], %get3A_89 : memref<11536xf32, #tpu.memory_space<vmem>>[vector<16xi32>], vector<16xf32>,
      %add3A_95 = arith.addi %gather3A, %unique3A_91 : vector<16xi32>
      tpu.vector_store_idx %arg24[%shift_right_logical3A_81], %add3A_95 masked %unique3A : memref<176xi32, #tpu.memory_space<vmem>>[vector<16xi32>], vector<16xi32>, vector<16xi1>
      %scan3A_96 = arith.constant 0 : i32
      scf.yield %scan3A_96 : i32
    }
    %scan3A_41 = arith.constant 625 : i32
    %scan3A_42 = arith.constant 0 : i32
    %scan3A_43 = arith.constant 0 : i32
    %scan3A_44 = arith.constant 625 : i32
    %scan3A_45 = arith.addi %scan3A_43, %scan3A_44 : i32
    %scan3A_46 = arith.constant 1 : i32
    %scan3A_47 = scf.for %scan3A_73 = %scan3A_43 to %scan3A_45 step %scan3A_46 iter_args(%scan3A_74 = %scan3A_42) -> (i32)  : i32 {
      %broadcast_in_dim3A = arith.constant 0.000000e+00 : f32
      %broadcast_in_dim3A_75 = vector.broadcast %broadcast_in_dim3A : f32 to vector<16xf32>
      %mul3A_76 = arith.constant 16 : i32
      %mul3A_77 = arith.muli %scan3A_73, %mul3A_76 : i32
      %swap3A = arith.index_cast %mul3A_77 : i32 to index
      %swap3A_78 = tpu.vector_load %arg20[%swap3A] {strides = array<i32>} : memref<10000xf32, #tpu.memory_space<vmem>>, vector<16xf32>,
      tpu.vector_store %arg20[%swap3A], %broadcast_in_dim3A_75 {strides = array<i32>} : memref<10000xf32, #tpu.memory_space<vmem>>, vector<16xf32>,
      %scan3A_79 = arith.constant 0 : i32
      scf.yield %scan3A_79 : i32
    }
    %scan3A_48 = arith.constant 625 : i32
    %mul3A_49 = arith.constant 40008 : i32
    %mul3A_50 = arith.muli %arg1, %mul3A_49 : i32
    %multiple_of3A_51 = tpu.assume_multiple %mul3A_50, 8 : i32
    %add3A = arith.constant 0 : i32
    %add3A_52 = arith.addi %multiple_of3A_51, %add3A : i32
    %multiple_of3A_53 = tpu.assume_multiple %add3A_52, 8 : i32
    "tpu.region"() ({
      %run_scoped3A = tpu.sem_alloc : memref<!tpu.dma_semaphore, #tpu.memory_space<semaphore_mem>>
      %dma_start3A = arith.constant 0 : i32
      %dma_start3A_73 = tpu.memref_slice %arg20[%dma_start3A] : memref<10000xf32, #tpu.memory_space<vmem>> -> memref<10000xf32, #tpu.memory_space<vmem>>
      %dma_start3A_74 = tpu.memref_slice %arg13[%multiple_of3A_53] : memref<640128xf32, #tpu.memory_space<vmem_shared>> -> memref<10000xf32, #tpu.memory_space<vmem_shared>>
      %dma_start3A_75 = tpu.memref_slice %arg13[%multiple_of3A_53] : memref<640128xf32, #tpu.memory_space<vmem_shared>> -> memref<10000xf32, #tpu.memory_space<vmem_shared>>
      %dma_start3A_76 = arith.constant 0 : i32
      %dma_start3A_77 = tpu.memref_slice %arg20[%dma_start3A_76] : memref<10000xf32, #tpu.memory_space<vmem>> -> memref<10000xf32, #tpu.memory_space<vmem>>
      tpu.enqueue_dma source(%dma_start3A_77 : memref<10000xf32, #tpu.memory_space<vmem>>) target(%dma_start3A_75 : memref<10000xf32, #tpu.memory_space<vmem_shared>>) target_semaphore(%run_scoped3A : memref<!tpu.dma_semaphore, #tpu.memory_space<semaphore_mem>>)
      %dma_wait3A = arith.constant 0 : i32
      %dma_wait3A_78 = tpu.memref_slice %arg20[%dma_wait3A] : memref<10000xf32, #tpu.memory_space<vmem>> -> memref<10000xf32, #tpu.memory_space<vmem>>
      %dma_wait3A_79 = tpu.memref_slice %arg13[%multiple_of3A_53] : memref<640128xf32, #tpu.memory_space<vmem_shared>> -> memref<10000xf32, #tpu.memory_space<vmem_shared>>
      %dma_wait3A_80 = tpu.memref_slice %arg13[%multiple_of3A_53] : memref<640128xf32, #tpu.memory_space<vmem_shared>> -> memref<10000xf32, #tpu.memory_space<vmem_shared>>
      %dma_wait3A_81 = arith.constant 0 : i32
      %dma_wait3A_82 = tpu.memref_slice %arg20[%dma_wait3A_81] : memref<10000xf32, #tpu.memory_space<vmem>> -> memref<10000xf32, #tpu.memory_space<vmem>>
      tpu.wait_dma2 semaphore(%run_scoped3A : memref<!tpu.dma_semaphore, #tpu.memory_space<semaphore_mem>>) src(%dma_wait3A_82 : memref<10000xf32, #tpu.memory_space<vmem>>) dst(%dma_wait3A_80 : memref<10000xf32, #tpu.memory_space<vmem_shared>>)
      tpu.yield
    }) : () -> ()
    %add3A_54 = arith.constant 10000 : i32
    %add3A_55 = arith.addi %multiple_of3A_51, %add3A_54 : i32
    %multiple_of3A_56 = tpu.assume_multiple %add3A_55, 8 : i32
    "tpu.region"() ({
      %run_scoped3A = tpu.sem_alloc : memref<!tpu.dma_semaphore, #tpu.memory_space<semaphore_mem>>
      %dma_start3A = arith.constant 0 : i32
      %dma_start3A_73 = tpu.memref_slice %arg20[%dma_start3A] : memref<10000xf32, #tpu.memory_space<vmem>> -> memref<10000xf32, #tpu.memory_space<vmem>>
      %dma_start3A_74 = tpu.memref_slice %arg13[%multiple_of3A_56] : memref<640128xf32, #tpu.memory_space<vmem_shared>> -> memref<10000xf32, #tpu.memory_space<vmem_shared>>
      %dma_start3A_75 = tpu.memref_slice %arg13[%multiple_of3A_56] : memref<640128xf32, #tpu.memory_space<vmem_shared>> -> memref<10000xf32, #tpu.memory_space<vmem_shared>>
      %dma_start3A_76 = arith.constant 0 : i32
      %dma_start3A_77 = tpu.memref_slice %arg20[%dma_start3A_76] : memref<10000xf32, #tpu.memory_space<vmem>> -> memref<10000xf32, #tpu.memory_space<vmem>>
      tpu.enqueue_dma source(%dma_start3A_77 : memref<10000xf32, #tpu.memory_space<vmem>>) target(%dma_start3A_75 : memref<10000xf32, #tpu.memory_space<vmem_shared>>) target_semaphore(%run_scoped3A : memref<!tpu.dma_semaphore, #tpu.memory_space<semaphore_mem>>)
      %dma_wait3A = arith.constant 0 : i32
      %dma_wait3A_78 = tpu.memref_slice %arg20[%dma_wait3A] : memref<10000xf32, #tpu.memory_space<vmem>> -> memref<10000xf32, #tpu.memory_space<vmem>>
      %dma_wait3A_79 = tpu.memref_slice %arg13[%multiple_of3A_56] : memref<640128xf32, #tpu.memory_space<vmem_shared>> -> memref<10000xf32, #tpu.memory_space<vmem_shared>>
      %dma_wait3A_80 = tpu.memref_slice %arg13[%multiple_of3A_56] : memref<640128xf32, #tpu.memory_space<vmem_shared>> -> memref<10000xf32, #tpu.memory_space<vmem_shared>>
      %dma_wait3A_81 = arith.constant 0 : i32
      %dma_wait3A_82 = tpu.memref_slice %arg20[%dma_wait3A_81] : memref<10000xf32, #tpu.memory_space<vmem>> -> memref<10000xf32, #tpu.memory_space<vmem>>
      tpu.wait_dma2 semaphore(%run_scoped3A : memref<!tpu.dma_semaphore, #tpu.memory_space<semaphore_mem>>) src(%dma_wait3A_82 : memref<10000xf32, #tpu.memory_space<vmem>>) dst(%dma_wait3A_80 : memref<10000xf32, #tpu.memory_space<vmem_shared>>)
      tpu.yield
    }) : () -> ()
    %add3A_57 = arith.constant 20000 : i32
    %add3A_58 = arith.addi %multiple_of3A_51, %add3A_57 : i32
    %multiple_of3A_59 = tpu.assume_multiple %add3A_58, 8 : i32
    "tpu.region"() ({
      %run_scoped3A = tpu.sem_alloc : memref<!tpu.dma_semaphore, #tpu.memory_space<semaphore_mem>>
      %dma_start3A = arith.constant 0 : i32
      %dma_start3A_73 = tpu.memref_slice %arg20[%dma_start3A] : memref<10000xf32, #tpu.memory_space<vmem>> -> memref<10000xf32, #tpu.memory_space<vmem>>
      %dma_start3A_74 = tpu.memref_slice %arg13[%multiple_of3A_59] : memref<640128xf32, #tpu.memory_space<vmem_shared>> -> memref<10000xf32, #tpu.memory_space<vmem_shared>>
      %dma_start3A_75 = tpu.memref_slice %arg13[%multiple_of3A_59] : memref<640128xf32, #tpu.memory_space<vmem_shared>> -> memref<10000xf32, #tpu.memory_space<vmem_shared>>
      %dma_start3A_76 = arith.constant 0 : i32
      %dma_start3A_77 = tpu.memref_slice %arg20[%dma_start3A_76] : memref<10000xf32, #tpu.memory_space<vmem>> -> memref<10000xf32, #tpu.memory_space<vmem>>
      tpu.enqueue_dma source(%dma_start3A_77 : memref<10000xf32, #tpu.memory_space<vmem>>) target(%dma_start3A_75 : memref<10000xf32, #tpu.memory_space<vmem_shared>>) target_semaphore(%run_scoped3A : memref<!tpu.dma_semaphore, #tpu.memory_space<semaphore_mem>>)
      %dma_wait3A = arith.constant 0 : i32
      %dma_wait3A_78 = tpu.memref_slice %arg20[%dma_wait3A] : memref<10000xf32, #tpu.memory_space<vmem>> -> memref<10000xf32, #tpu.memory_space<vmem>>
      %dma_wait3A_79 = tpu.memref_slice %arg13[%multiple_of3A_59] : memref<640128xf32, #tpu.memory_space<vmem_shared>> -> memref<10000xf32, #tpu.memory_space<vmem_shared>>
      %dma_wait3A_80 = tpu.memref_slice %arg13[%multiple_of3A_59] : memref<640128xf32, #tpu.memory_space<vmem_shared>> -> memref<10000xf32, #tpu.memory_space<vmem_shared>>
      %dma_wait3A_81 = arith.constant 0 : i32
      %dma_wait3A_82 = tpu.memref_slice %arg20[%dma_wait3A_81] : memref<10000xf32, #tpu.memory_space<vmem>> -> memref<10000xf32, #tpu.memory_space<vmem>>
      tpu.wait_dma2 semaphore(%run_scoped3A : memref<!tpu.dma_semaphore, #tpu.memory_space<semaphore_mem>>) src(%dma_wait3A_82 : memref<10000xf32, #tpu.memory_space<vmem>>) dst(%dma_wait3A_80 : memref<10000xf32, #tpu.memory_space<vmem_shared>>)
      tpu.yield
    }) : () -> ()
    %add3A_60 = arith.constant 30000 : i32
    %add3A_61 = arith.addi %multiple_of3A_51, %add3A_60 : i32
    %multiple_of3A_62 = tpu.assume_multiple %add3A_61, 8 : i32
    "tpu.region"() ({
      %run_scoped3A = tpu.sem_alloc : memref<!tpu.dma_semaphore, #tpu.memory_space<semaphore_mem>>
      %dma_start3A = arith.constant 0 : i32
      %dma_start3A_73 = tpu.memref_slice %arg20[%dma_start3A] : memref<10000xf32, #tpu.memory_space<vmem>> -> memref<10000xf32, #tpu.memory_space<vmem>>
      %dma_start3A_74 = tpu.memref_slice %arg13[%multiple_of3A_62] : memref<640128xf32, #tpu.memory_space<vmem_shared>> -> memref<10000xf32, #tpu.memory_space<vmem_shared>>
      %dma_start3A_75 = tpu.memref_slice %arg13[%multiple_of3A_62] : memref<640128xf32, #tpu.memory_space<vmem_shared>> -> memref<10000xf32, #tpu.memory_space<vmem_shared>>
      %dma_start3A_76 = arith.constant 0 : i32
      %dma_start3A_77 = tpu.memref_slice %arg20[%dma_start3A_76] : memref<10000xf32, #tpu.memory_space<vmem>> -> memref<10000xf32, #tpu.memory_space<vmem>>
      tpu.enqueue_dma source(%dma_start3A_77 : memref<10000xf32, #tpu.memory_space<vmem>>) target(%dma_start3A_75 : memref<10000xf32, #tpu.memory_space<vmem_shared>>) target_semaphore(%run_scoped3A : memref<!tpu.dma_semaphore, #tpu.memory_space<semaphore_mem>>)
      %dma_wait3A = arith.constant 0 : i32
      %dma_wait3A_78 = tpu.memref_slice %arg20[%dma_wait3A] : memref<10000xf32, #tpu.memory_space<vmem>> -> memref<10000xf32, #tpu.memory_space<vmem>>
      %dma_wait3A_79 = tpu.memref_slice %arg13[%multiple_of3A_62] : memref<640128xf32, #tpu.memory_space<vmem_shared>> -> memref<10000xf32, #tpu.memory_space<vmem_shared>>
      %dma_wait3A_80 = tpu.memref_slice %arg13[%multiple_of3A_62] : memref<640128xf32, #tpu.memory_space<vmem_shared>> -> memref<10000xf32, #tpu.memory_space<vmem_shared>>
      %dma_wait3A_81 = arith.constant 0 : i32
      %dma_wait3A_82 = tpu.memref_slice %arg20[%dma_wait3A_81] : memref<10000xf32, #tpu.memory_space<vmem>> -> memref<10000xf32, #tpu.memory_space<vmem>>
      tpu.wait_dma2 semaphore(%run_scoped3A : memref<!tpu.dma_semaphore, #tpu.memory_space<semaphore_mem>>) src(%dma_wait3A_82 : memref<10000xf32, #tpu.memory_space<vmem>>) dst(%dma_wait3A_80 : memref<10000xf32, #tpu.memory_space<vmem_shared>>)
      tpu.yield
    }) : () -> ()
    %add3A_63 = arith.constant 40000 : i32
    %add3A_64 = arith.addi %multiple_of3A_51, %add3A_63 : i32
    %multiple_of3A_65 = tpu.assume_multiple %add3A_64, 8 : i32
    "tpu.region"() ({
      %run_scoped3A = tpu.sem_alloc : memref<!tpu.dma_semaphore, #tpu.memory_space<semaphore_mem>>
      %dma_start3A = arith.constant 0 : i32
      %dma_start3A_73 = tpu.memref_slice %arg20[%dma_start3A] : memref<10000xf32, #tpu.memory_space<vmem>> -> memref<8xf32, #tpu.memory_space<vmem>>
      %dma_start3A_74 = tpu.memref_slice %arg13[%multiple_of3A_65] : memref<640128xf32, #tpu.memory_space<vmem_shared>> -> memref<8xf32, #tpu.memory_space<vmem_shared>>
      %dma_start3A_75 = tpu.memref_slice %arg13[%multiple_of3A_65] : memref<640128xf32, #tpu.memory_space<vmem_shared>> -> memref<8xf32, #tpu.memory_space<vmem_shared>>
      %dma_start3A_76 = arith.constant 0 : i32
      %dma_start3A_77 = tpu.memref_slice %arg20[%dma_start3A_76] : memref<10000xf32, #tpu.memory_space<vmem>> -> memref<8xf32, #tpu.memory_space<vmem>>
      tpu.enqueue_dma source(%dma_start3A_77 : memref<8xf32, #tpu.memory_space<vmem>>) target(%dma_start3A_75 : memref<8xf32, #tpu.memory_space<vmem_shared>>) target_semaphore(%run_scoped3A : memref<!tpu.dma_semaphore, #tpu.memory_space<semaphore_mem>>)
      %dma_wait3A = arith.constant 0 : i32
      %dma_wait3A_78 = tpu.memref_slice %arg20[%dma_wait3A] : memref<10000xf32, #tpu.memory_space<vmem>> -> memref<8xf32, #tpu.memory_space<vmem>>
      %dma_wait3A_79 = tpu.memref_slice %arg13[%multiple_of3A_65] : memref<640128xf32, #tpu.memory_space<vmem_shared>> -> memref<8xf32, #tpu.memory_space<vmem_shared>>
      %dma_wait3A_80 = tpu.memref_slice %arg13[%multiple_of3A_65] : memref<640128xf32, #tpu.memory_space<vmem_shared>> -> memref<8xf32, #tpu.memory_space<vmem_shared>>
      %dma_wait3A_81 = arith.constant 0 : i32
      %dma_wait3A_82 = tpu.memref_slice %arg20[%dma_wait3A_81] : memref<10000xf32, #tpu.memory_space<vmem>> -> memref<8xf32, #tpu.memory_space<vmem>>
      tpu.wait_dma2 semaphore(%run_scoped3A : memref<!tpu.dma_semaphore, #tpu.memory_space<semaphore_mem>>) src(%dma_wait3A_82 : memref<8xf32, #tpu.memory_space<vmem>>) dst(%dma_wait3A_80 : memref<8xf32, #tpu.memory_space<vmem_shared>>)
      tpu.yield
    }) : () -> ()
    %barrier3A = arith.constant 0 : index
    tpu.barrier barrier_id(%barrier3A)
    %scan3A_66 = arith.constant 0 : i32
    %scan3A_67 = arith.constant 0 : i32
    %scan3A_68 = arith.constant 157 : i32
    %scan3A_69 = arith.addi %scan3A_67, %scan3A_68 : i32
    %scan3A_70 = arith.constant 1 : i32
    %scan3A_71 = scf.for %scan3A_73 = %scan3A_67 to %scan3A_69 step %scan3A_70 iter_args(%scan3A_74 = %scan3A_66) -> (i32)  : i32 {
      %get3A = arith.index_cast %scan3A_73 : i32 to index
      %get3A_75 = tpu.vector_load %arg23[%get3A] {strides = array<i32>} : memref<176xi32, #tpu.memory_space<vmem>>, vector<16xi32>,
      %slice3A = vector.extract_strided_slice %get3A_75 {offsets = [0], sizes = [1], strides = [1]} : vector<16xi32> to vector<1xi32>
      %squeeze3A = vector.extract %slice3A[0] : i32 from vector<1xi32>
      %get3A_76 = arith.index_cast %scan3A_73 : i32 to index
      %get3A_77 = tpu.vector_load %arg24[%get3A_76] {strides = array<i32>} : memref<176xi32, #tpu.memory_space<vmem>>, vector<16xi32>,
      %slice3A_78 = vector.extract_strided_slice %get3A_77 {offsets = [0], sizes = [1], strides = [1]} : vector<16xi32> to vector<1xi32>
      %squeeze3A_79 = vector.extract %slice3A_78[0] : i32 from vector<1xi32>
      %sub3A = arith.subi %squeeze3A_79, %squeeze3A : i32
      %add3A_80 = arith.constant 127 : i32
      %add3A_81 = arith.addi %sub3A, %add3A_80 : i32
      %shift_right_logical3A = arith.constant 7 : i32
      %shift_right_logical3A_82 = arith.shrui %add3A_81, %shift_right_logical3A : i32
      %while3A = arith.constant 0 : i32
      %while3A_83 = arith.constant 0 : i32
      %while3A_84 = arith.subi %shift_right_logical3A_82, %while3A : i32
      %while3A_85 = arith.addi %while3A, %while3A_84 : i32
      %while3A_86 = arith.constant 1 : i32
      %while3A_87 = arith.divsi %while3A_84, %while3A_86 : i32
      %while3A_88 = arith.muli %while3A_87, %while3A_86 : i32
      %while3A_89 = arith.addi %while3A, %while3A_88 : i32
      %while3A_90 = arith.constant 1 : i32
      %while3A_91 = scf.for %while3A_119 = %while3A to %while3A_89 step %while3A_90 iter_args(%while3A_120 = %while3A_83) -> (i32)  : i32 {
        %mul3A_121 = arith.constant 128 : i32
        %mul3A_122 = arith.muli %while3A_119, %mul3A_121 : i32
        %add3A_123 = arith.addi %squeeze3A, %mul3A_122 : i32
        %multiple_of3A_124 = tpu.assume_multiple %add3A_123, 8 : i32
        %mul3A_125 = arith.constant 128 : i32
        %mul3A_126 = arith.muli %while3A_119, %mul3A_125 : i32
        %sub3A_127 = arith.subi %sub3A, %mul3A_126 : i32
        %add3A_128 = arith.constant 640000 : i32
        %add3A_129 = vector.broadcast %add3A_128 : i32 to vector<16xi32>
        %add3A_130 = arith.addi %add3A_129, %iota3A : vector<16xi32>
        %add3A_131 = arith.constant 0 : i32
        %add3A_132 = vector.broadcast %add3A_131 : i32 to vector<16xi32>
        %add3A_133 = arith.addi %iota3A, %add3A_132 : vector<16xi32>
        %ge3A = vector.broadcast %sub3A_127 : i32 to vector<16xi32>
        %ge3A_134 = arith.cmpi sge, %add3A_133, %ge3A : vector<16xi32>
        %add3A_135 = arith.constant 0 : i32
        %add3A_136 = arith.addi %multiple_of3A_124, %add3A_135 : i32
        %get3A_137 = arith.index_cast %add3A_136 : i32 to index
        %get3A_138 = tpu.vector_load %arg21[%get3A_137] {strides = array<i32>} : memref<11536xi32, #tpu.memory_space<vmem>>, vector<16xi32>,
        %add3A_139 = arith.constant 0 : i32
        %add3A_140 = arith.addi %multiple_of3A_124, %add3A_139 : i32
        %get3A_141 = arith.index_cast %add3A_140 : i32 to index
        %get3A_142 = tpu.vector_load %arg22[%get3A_141] {strides = array<i32>} : memref<11536xf32, #tpu.memory_space<vmem>>, vector<16xf32>,
        %select_n3A = arith.select %ge3A_134, %add3A_130, %get3A_138 : vector<16xi1>, vector<16xi32>
        %swap3A = arith.constant 0 : i32
        %swap3A_143 = arith.index_cast %swap3A : i32 to index
        %swap3A_144 = arith.constant 0 : index
        %swap3A_145 = tpu.vector_load %arg25[%swap3A_143, %swap3A_144] {strides = array<i32>} : memref<1x128xi32, #tpu.memory_space<vmem>>, vector<16xi32>,
        tpu.vector_store %arg25[%swap3A_143, %swap3A_144], %select_n3A {strides = array<i32>} : memref<1x128xi32, #tpu.memory_space<vmem>>, vector<16xi32>,
        %jit3A = arith.constant 0.000000e+00 : f32
        %broadcast_in_dim3A = vector.broadcast %jit3A : f32 to vector<16xf32>
        %select_n3A_146 = arith.select %ge3A_134, %broadcast_in_dim3A, %get3A_142 : vector<16xi1>, vector<16xf32>
        %swap3A_147 = arith.constant 0 : index
        %swap3A_148 = tpu.vector_load %arg26[%swap3A_147] {strides = array<i32>} : memref<128xf32, #tpu.memory_space<vmem>>, vector<16xf32>,
        tpu.vector_store %arg26[%swap3A_147], %select_n3A_146 {strides = array<i32>} : memref<128xf32, #tpu.memory_space<vmem>>, vector<16xf32>,
        %add3A_149 = arith.constant 16 : i32
        %add3A_150 = vector.broadcast %add3A_149 : i32 to vector<16xi32>
        %add3A_151 = arith.addi %iota3A, %add3A_150 : vector<16xi32>
        %ge3A_152 = vector.broadcast %sub3A_127 : i32 to vector<16xi32>
        %ge3A_153 = arith.cmpi sge, %add3A_151, %ge3A_152 : vector<16xi32>
        %add3A_154 = arith.constant 16 : i32
        %add3A_155 = arith.addi %multiple_of3A_124, %add3A_154 : i32
        %get3A_156 = arith.index_cast %add3A_155 : i32 to index
        %get3A_157 = tpu.vector_load %arg21[%get3A_156] {strides = array<i32>} : memref<11536xi32, #tpu.memory_space<vmem>>, vector<16xi32>,
        %add3A_158 = arith.constant 16 : i32
        %add3A_159 = arith.addi %multiple_of3A_124, %add3A_158 : i32
        %get3A_160 = arith.index_cast %add3A_159 : i32 to index
        %get3A_161 = tpu.vector_load %arg22[%get3A_160] {strides = array<i32>} : memref<11536xf32, #tpu.memory_space<vmem>>, vector<16xf32>,
        %select_n3A_162 = arith.select %ge3A_153, %add3A_130, %get3A_157 : vector<16xi1>, vector<16xi32>
        %swap3A_163 = arith.constant 0 : i32
        %swap3A_164 = arith.index_cast %swap3A_163 : i32 to index
        %swap3A_165 = arith.constant 16 : index
        %swap3A_166 = tpu.vector_load %arg25[%swap3A_164, %swap3A_165] {strides = array<i32>} : memref<1x128xi32, #tpu.memory_space<vmem>>, vector<16xi32>,
        tpu.vector_store %arg25[%swap3A_164, %swap3A_165], %select_n3A_162 {strides = array<i32>} : memref<1x128xi32, #tpu.memory_space<vmem>>, vector<16xi32>,
        %jit3A_167 = arith.constant 0.000000e+00 : f32
        %broadcast_in_dim3A_168 = vector.broadcast %jit3A_167 : f32 to vector<16xf32>
        %select_n3A_169 = arith.select %ge3A_153, %broadcast_in_dim3A_168, %get3A_161 : vector<16xi1>, vector<16xf32>
        %swap3A_170 = arith.constant 16 : index
        %swap3A_171 = tpu.vector_load %arg26[%swap3A_170] {strides = array<i32>} : memref<128xf32, #tpu.memory_space<vmem>>, vector<16xf32>,
        tpu.vector_store %arg26[%swap3A_170], %select_n3A_169 {strides = array<i32>} : memref<128xf32, #tpu.memory_space<vmem>>, vector<16xf32>,
        %add3A_172 = arith.constant 32 : i32
        %add3A_173 = vector.broadcast %add3A_172 : i32 to vector<16xi32>
        %add3A_174 = arith.addi %iota3A, %add3A_173 : vector<16xi32>
        %ge3A_175 = vector.broadcast %sub3A_127 : i32 to vector<16xi32>
        %ge3A_176 = arith.cmpi sge, %add3A_174, %ge3A_175 : vector<16xi32>
        %add3A_177 = arith.constant 32 : i32
        %add3A_178 = arith.addi %multiple_of3A_124, %add3A_177 : i32
        %get3A_179 = arith.index_cast %add3A_178 : i32 to index
        %get3A_180 = tpu.vector_load %arg21[%get3A_179] {strides = array<i32>} : memref<11536xi32, #tpu.memory_space<vmem>>, vector<16xi32>,
        %add3A_181 = arith.constant 32 : i32
        %add3A_182 = arith.addi %multiple_of3A_124, %add3A_181 : i32
        %get3A_183 = arith.index_cast %add3A_182 : i32 to index
        %get3A_184 = tpu.vector_load %arg22[%get3A_183] {strides = array<i32>} : memref<11536xf32, #tpu.memory_space<vmem>>, vector<16xf32>,
        %select_n3A_185 = arith.select %ge3A_176, %add3A_130, %get3A_180 : vector<16xi1>, vector<16xi32>
        %swap3A_186 = arith.constant 0 : i32
        %swap3A_187 = arith.index_cast %swap3A_186 : i32 to index
        %swap3A_188 = arith.constant 32 : index
        %swap3A_189 = tpu.vector_load %arg25[%swap3A_187, %swap3A_188] {strides = array<i32>} : memref<1x128xi32, #tpu.memory_space<vmem>>, vector<16xi32>,
        tpu.vector_store %arg25[%swap3A_187, %swap3A_188], %select_n3A_185 {strides = array<i32>} : memref<1x128xi32, #tpu.memory_space<vmem>>, vector<16xi32>,
        %jit3A_190 = arith.constant 0.000000e+00 : f32
        %broadcast_in_dim3A_191 = vector.broadcast %jit3A_190 : f32 to vector<16xf32>
        %select_n3A_192 = arith.select %ge3A_176, %broadcast_in_dim3A_191, %get3A_184 : vector<16xi1>, vector<16xf32>
        %swap3A_193 = arith.constant 32 : index
        %swap3A_194 = tpu.vector_load %arg26[%swap3A_193] {strides = array<i32>} : memref<128xf32, #tpu.memory_space<vmem>>, vector<16xf32>,
        tpu.vector_store %arg26[%swap3A_193], %select_n3A_192 {strides = array<i32>} : memref<128xf32, #tpu.memory_space<vmem>>, vector<16xf32>,
        %add3A_195 = arith.constant 48 : i32
        %add3A_196 = vector.broadcast %add3A_195 : i32 to vector<16xi32>
        %add3A_197 = arith.addi %iota3A, %add3A_196 : vector<16xi32>
        %ge3A_198 = vector.broadcast %sub3A_127 : i32 to vector<16xi32>
        %ge3A_199 = arith.cmpi sge, %add3A_197, %ge3A_198 : vector<16xi32>
        %add3A_200 = arith.constant 48 : i32
        %add3A_201 = arith.addi %multiple_of3A_124, %add3A_200 : i32
        %get3A_202 = arith.index_cast %add3A_201 : i32 to index
        %get3A_203 = tpu.vector_load %arg21[%get3A_202] {strides = array<i32>} : memref<11536xi32, #tpu.memory_space<vmem>>, vector<16xi32>,
        %add3A_204 = arith.constant 48 : i32
        %add3A_205 = arith.addi %multiple_of3A_124, %add3A_204 : i32
        %get3A_206 = arith.index_cast %add3A_205 : i32 to index
        %get3A_207 = tpu.vector_load %arg22[%get3A_206] {strides = array<i32>} : memref<11536xf32, #tpu.memory_space<vmem>>, vector<16xf32>,
        %select_n3A_208 = arith.select %ge3A_199, %add3A_130, %get3A_203 : vector<16xi1>, vector<16xi32>
        %swap3A_209 = arith.constant 0 : i32
        %swap3A_210 = arith.index_cast %swap3A_209 : i32 to index
        %swap3A_211 = arith.constant 48 : index
        %swap3A_212 = tpu.vector_load %arg25[%swap3A_210, %swap3A_211] {strides = array<i32>} : memref<1x128xi32, #tpu.memory_space<vmem>>, vector<16xi32>,
        tpu.vector_store %arg25[%swap3A_210, %swap3A_211], %select_n3A_208 {strides = array<i32>} : memref<1x128xi32, #tpu.memory_space<vmem>>, vector<16xi32>,
        %jit3A_213 = arith.constant 0.000000e+00 : f32
        %broadcast_in_dim3A_214 = vector.broadcast %jit3A_213 : f32 to vector<16xf32>
        %select_n3A_215 = arith.select %ge3A_199, %broadcast_in_dim3A_214, %get3A_207 : vector<16xi1>, vector<16xf32>
        %swap3A_216 = arith.constant 48 : index
        %swap3A_217 = tpu.vector_load %arg26[%swap3A_216] {strides = array<i32>} : memref<128xf32, #tpu.memory_space<vmem>>, vector<16xf32>,
        tpu.vector_store %arg26[%swap3A_216], %select_n3A_215 {strides = array<i32>} : memref<128xf32, #tpu.memory_space<vmem>>, vector<16xf32>,
        %add3A_218 = arith.constant 64 : i32
        %add3A_219 = vector.broadcast %add3A_218 : i32 to vector<16xi32>
        %add3A_220 = arith.addi %iota3A, %add3A_219 : vector<16xi32>
        %ge3A_221 = vector.broadcast %sub3A_127 : i32 to vector<16xi32>
        %ge3A_222 = arith.cmpi sge, %add3A_220, %ge3A_221 : vector<16xi32>
        %add3A_223 = arith.constant 64 : i32
        %add3A_224 = arith.addi %multiple_of3A_124, %add3A_223 : i32
        %get3A_225 = arith.index_cast %add3A_224 : i32 to index
        %get3A_226 = tpu.vector_load %arg21[%get3A_225] {strides = array<i32>} : memref<11536xi32, #tpu.memory_space<vmem>>, vector<16xi32>,
        %add3A_227 = arith.constant 64 : i32
        %add3A_228 = arith.addi %multiple_of3A_124, %add3A_227 : i32
        %get3A_229 = arith.index_cast %add3A_228 : i32 to index
        %get3A_230 = tpu.vector_load %arg22[%get3A_229] {strides = array<i32>} : memref<11536xf32, #tpu.memory_space<vmem>>, vector<16xf32>,
        %select_n3A_231 = arith.select %ge3A_222, %add3A_130, %get3A_226 : vector<16xi1>, vector<16xi32>
        %swap3A_232 = arith.constant 0 : i32
        %swap3A_233 = arith.index_cast %swap3A_232 : i32 to index
        %swap3A_234 = arith.constant 64 : index
        %swap3A_235 = tpu.vector_load %arg25[%swap3A_233, %swap3A_234] {strides = array<i32>} : memref<1x128xi32, #tpu.memory_space<vmem>>, vector<16xi32>,
        tpu.vector_store %arg25[%swap3A_233, %swap3A_234], %select_n3A_231 {strides = array<i32>} : memref<1x128xi32, #tpu.memory_space<vmem>>, vector<16xi32>,
        %jit3A_236 = arith.constant 0.000000e+00 : f32
        %broadcast_in_dim3A_237 = vector.broadcast %jit3A_236 : f32 to vector<16xf32>
        %select_n3A_238 = arith.select %ge3A_222, %broadcast_in_dim3A_237, %get3A_230 : vector<16xi1>, vector<16xf32>
        %swap3A_239 = arith.constant 64 : index
        %swap3A_240 = tpu.vector_load %arg26[%swap3A_239] {strides = array<i32>} : memref<128xf32, #tpu.memory_space<vmem>>, vector<16xf32>,
        tpu.vector_store %arg26[%swap3A_239], %select_n3A_238 {strides = array<i32>} : memref<128xf32, #tpu.memory_space<vmem>>, vector<16xf32>,
        %add3A_241 = arith.constant 80 : i32
        %add3A_242 = vector.broadcast %add3A_241 : i32 to vector<16xi32>
        %add3A_243 = arith.addi %iota3A, %add3A_242 : vector<16xi32>
        %ge3A_244 = vector.broadcast %sub3A_127 : i32 to vector<16xi32>
        %ge3A_245 = arith.cmpi sge, %add3A_243, %ge3A_244 : vector<16xi32>
        %add3A_246 = arith.constant 80 : i32
        %add3A_247 = arith.addi %multiple_of3A_124, %add3A_246 : i32
        %get3A_248 = arith.index_cast %add3A_247 : i32 to index
        %get3A_249 = tpu.vector_load %arg21[%get3A_248] {strides = array<i32>} : memref<11536xi32, #tpu.memory_space<vmem>>, vector<16xi32>,
        %add3A_250 = arith.constant 80 : i32
        %add3A_251 = arith.addi %multiple_of3A_124, %add3A_250 : i32
        %get3A_252 = arith.index_cast %add3A_251 : i32 to index
        %get3A_253 = tpu.vector_load %arg22[%get3A_252] {strides = array<i32>} : memref<11536xf32, #tpu.memory_space<vmem>>, vector<16xf32>,
        %select_n3A_254 = arith.select %ge3A_245, %add3A_130, %get3A_249 : vector<16xi1>, vector<16xi32>
        %swap3A_255 = arith.constant 0 : i32
        %swap3A_256 = arith.index_cast %swap3A_255 : i32 to index
        %swap3A_257 = arith.constant 80 : index
        %swap3A_258 = tpu.vector_load %arg25[%swap3A_256, %swap3A_257] {strides = array<i32>} : memref<1x128xi32, #tpu.memory_space<vmem>>, vector<16xi32>,
        tpu.vector_store %arg25[%swap3A_256, %swap3A_257], %select_n3A_254 {strides = array<i32>} : memref<1x128xi32, #tpu.memory_space<vmem>>, vector<16xi32>,
        %jit3A_259 = arith.constant 0.000000e+00 : f32
        %broadcast_in_dim3A_260 = vector.broadcast %jit3A_259 : f32 to vector<16xf32>
        %select_n3A_261 = arith.select %ge3A_245, %broadcast_in_dim3A_260, %get3A_253 : vector<16xi1>, vector<16xf32>
        %swap3A_262 = arith.constant 80 : index
        %swap3A_263 = tpu.vector_load %arg26[%swap3A_262] {strides = array<i32>} : memref<128xf32, #tpu.memory_space<vmem>>, vector<16xf32>,
        tpu.vector_store %arg26[%swap3A_262], %select_n3A_261 {strides = array<i32>} : memref<128xf32, #tpu.memory_space<vmem>>, vector<16xf32>,
        %add3A_264 = arith.constant 96 : i32
        %add3A_265 = vector.broadcast %add3A_264 : i32 to vector<16xi32>
        %add3A_266 = arith.addi %iota3A, %add3A_265 : vector<16xi32>
        %ge3A_267 = vector.broadcast %sub3A_127 : i32 to vector<16xi32>
        %ge3A_268 = arith.cmpi sge, %add3A_266, %ge3A_267 : vector<16xi32>
        %add3A_269 = arith.constant 96 : i32
        %add3A_270 = arith.addi %multiple_of3A_124, %add3A_269 : i32
        %get3A_271 = arith.index_cast %add3A_270 : i32 to index
        %get3A_272 = tpu.vector_load %arg21[%get3A_271] {strides = array<i32>} : memref<11536xi32, #tpu.memory_space<vmem>>, vector<16xi32>,
        %add3A_273 = arith.constant 96 : i32
        %add3A_274 = arith.addi %multiple_of3A_124, %add3A_273 : i32
        %get3A_275 = arith.index_cast %add3A_274 : i32 to index
        %get3A_276 = tpu.vector_load %arg22[%get3A_275] {strides = array<i32>} : memref<11536xf32, #tpu.memory_space<vmem>>, vector<16xf32>,
        %select_n3A_277 = arith.select %ge3A_268, %add3A_130, %get3A_272 : vector<16xi1>, vector<16xi32>
        %swap3A_278 = arith.constant 0 : i32
        %swap3A_279 = arith.index_cast %swap3A_278 : i32 to index
        %swap3A_280 = arith.constant 96 : index
        %swap3A_281 = tpu.vector_load %arg25[%swap3A_279, %swap3A_280] {strides = array<i32>} : memref<1x128xi32, #tpu.memory_space<vmem>>, vector<16xi32>,
        tpu.vector_store %arg25[%swap3A_279, %swap3A_280], %select_n3A_277 {strides = array<i32>} : memref<1x128xi32, #tpu.memory_space<vmem>>, vector<16xi32>,
        %jit3A_282 = arith.constant 0.000000e+00 : f32
        %broadcast_in_dim3A_283 = vector.broadcast %jit3A_282 : f32 to vector<16xf32>
        %select_n3A_284 = arith.select %ge3A_268, %broadcast_in_dim3A_283, %get3A_276 : vector<16xi1>, vector<16xf32>
        %swap3A_285 = arith.constant 96 : index
        %swap3A_286 = tpu.vector_load %arg26[%swap3A_285] {strides = array<i32>} : memref<128xf32, #tpu.memory_space<vmem>>, vector<16xf32>,
        tpu.vector_store %arg26[%swap3A_285], %select_n3A_284 {strides = array<i32>} : memref<128xf32, #tpu.memory_space<vmem>>, vector<16xf32>,
        %add3A_287 = arith.constant 112 : i32
        %add3A_288 = vector.broadcast %add3A_287 : i32 to vector<16xi32>
        %add3A_289 = arith.addi %iota3A, %add3A_288 : vector<16xi32>
        %ge3A_290 = vector.broadcast %sub3A_127 : i32 to vector<16xi32>
        %ge3A_291 = arith.cmpi sge, %add3A_289, %ge3A_290 : vector<16xi32>
        %add3A_292 = arith.constant 112 : i32
        %add3A_293 = arith.addi %multiple_of3A_124, %add3A_292 : i32
        %get3A_294 = arith.index_cast %add3A_293 : i32 to index
        %get3A_295 = tpu.vector_load %arg21[%get3A_294] {strides = array<i32>} : memref<11536xi32, #tpu.memory_space<vmem>>, vector<16xi32>,
        %add3A_296 = arith.constant 112 : i32
        %add3A_297 = arith.addi %multiple_of3A_124, %add3A_296 : i32
        %get3A_298 = arith.index_cast %add3A_297 : i32 to index
        %get3A_299 = tpu.vector_load %arg22[%get3A_298] {strides = array<i32>} : memref<11536xf32, #tpu.memory_space<vmem>>, vector<16xf32>,
        %select_n3A_300 = arith.select %ge3A_291, %add3A_130, %get3A_295 : vector<16xi1>, vector<16xi32>
        %swap3A_301 = arith.constant 0 : i32
        %swap3A_302 = arith.index_cast %swap3A_301 : i32 to index
        %swap3A_303 = arith.constant 112 : index
        %swap3A_304 = tpu.vector_load %arg25[%swap3A_302, %swap3A_303] {strides = array<i32>} : memref<1x128xi32, #tpu.memory_space<vmem>>, vector<16xi32>,
        tpu.vector_store %arg25[%swap3A_302, %swap3A_303], %select_n3A_300 {strides = array<i32>} : memref<1x128xi32, #tpu.memory_space<vmem>>, vector<16xi32>,
        %jit3A_305 = arith.constant 0.000000e+00 : f32
        %broadcast_in_dim3A_306 = vector.broadcast %jit3A_305 : f32 to vector<16xf32>
        %select_n3A_307 = arith.select %ge3A_291, %broadcast_in_dim3A_306, %get3A_299 : vector<16xi1>, vector<16xf32>
        %swap3A_308 = arith.constant 112 : index
        %swap3A_309 = tpu.vector_load %arg26[%swap3A_308] {strides = array<i32>} : memref<128xf32, #tpu.memory_space<vmem>>, vector<16xf32>,
        tpu.vector_store %arg26[%swap3A_308], %select_n3A_307 {strides = array<i32>} : memref<128xf32, #tpu.memory_space<vmem>>, vector<16xf32>,
        %run_scoped3A = arith.constant 0 : i32
        "tpu.region"() ({
          %run_scoped3A_311 = tpu.sem_alloc : memref<!tpu.dma_semaphore, #tpu.memory_space<semaphore_mem>>
          %dma_start3A = arith.constant 0 : i32
          %dma_start3A_312 = tpu.memref_slice %arg25[%run_scoped3A, %dma_start3A] : memref<1x128xi32, #tpu.memory_space<vmem>> -> memref<1x128xi32, #tpu.memory_space<vmem>>
          %dma_start3A_313 = tpu.memref_squeeze %dma_start3A_312 : memref<1x128xi32, #tpu.memory_space<vmem>> -> memref<128xi32, #tpu.memory_space<vmem>>
          %dma_start3A_314 = arith.constant 0 : i32
          %dma_start3A_315 = tpu.memref_slice %arg13[%dma_start3A_314] : memref<640128xf32, #tpu.memory_space<vmem_shared>> -> memref<640128xf32, #tpu.memory_space<vmem_shared>>
          tpu.enqueue_indirect_dma source(%arg26 : memref<128xf32, #tpu.memory_space<vmem>>) target(%dma_start3A_315 : memref<640128xf32, #tpu.memory_space<vmem_shared>>) offsets(%dma_start3A_313 : memref<128xi32, #tpu.memory_space<vmem>>) semaphore(%run_scoped3A_311 : memref<!tpu.dma_semaphore, #tpu.memory_space<semaphore_mem>>) {add = true}
          %dma_wait3A = arith.constant 0 : i32
          %dma_wait3A_316 = tpu.memref_slice %arg25[%run_scoped3A, %dma_wait3A] : memref<1x128xi32, #tpu.memory_space<vmem>> -> memref<1x128xi32, #tpu.memory_space<vmem>>
          %dma_wait3A_317 = tpu.memref_squeeze %dma_wait3A_316 : memref<1x128xi32, #tpu.memory_space<vmem>> -> memref<128xi32, #tpu.memory_space<vmem>>
          %dma_wait3A_318 = arith.constant 0 : i32
          %dma_wait3A_319 = tpu.memref_slice %arg13[%dma_wait3A_318] : memref<640128xf32, #tpu.memory_space<vmem_shared>> -> memref<640128xf32, #tpu.memory_space<vmem_shared>>
          tpu.wait_indirect_dma semaphore(%run_scoped3A_311 : memref<!tpu.dma_semaphore, #tpu.memory_space<semaphore_mem>>) src(%arg26 : memref<128xf32, #tpu.memory_space<vmem>>) dst(%dma_wait3A_319 : memref<640128xf32, #tpu.memory_space<vmem_shared>>)
          tpu.yield
        }) : () -> ()
        %while3A_310 = arith.constant 0 : i32
        scf.yield %while3A_310 : i32
      }
      %while3A_92 = arith.constant 1 : i32
      %while3A_93 = scf.for %while3A_119 = %while3A_89 to %while3A_85 step %while3A_92 iter_args(%while3A_120 = %while3A_91) -> (i32)  : i32 {
        %mul3A_121 = arith.constant 128 : i32
        %mul3A_122 = arith.muli %while3A_119, %mul3A_121 : i32
        %add3A_123 = arith.addi %squeeze3A, %mul3A_122 : i32
        %multiple_of3A_124 = tpu.assume_multiple %add3A_123, 8 : i32
        %mul3A_125 = arith.constant 128 : i32
        %mul3A_126 = arith.muli %while3A_119, %mul3A_125 : i32
        %sub3A_127 = arith.subi %sub3A, %mul3A_126 : i32
        %add3A_128 = arith.constant 640000 : i32
        %add3A_129 = vector.broadcast %add3A_128 : i32 to vector<16xi32>
        %add3A_130 = arith.addi %add3A_129, %iota3A : vector<16xi32>
        %add3A_131 = arith.constant 0 : i32
        %add3A_132 = vector.broadcast %add3A_131 : i32 to vector<16xi32>
        %add3A_133 = arith.addi %iota3A, %add3A_132 : vector<16xi32>
        %ge3A = vector.broadcast %sub3A_127 : i32 to vector<16xi32>
        %ge3A_134 = arith.cmpi sge, %add3A_133, %ge3A : vector<16xi32>
        %add3A_135 = arith.constant 0 : i32
        %add3A_136 = arith.addi %multiple_of3A_124, %add3A_135 : i32
        %get3A_137 = arith.index_cast %add3A_136 : i32 to index
        %get3A_138 = tpu.vector_load %arg21[%get3A_137] {strides = array<i32>} : memref<11536xi32, #tpu.memory_space<vmem>>, vector<16xi32>,
        %add3A_139 = arith.constant 0 : i32
        %add3A_140 = arith.addi %multiple_of3A_124, %add3A_139 : i32
        %get3A_141 = arith.index_cast %add3A_140 : i32 to index
        %get3A_142 = tpu.vector_load %arg22[%get3A_141] {strides = array<i32>} : memref<11536xf32, #tpu.memory_space<vmem>>, vector<16xf32>,
        %select_n3A = arith.select %ge3A_134, %add3A_130, %get3A_138 : vector<16xi1>, vector<16xi32>
        %swap3A = arith.constant 0 : i32
        %swap3A_143 = arith.index_cast %swap3A : i32 to index
        %swap3A_144 = arith.constant 0 : index
        %swap3A_145 = tpu.vector_load %arg25[%swap3A_143, %swap3A_144] {strides = array<i32>} : memref<1x128xi32, #tpu.memory_space<vmem>>, vector<16xi32>,
        tpu.vector_store %arg25[%swap3A_143, %swap3A_144], %select_n3A {strides = array<i32>} : memref<1x128xi32, #tpu.memory_space<vmem>>, vector<16xi32>,
        %jit3A = arith.constant 0.000000e+00 : f32
        %broadcast_in_dim3A = vector.broadcast %jit3A : f32 to vector<16xf32>
        %select_n3A_146 = arith.select %ge3A_134, %broadcast_in_dim3A, %get3A_142 : vector<16xi1>, vector<16xf32>
        %swap3A_147 = arith.constant 0 : index
        %swap3A_148 = tpu.vector_load %arg26[%swap3A_147] {strides = array<i32>} : memref<128xf32, #tpu.memory_space<vmem>>, vector<16xf32>,
        tpu.vector_store %arg26[%swap3A_147], %select_n3A_146 {strides = array<i32>} : memref<128xf32, #tpu.memory_space<vmem>>, vector<16xf32>,
        %add3A_149 = arith.constant 16 : i32
        %add3A_150 = vector.broadcast %add3A_149 : i32 to vector<16xi32>
        %add3A_151 = arith.addi %iota3A, %add3A_150 : vector<16xi32>
        %ge3A_152 = vector.broadcast %sub3A_127 : i32 to vector<16xi32>
        %ge3A_153 = arith.cmpi sge, %add3A_151, %ge3A_152 : vector<16xi32>
        %add3A_154 = arith.constant 16 : i32
        %add3A_155 = arith.addi %multiple_of3A_124, %add3A_154 : i32
        %get3A_156 = arith.index_cast %add3A_155 : i32 to index
        %get3A_157 = tpu.vector_load %arg21[%get3A_156] {strides = array<i32>} : memref<11536xi32, #tpu.memory_space<vmem>>, vector<16xi32>,
        %add3A_158 = arith.constant 16 : i32
        %add3A_159 = arith.addi %multiple_of3A_124, %add3A_158 : i32
        %get3A_160 = arith.index_cast %add3A_159 : i32 to index
        %get3A_161 = tpu.vector_load %arg22[%get3A_160] {strides = array<i32>} : memref<11536xf32, #tpu.memory_space<vmem>>, vector<16xf32>,
        %select_n3A_162 = arith.select %ge3A_153, %add3A_130, %get3A_157 : vector<16xi1>, vector<16xi32>
        %swap3A_163 = arith.constant 0 : i32
        %swap3A_164 = arith.index_cast %swap3A_163 : i32 to index
        %swap3A_165 = arith.constant 16 : index
        %swap3A_166 = tpu.vector_load %arg25[%swap3A_164, %swap3A_165] {strides = array<i32>} : memref<1x128xi32, #tpu.memory_space<vmem>>, vector<16xi32>,
        tpu.vector_store %arg25[%swap3A_164, %swap3A_165], %select_n3A_162 {strides = array<i32>} : memref<1x128xi32, #tpu.memory_space<vmem>>, vector<16xi32>,
        %jit3A_167 = arith.constant 0.000000e+00 : f32
        %broadcast_in_dim3A_168 = vector.broadcast %jit3A_167 : f32 to vector<16xf32>
        %select_n3A_169 = arith.select %ge3A_153, %broadcast_in_dim3A_168, %get3A_161 : vector<16xi1>, vector<16xf32>
        %swap3A_170 = arith.constant 16 : index
        %swap3A_171 = tpu.vector_load %arg26[%swap3A_170] {strides = array<i32>} : memref<128xf32, #tpu.memory_space<vmem>>, vector<16xf32>,
        tpu.vector_store %arg26[%swap3A_170], %select_n3A_169 {strides = array<i32>} : memref<128xf32, #tpu.memory_space<vmem>>, vector<16xf32>,
        %add3A_172 = arith.constant 32 : i32
        %add3A_173 = vector.broadcast %add3A_172 : i32 to vector<16xi32>
        %add3A_174 = arith.addi %iota3A, %add3A_173 : vector<16xi32>
        %ge3A_175 = vector.broadcast %sub3A_127 : i32 to vector<16xi32>
        %ge3A_176 = arith.cmpi sge, %add3A_174, %ge3A_175 : vector<16xi32>
        %add3A_177 = arith.constant 32 : i32
        %add3A_178 = arith.addi %multiple_of3A_124, %add3A_177 : i32
        %get3A_179 = arith.index_cast %add3A_178 : i32 to index
        %get3A_180 = tpu.vector_load %arg21[%get3A_179] {strides = array<i32>} : memref<11536xi32, #tpu.memory_space<vmem>>, vector<16xi32>,
        %add3A_181 = arith.constant 32 : i32
        %add3A_182 = arith.addi %multiple_of3A_124, %add3A_181 : i32
        %get3A_183 = arith.index_cast %add3A_182 : i32 to index
        %get3A_184 = tpu.vector_load %arg22[%get3A_183] {strides = array<i32>} : memref<11536xf32, #tpu.memory_space<vmem>>, vector<16xf32>,
        %select_n3A_185 = arith.select %ge3A_176, %add3A_130, %get3A_180 : vector<16xi1>, vector<16xi32>
        %swap3A_186 = arith.constant 0 : i32
        %swap3A_187 = arith.index_cast %swap3A_186 : i32 to index
        %swap3A_188 = arith.constant 32 : index
        %swap3A_189 = tpu.vector_load %arg25[%swap3A_187, %swap3A_188] {strides = array<i32>} : memref<1x128xi32, #tpu.memory_space<vmem>>, vector<16xi32>,
        tpu.vector_store %arg25[%swap3A_187, %swap3A_188], %select_n3A_185 {strides = array<i32>} : memref<1x128xi32, #tpu.memory_space<vmem>>, vector<16xi32>,
        %jit3A_190 = arith.constant 0.000000e+00 : f32
        %broadcast_in_dim3A_191 = vector.broadcast %jit3A_190 : f32 to vector<16xf32>
        %select_n3A_192 = arith.select %ge3A_176, %broadcast_in_dim3A_191, %get3A_184 : vector<16xi1>, vector<16xf32>
        %swap3A_193 = arith.constant 32 : index
        %swap3A_194 = tpu.vector_load %arg26[%swap3A_193] {strides = array<i32>} : memref<128xf32, #tpu.memory_space<vmem>>, vector<16xf32>,
        tpu.vector_store %arg26[%swap3A_193], %select_n3A_192 {strides = array<i32>} : memref<128xf32, #tpu.memory_space<vmem>>, vector<16xf32>,
        %add3A_195 = arith.constant 48 : i32
        %add3A_196 = vector.broadcast %add3A_195 : i32 to vector<16xi32>
        %add3A_197 = arith.addi %iota3A, %add3A_196 : vector<16xi32>
        %ge3A_198 = vector.broadcast %sub3A_127 : i32 to vector<16xi32>
        %ge3A_199 = arith.cmpi sge, %add3A_197, %ge3A_198 : vector<16xi32>
        %add3A_200 = arith.constant 48 : i32
        %add3A_201 = arith.addi %multiple_of3A_124, %add3A_200 : i32
        %get3A_202 = arith.index_cast %add3A_201 : i32 to index
        %get3A_203 = tpu.vector_load %arg21[%get3A_202] {strides = array<i32>} : memref<11536xi32, #tpu.memory_space<vmem>>, vector<16xi32>,
        %add3A_204 = arith.constant 48 : i32
        %add3A_205 = arith.addi %multiple_of3A_124, %add3A_204 : i32
        %get3A_206 = arith.index_cast %add3A_205 : i32 to index
        %get3A_207 = tpu.vector_load %arg22[%get3A_206] {strides = array<i32>} : memref<11536xf32, #tpu.memory_space<vmem>>, vector<16xf32>,
        %select_n3A_208 = arith.select %ge3A_199, %add3A_130, %get3A_203 : vector<16xi1>, vector<16xi32>
        %swap3A_209 = arith.constant 0 : i32
        %swap3A_210 = arith.index_cast %swap3A_209 : i32 to index
        %swap3A_211 = arith.constant 48 : index
        %swap3A_212 = tpu.vector_load %arg25[%swap3A_210, %swap3A_211] {strides = array<i32>} : memref<1x128xi32, #tpu.memory_space<vmem>>, vector<16xi32>,
        tpu.vector_store %arg25[%swap3A_210, %swap3A_211], %select_n3A_208 {strides = array<i32>} : memref<1x128xi32, #tpu.memory_space<vmem>>, vector<16xi32>,
        %jit3A_213 = arith.constant 0.000000e+00 : f32
        %broadcast_in_dim3A_214 = vector.broadcast %jit3A_213 : f32 to vector<16xf32>
        %select_n3A_215 = arith.select %ge3A_199, %broadcast_in_dim3A_214, %get3A_207 : vector<16xi1>, vector<16xf32>
        %swap3A_216 = arith.constant 48 : index
        %swap3A_217 = tpu.vector_load %arg26[%swap3A_216] {strides = array<i32>} : memref<128xf32, #tpu.memory_space<vmem>>, vector<16xf32>,
        tpu.vector_store %arg26[%swap3A_216], %select_n3A_215 {strides = array<i32>} : memref<128xf32, #tpu.memory_space<vmem>>, vector<16xf32>,
        %add3A_218 = arith.constant 64 : i32
        %add3A_219 = vector.broadcast %add3A_218 : i32 to vector<16xi32>
        %add3A_220 = arith.addi %iota3A, %add3A_219 : vector<16xi32>
        %ge3A_221 = vector.broadcast %sub3A_127 : i32 to vector<16xi32>
        %ge3A_222 = arith.cmpi sge, %add3A_220, %ge3A_221 : vector<16xi32>
        %add3A_223 = arith.constant 64 : i32
        %add3A_224 = arith.addi %multiple_of3A_124, %add3A_223 : i32
        %get3A_225 = arith.index_cast %add3A_224 : i32 to index
        %get3A_226 = tpu.vector_load %arg21[%get3A_225] {strides = array<i32>} : memref<11536xi32, #tpu.memory_space<vmem>>, vector<16xi32>,
        %add3A_227 = arith.constant 64 : i32
        %add3A_228 = arith.addi %multiple_of3A_124, %add3A_227 : i32
        %get3A_229 = arith.index_cast %add3A_228 : i32 to index
        %get3A_230 = tpu.vector_load %arg22[%get3A_229] {strides = array<i32>} : memref<11536xf32, #tpu.memory_space<vmem>>, vector<16xf32>,
        %select_n3A_231 = arith.select %ge3A_222, %add3A_130, %get3A_226 : vector<16xi1>, vector<16xi32>
        %swap3A_232 = arith.constant 0 : i32
        %swap3A_233 = arith.index_cast %swap3A_232 : i32 to index
        %swap3A_234 = arith.constant 64 : index
        %swap3A_235 = tpu.vector_load %arg25[%swap3A_233, %swap3A_234] {strides = array<i32>} : memref<1x128xi32, #tpu.memory_space<vmem>>, vector<16xi32>,
        tpu.vector_store %arg25[%swap3A_233, %swap3A_234], %select_n3A_231 {strides = array<i32>} : memref<1x128xi32, #tpu.memory_space<vmem>>, vector<16xi32>,
        %jit3A_236 = arith.constant 0.000000e+00 : f32
        %broadcast_in_dim3A_237 = vector.broadcast %jit3A_236 : f32 to vector<16xf32>
        %select_n3A_238 = arith.select %ge3A_222, %broadcast_in_dim3A_237, %get3A_230 : vector<16xi1>, vector<16xf32>
        %swap3A_239 = arith.constant 64 : index
        %swap3A_240 = tpu.vector_load %arg26[%swap3A_239] {strides = array<i32>} : memref<128xf32, #tpu.memory_space<vmem>>, vector<16xf32>,
        tpu.vector_store %arg26[%swap3A_239], %select_n3A_238 {strides = array<i32>} : memref<128xf32, #tpu.memory_space<vmem>>, vector<16xf32>,
        %add3A_241 = arith.constant 80 : i32
        %add3A_242 = vector.broadcast %add3A_241 : i32 to vector<16xi32>
        %add3A_243 = arith.addi %iota3A, %add3A_242 : vector<16xi32>
        %ge3A_244 = vector.broadcast %sub3A_127 : i32 to vector<16xi32>
        %ge3A_245 = arith.cmpi sge, %add3A_243, %ge3A_244 : vector<16xi32>
        %add3A_246 = arith.constant 80 : i32
        %add3A_247 = arith.addi %multiple_of3A_124, %add3A_246 : i32
        %get3A_248 = arith.index_cast %add3A_247 : i32 to index
        %get3A_249 = tpu.vector_load %arg21[%get3A_248] {strides = array<i32>} : memref<11536xi32, #tpu.memory_space<vmem>>, vector<16xi32>,
        %add3A_250 = arith.constant 80 : i32
        %add3A_251 = arith.addi %multiple_of3A_124, %add3A_250 : i32
        %get3A_252 = arith.index_cast %add3A_251 : i32 to index
        %get3A_253 = tpu.vector_load %arg22[%get3A_252] {strides = array<i32>} : memref<11536xf32, #tpu.memory_space<vmem>>, vector<16xf32>,
        %select_n3A_254 = arith.select %ge3A_245, %add3A_130, %get3A_249 : vector<16xi1>, vector<16xi32>
        %swap3A_255 = arith.constant 0 : i32
        %swap3A_256 = arith.index_cast %swap3A_255 : i32 to index
        %swap3A_257 = arith.constant 80 : index
        %swap3A_258 = tpu.vector_load %arg25[%swap3A_256, %swap3A_257] {strides = array<i32>} : memref<1x128xi32, #tpu.memory_space<vmem>>, vector<16xi32>,
        tpu.vector_store %arg25[%swap3A_256, %swap3A_257], %select_n3A_254 {strides = array<i32>} : memref<1x128xi32, #tpu.memory_space<vmem>>, vector<16xi32>,
        %jit3A_259 = arith.constant 0.000000e+00 : f32
        %broadcast_in_dim3A_260 = vector.broadcast %jit3A_259 : f32 to vector<16xf32>
        %select_n3A_261 = arith.select %ge3A_245, %broadcast_in_dim3A_260, %get3A_253 : vector<16xi1>, vector<16xf32>
        %swap3A_262 = arith.constant 80 : index
        %swap3A_263 = tpu.vector_load %arg26[%swap3A_262] {strides = array<i32>} : memref<128xf32, #tpu.memory_space<vmem>>, vector<16xf32>,
        tpu.vector_store %arg26[%swap3A_262], %select_n3A_261 {strides = array<i32>} : memref<128xf32, #tpu.memory_space<vmem>>, vector<16xf32>,
        %add3A_264 = arith.constant 96 : i32
        %add3A_265 = vector.broadcast %add3A_264 : i32 to vector<16xi32>
        %add3A_266 = arith.addi %iota3A, %add3A_265 : vector<16xi32>
        %ge3A_267 = vector.broadcast %sub3A_127 : i32 to vector<16xi32>
        %ge3A_268 = arith.cmpi sge, %add3A_266, %ge3A_267 : vector<16xi32>
        %add3A_269 = arith.constant 96 : i32
        %add3A_270 = arith.addi %multiple_of3A_124, %add3A_269 : i32
        %get3A_271 = arith.index_cast %add3A_270 : i32 to index
        %get3A_272 = tpu.vector_load %arg21[%get3A_271] {strides = array<i32>} : memref<11536xi32, #tpu.memory_space<vmem>>, vector<16xi32>,
        %add3A_273 = arith.constant 96 : i32
        %add3A_274 = arith.addi %multiple_of3A_124, %add3A_273 : i32
        %get3A_275 = arith.index_cast %add3A_274 : i32 to index
        %get3A_276 = tpu.vector_load %arg22[%get3A_275] {strides = array<i32>} : memref<11536xf32, #tpu.memory_space<vmem>>, vector<16xf32>,
        %select_n3A_277 = arith.select %ge3A_268, %add3A_130, %get3A_272 : vector<16xi1>, vector<16xi32>
        %swap3A_278 = arith.constant 0 : i32
        %swap3A_279 = arith.index_cast %swap3A_278 : i32 to index
        %swap3A_280 = arith.constant 96 : index
        %swap3A_281 = tpu.vector_load %arg25[%swap3A_279, %swap3A_280] {strides = array<i32>} : memref<1x128xi32, #tpu.memory_space<vmem>>, vector<16xi32>,
        tpu.vector_store %arg25[%swap3A_279, %swap3A_280], %select_n3A_277 {strides = array<i32>} : memref<1x128xi32, #tpu.memory_space<vmem>>, vector<16xi32>,
        %jit3A_282 = arith.constant 0.000000e+00 : f32
        %broadcast_in_dim3A_283 = vector.broadcast %jit3A_282 : f32 to vector<16xf32>
        %select_n3A_284 = arith.select %ge3A_268, %broadcast_in_dim3A_283, %get3A_276 : vector<16xi1>, vector<16xf32>
        %swap3A_285 = arith.constant 96 : index
        %swap3A_286 = tpu.vector_load %arg26[%swap3A_285] {strides = array<i32>} : memref<128xf32, #tpu.memory_space<vmem>>, vector<16xf32>,
        tpu.vector_store %arg26[%swap3A_285], %select_n3A_284 {strides = array<i32>} : memref<128xf32, #tpu.memory_space<vmem>>, vector<16xf32>,
        %add3A_287 = arith.constant 112 : i32
        %add3A_288 = vector.broadcast %add3A_287 : i32 to vector<16xi32>
        %add3A_289 = arith.addi %iota3A, %add3A_288 : vector<16xi32>
        %ge3A_290 = vector.broadcast %sub3A_127 : i32 to vector<16xi32>
        %ge3A_291 = arith.cmpi sge, %add3A_289, %ge3A_290 : vector<16xi32>
        %add3A_292 = arith.constant 112 : i32
        %add3A_293 = arith.addi %multiple_of3A_124, %add3A_292 : i32
        %get3A_294 = arith.index_cast %add3A_293 : i32 to index
        %get3A_295 = tpu.vector_load %arg21[%get3A_294] {strides = array<i32>} : memref<11536xi32, #tpu.memory_space<vmem>>, vector<16xi32>,
        %add3A_296 = arith.constant 112 : i32
        %add3A_297 = arith.addi %multiple_of3A_124, %add3A_296 : i32
        %get3A_298 = arith.index_cast %add3A_297 : i32 to index
        %get3A_299 = tpu.vector_load %arg22[%get3A_298] {strides = array<i32>} : memref<11536xf32, #tpu.memory_space<vmem>>, vector<16xf32>,
        %select_n3A_300 = arith.select %ge3A_291, %add3A_130, %get3A_295 : vector<16xi1>, vector<16xi32>
        %swap3A_301 = arith.constant 0 : i32
        %swap3A_302 = arith.index_cast %swap3A_301 : i32 to index
        %swap3A_303 = arith.constant 112 : index
        %swap3A_304 = tpu.vector_load %arg25[%swap3A_302, %swap3A_303] {strides = array<i32>} : memref<1x128xi32, #tpu.memory_space<vmem>>, vector<16xi32>,
        tpu.vector_store %arg25[%swap3A_302, %swap3A_303], %select_n3A_300 {strides = array<i32>} : memref<1x128xi32, #tpu.memory_space<vmem>>, vector<16xi32>,
        %jit3A_305 = arith.constant 0.000000e+00 : f32
        %broadcast_in_dim3A_306 = vector.broadcast %jit3A_305 : f32 to vector<16xf32>
        %select_n3A_307 = arith.select %ge3A_291, %broadcast_in_dim3A_306, %get3A_299 : vector<16xi1>, vector<16xf32>
        %swap3A_308 = arith.constant 112 : index
        %swap3A_309 = tpu.vector_load %arg26[%swap3A_308] {strides = array<i32>} : memref<128xf32, #tpu.memory_space<vmem>>, vector<16xf32>,
        tpu.vector_store %arg26[%swap3A_308], %select_n3A_307 {strides = array<i32>} : memref<128xf32, #tpu.memory_space<vmem>>, vector<16xf32>,
        %run_scoped3A = arith.constant 0 : i32
        "tpu.region"() ({
          %run_scoped3A_311 = tpu.sem_alloc : memref<!tpu.dma_semaphore, #tpu.memory_space<semaphore_mem>>
          %dma_start3A = arith.constant 0 : i32
          %dma_start3A_312 = tpu.memref_slice %arg25[%run_scoped3A, %dma_start3A] : memref<1x128xi32, #tpu.memory_space<vmem>> -> memref<1x128xi32, #tpu.memory_space<vmem>>
          %dma_start3A_313 = tpu.memref_squeeze %dma_start3A_312 : memref<1x128xi32, #tpu.memory_space<vmem>> -> memref<128xi32, #tpu.memory_space<vmem>>
          %dma_start3A_314 = arith.constant 0 : i32
          %dma_start3A_315 = tpu.memref_slice %arg13[%dma_start3A_314] : memref<640128xf32, #tpu.memory_space<vmem_shared>> -> memref<640128xf32, #tpu.memory_space<vmem_shared>>
          tpu.enqueue_indirect_dma source(%arg26 : memref<128xf32, #tpu.memory_space<vmem>>) target(%dma_start3A_315 : memref<640128xf32, #tpu.memory_space<vmem_shared>>) offsets(%dma_start3A_313 : memref<128xi32, #tpu.memory_space<vmem>>) semaphore(%run_scoped3A_311 : memref<!tpu.dma_semaphore, #tpu.memory_space<semaphore_mem>>) {add = true}
          %dma_wait3A = arith.constant 0 : i32
          %dma_wait3A_316 = tpu.memref_slice %arg25[%run_scoped3A, %dma_wait3A] : memref<1x128xi32, #tpu.memory_space<vmem>> -> memref<1x128xi32, #tpu.memory_space<vmem>>
          %dma_wait3A_317 = tpu.memref_squeeze %dma_wait3A_316 : memref<1x128xi32, #tpu.memory_space<vmem>> -> memref<128xi32, #tpu.memory_space<vmem>>
          %dma_wait3A_318 = arith.constant 0 : i32
          %dma_wait3A_319 = tpu.memref_slice %arg13[%dma_wait3A_318] : memref<640128xf32, #tpu.memory_space<vmem_shared>> -> memref<640128xf32, #tpu.memory_space<vmem_shared>>
          tpu.wait_indirect_dma semaphore(%run_scoped3A_311 : memref<!tpu.dma_semaphore, #tpu.memory_space<semaphore_mem>>) src(%arg26 : memref<128xf32, #tpu.memory_space<vmem>>) dst(%dma_wait3A_319 : memref<640128xf32, #tpu.memory_space<vmem_shared>>)
          tpu.yield
        }) : () -> ()
        %while3A_310 = arith.constant 0 : i32
        scf.yield %while3A_310 : i32
      }
      %barrier3A_94 = arith.constant 0 : index
      tpu.barrier barrier_id(%barrier3A_94)
      %lt3A = arith.constant 156 : i32
      %lt3A_95 = arith.cmpi slt, %scan3A_73, %lt3A : i32
      %convert_element_type3A_96 = arith.extui %lt3A_95 : i1 to i32
      %cond3A_97 = arith.constant 0 : i32
      %cond3A_98 = arith.cmpi ne, %convert_element_type3A_96, %cond3A_97 : i32
      scf.if %cond3A_98 {
        %mul3A_119 = arith.constant 40000 : i32
        %mul3A_120 = arith.muli %arg1, %mul3A_119 : i32
        %multiple_of3A_121 = tpu.assume_multiple %mul3A_120, 8 : i32
        %mul3A_122 = arith.constant 100000000 : i32
        %mul3A_123 = arith.muli %arg0, %mul3A_122 : i32
        %mul3A_124 = arith.constant 640000 : i32
        %mul3A_125 = arith.muli %scan3A_73, %mul3A_124 : i32
        %add3A_126 = arith.addi %mul3A_123, %mul3A_125 : i32
        %mul3A_127 = arith.constant 40000 : i32
        %mul3A_128 = arith.muli %arg1, %mul3A_127 : i32
        %add3A_129 = arith.addi %add3A_126, %mul3A_128 : i32
        %multiple_of3A_130 = tpu.assume_multiple %add3A_129, 8 : i32
        %dma_start3A = arith.constant 0 : i32
        %dma_start3A_131 = tpu.memref_slice %arg27[%dma_start3A] : memref<10000xf32, #tpu.memory_space<vmem>> -> memref<5000xf32, #tpu.memory_space<vmem>>
        %dma_start3A_132 = tpu.memref_slice %arg13[%multiple_of3A_121] : memref<640128xf32, #tpu.memory_space<vmem_shared>> -> memref<5000xf32, #tpu.memory_space<vmem_shared>>
        %dma_start3A_133 = arith.constant 0 : i32
        %dma_start3A_134 = tpu.memref_slice %arg27[%dma_start3A_133] : memref<10000xf32, #tpu.memory_space<vmem>> -> memref<5000xf32, #tpu.memory_space<vmem>>
        %dma_start3A_135 = tpu.memref_slice %arg13[%multiple_of3A_121] : memref<640128xf32, #tpu.memory_space<vmem_shared>> -> memref<5000xf32, #tpu.memory_space<vmem_shared>>
        tpu.enqueue_dma source(%dma_start3A_135 : memref<5000xf32, #tpu.memory_space<vmem_shared>>) target(%dma_start3A_134 : memref<5000xf32, #tpu.memory_space<vmem>>) target_semaphore(%arg31 : memref<!tpu.dma_semaphore, #tpu.memory_space<semaphore_mem>>)
        %dma_wait3A = arith.constant 0 : i32
        %dma_wait3A_136 = tpu.memref_slice %arg27[%dma_wait3A] : memref<10000xf32, #tpu.memory_space<vmem>> -> memref<5000xf32, #tpu.memory_space<vmem>>
        %dma_wait3A_137 = tpu.memref_slice %arg13[%multiple_of3A_121] : memref<640128xf32, #tpu.memory_space<vmem_shared>> -> memref<5000xf32, #tpu.memory_space<vmem_shared>>
        %dma_wait3A_138 = arith.constant 0 : i32
        %dma_wait3A_139 = tpu.memref_slice %arg27[%dma_wait3A_138] : memref<10000xf32, #tpu.memory_space<vmem>> -> memref<5000xf32, #tpu.memory_space<vmem>>
        %dma_wait3A_140 = tpu.memref_slice %arg13[%multiple_of3A_121] : memref<640128xf32, #tpu.memory_space<vmem_shared>> -> memref<5000xf32, #tpu.memory_space<vmem_shared>>
        tpu.wait_dma2 semaphore(%arg31 : memref<!tpu.dma_semaphore, #tpu.memory_space<semaphore_mem>>) src(%dma_wait3A_140 : memref<5000xf32, #tpu.memory_space<vmem_shared>>) dst(%dma_wait3A_139 : memref<5000xf32, #tpu.memory_space<vmem>>)
        %add3A_141 = arith.constant 5000 : i32
        %add3A_142 = arith.addi %multiple_of3A_121, %add3A_141 : i32
        %multiple_of3A_143 = tpu.assume_multiple %add3A_142, 8 : i32
        %dma_start3A_144 = arith.constant 5000 : i32
        %dma_start3A_145 = tpu.memref_slice %arg27[%dma_start3A_144] : memref<10000xf32, #tpu.memory_space<vmem>> -> memref<5000xf32, #tpu.memory_space<vmem>>
        %dma_start3A_146 = tpu.memref_slice %arg13[%multiple_of3A_143] : memref<640128xf32, #tpu.memory_space<vmem_shared>> -> memref<5000xf32, #tpu.memory_space<vmem_shared>>
        %dma_start3A_147 = arith.constant 5000 : i32
        %dma_start3A_148 = tpu.memref_slice %arg27[%dma_start3A_147] : memref<10000xf32, #tpu.memory_space<vmem>> -> memref<5000xf32, #tpu.memory_space<vmem>>
        %dma_start3A_149 = tpu.memref_slice %arg13[%multiple_of3A_143] : memref<640128xf32, #tpu.memory_space<vmem_shared>> -> memref<5000xf32, #tpu.memory_space<vmem_shared>>
        tpu.enqueue_dma source(%dma_start3A_149 : memref<5000xf32, #tpu.memory_space<vmem_shared>>) target(%dma_start3A_148 : memref<5000xf32, #tpu.memory_space<vmem>>) target_semaphore(%arg31 : memref<!tpu.dma_semaphore, #tpu.memory_space<semaphore_mem>>)
        %add3A_150 = arith.constant 0 : i32
        %add3A_151 = arith.addi %multiple_of3A_130, %add3A_150 : i32
        %multiple_of3A_152 = tpu.assume_multiple %add3A_151, 8 : i32
        "tpu.region"() ({
          %run_scoped3A = tpu.sem_alloc : memref<!tpu.dma_semaphore, #tpu.memory_space<semaphore_mem>>
          %dma_start3A_270 = arith.constant 0 : i32
          %dma_start3A_271 = tpu.memref_slice %arg27[%dma_start3A_270] : memref<10000xf32, #tpu.memory_space<vmem>> -> memref<5000xf32, #tpu.memory_space<vmem>>
          %dma_start3A_272 = tpu.memref_slice %arg12[%multiple_of3A_152] : memref<200000000xf32, #tpu.memory_space<hbm>> -> memref<5000xf32, #tpu.memory_space<hbm>>
          %dma_start3A_273 = tpu.memref_slice %arg12[%multiple_of3A_152] : memref<200000000xf32, #tpu.memory_space<hbm>> -> memref<5000xf32, #tpu.memory_space<hbm>>
          %dma_start3A_274 = arith.constant 0 : i32
          %dma_start3A_275 = tpu.memref_slice %arg27[%dma_start3A_274] : memref<10000xf32, #tpu.memory_space<vmem>> -> memref<5000xf32, #tpu.memory_space<vmem>>
          tpu.enqueue_dma source(%dma_start3A_275 : memref<5000xf32, #tpu.memory_space<vmem>>) target(%dma_start3A_273 : memref<5000xf32, #tpu.memory_space<hbm>>) target_semaphore(%run_scoped3A : memref<!tpu.dma_semaphore, #tpu.memory_space<semaphore_mem>>)
          %dma_wait3A_276 = arith.constant 0 : i32
          %dma_wait3A_277 = tpu.memref_slice %arg27[%dma_wait3A_276] : memref<10000xf32, #tpu.memory_space<vmem>> -> memref<5000xf32, #tpu.memory_space<vmem>>
          %dma_wait3A_278 = tpu.memref_slice %arg12[%multiple_of3A_152] : memref<200000000xf32, #tpu.memory_space<hbm>> -> memref<5000xf32, #tpu.memory_space<hbm>>
          %dma_wait3A_279 = tpu.memref_slice %arg12[%multiple_of3A_152] : memref<200000000xf32, #tpu.memory_space<hbm>> -> memref<5000xf32, #tpu.memory_space<hbm>>
          %dma_wait3A_280 = arith.constant 0 : i32
          %dma_wait3A_281 = tpu.memref_slice %arg27[%dma_wait3A_280] : memref<10000xf32, #tpu.memory_space<vmem>> -> memref<5000xf32, #tpu.memory_space<vmem>>
          tpu.wait_dma2 semaphore(%run_scoped3A : memref<!tpu.dma_semaphore, #tpu.memory_space<semaphore_mem>>) src(%dma_wait3A_281 : memref<5000xf32, #tpu.memory_space<vmem>>) dst(%dma_wait3A_279 : memref<5000xf32, #tpu.memory_space<hbm>>)
          tpu.yield
        }) : () -> ()
        %dma_wait3A_153 = arith.constant 5000 : i32
        %dma_wait3A_154 = tpu.memref_slice %arg27[%dma_wait3A_153] : memref<10000xf32, #tpu.memory_space<vmem>> -> memref<5000xf32, #tpu.memory_space<vmem>>
        %dma_wait3A_155 = tpu.memref_slice %arg13[%multiple_of3A_143] : memref<640128xf32, #tpu.memory_space<vmem_shared>> -> memref<5000xf32, #tpu.memory_space<vmem_shared>>
        %dma_wait3A_156 = arith.constant 5000 : i32
        %dma_wait3A_157 = tpu.memref_slice %arg27[%dma_wait3A_156] : memref<10000xf32, #tpu.memory_space<vmem>> -> memref<5000xf32, #tpu.memory_space<vmem>>
        %dma_wait3A_158 = tpu.memref_slice %arg13[%multiple_of3A_143] : memref<640128xf32, #tpu.memory_space<vmem_shared>> -> memref<5000xf32, #tpu.memory_space<vmem_shared>>
        tpu.wait_dma2 semaphore(%arg31 : memref<!tpu.dma_semaphore, #tpu.memory_space<semaphore_mem>>) src(%dma_wait3A_158 : memref<5000xf32, #tpu.memory_space<vmem_shared>>) dst(%dma_wait3A_157 : memref<5000xf32, #tpu.memory_space<vmem>>)
        %add3A_159 = arith.constant 10000 : i32
        %add3A_160 = arith.addi %multiple_of3A_121, %add3A_159 : i32
        %multiple_of3A_161 = tpu.assume_multiple %add3A_160, 8 : i32
        %dma_start3A_162 = arith.constant 0 : i32
        %dma_start3A_163 = tpu.memref_slice %arg27[%dma_start3A_162] : memref<10000xf32, #tpu.memory_space<vmem>> -> memref<5000xf32, #tpu.memory_space<vmem>>
        %dma_start3A_164 = tpu.memref_slice %arg13[%multiple_of3A_161] : memref<640128xf32, #tpu.memory_space<vmem_shared>> -> memref<5000xf32, #tpu.memory_space<vmem_shared>>
        %dma_start3A_165 = arith.constant 0 : i32
        %dma_start3A_166 = tpu.memref_slice %arg27[%dma_start3A_165] : memref<10000xf32, #tpu.memory_space<vmem>> -> memref<5000xf32, #tpu.memory_space<vmem>>
        %dma_start3A_167 = tpu.memref_slice %arg13[%multiple_of3A_161] : memref<640128xf32, #tpu.memory_space<vmem_shared>> -> memref<5000xf32, #tpu.memory_space<vmem_shared>>
        tpu.enqueue_dma source(%dma_start3A_167 : memref<5000xf32, #tpu.memory_space<vmem_shared>>) target(%dma_start3A_166 : memref<5000xf32, #tpu.memory_space<vmem>>) target_semaphore(%arg31 : memref<!tpu.dma_semaphore, #tpu.memory_space<semaphore_mem>>)
        %add3A_168 = arith.constant 5000 : i32
        %add3A_169 = arith.addi %multiple_of3A_130, %add3A_168 : i32
        %multiple_of3A_170 = tpu.assume_multiple %add3A_169, 8 : i32
        "tpu.region"() ({
          %run_scoped3A = tpu.sem_alloc : memref<!tpu.dma_semaphore, #tpu.memory_space<semaphore_mem>>
          %dma_start3A_270 = arith.constant 5000 : i32
          %dma_start3A_271 = tpu.memref_slice %arg27[%dma_start3A_270] : memref<10000xf32, #tpu.memory_space<vmem>> -> memref<5000xf32, #tpu.memory_space<vmem>>
          %dma_start3A_272 = tpu.memref_slice %arg12[%multiple_of3A_170] : memref<200000000xf32, #tpu.memory_space<hbm>> -> memref<5000xf32, #tpu.memory_space<hbm>>
          %dma_start3A_273 = tpu.memref_slice %arg12[%multiple_of3A_170] : memref<200000000xf32, #tpu.memory_space<hbm>> -> memref<5000xf32, #tpu.memory_space<hbm>>
          %dma_start3A_274 = arith.constant 5000 : i32
          %dma_start3A_275 = tpu.memref_slice %arg27[%dma_start3A_274] : memref<10000xf32, #tpu.memory_space<vmem>> -> memref<5000xf32, #tpu.memory_space<vmem>>
          tpu.enqueue_dma source(%dma_start3A_275 : memref<5000xf32, #tpu.memory_space<vmem>>) target(%dma_start3A_273 : memref<5000xf32, #tpu.memory_space<hbm>>) target_semaphore(%run_scoped3A : memref<!tpu.dma_semaphore, #tpu.memory_space<semaphore_mem>>)
          %dma_wait3A_276 = arith.constant 5000 : i32
          %dma_wait3A_277 = tpu.memref_slice %arg27[%dma_wait3A_276] : memref<10000xf32, #tpu.memory_space<vmem>> -> memref<5000xf32, #tpu.memory_space<vmem>>
          %dma_wait3A_278 = tpu.memref_slice %arg12[%multiple_of3A_170] : memref<200000000xf32, #tpu.memory_space<hbm>> -> memref<5000xf32, #tpu.memory_space<hbm>>
          %dma_wait3A_279 = tpu.memref_slice %arg12[%multiple_of3A_170] : memref<200000000xf32, #tpu.memory_space<hbm>> -> memref<5000xf32, #tpu.memory_space<hbm>>
          %dma_wait3A_280 = arith.constant 5000 : i32
          %dma_wait3A_281 = tpu.memref_slice %arg27[%dma_wait3A_280] : memref<10000xf32, #tpu.memory_space<vmem>> -> memref<5000xf32, #tpu.memory_space<vmem>>
          tpu.wait_dma2 semaphore(%run_scoped3A : memref<!tpu.dma_semaphore, #tpu.memory_space<semaphore_mem>>) src(%dma_wait3A_281 : memref<5000xf32, #tpu.memory_space<vmem>>) dst(%dma_wait3A_279 : memref<5000xf32, #tpu.memory_space<hbm>>)
          tpu.yield
        }) : () -> ()
        %dma_wait3A_171 = arith.constant 0 : i32
        %dma_wait3A_172 = tpu.memref_slice %arg27[%dma_wait3A_171] : memref<10000xf32, #tpu.memory_space<vmem>> -> memref<5000xf32, #tpu.memory_space<vmem>>
        %dma_wait3A_173 = tpu.memref_slice %arg13[%multiple_of3A_161] : memref<640128xf32, #tpu.memory_space<vmem_shared>> -> memref<5000xf32, #tpu.memory_space<vmem_shared>>
        %dma_wait3A_174 = arith.constant 0 : i32
        %dma_wait3A_175 = tpu.memref_slice %arg27[%dma_wait3A_174] : memref<10000xf32, #tpu.memory_space<vmem>> -> memref<5000xf32, #tpu.memory_space<vmem>>
        %dma_wait3A_176 = tpu.memref_slice %arg13[%multiple_of3A_161] : memref<640128xf32, #tpu.memory_space<vmem_shared>> -> memref<5000xf32, #tpu.memory_space<vmem_shared>>
        tpu.wait_dma2 semaphore(%arg31 : memref<!tpu.dma_semaphore, #tpu.memory_space<semaphore_mem>>) src(%dma_wait3A_176 : memref<5000xf32, #tpu.memory_space<vmem_shared>>) dst(%dma_wait3A_175 : memref<5000xf32, #tpu.memory_space<vmem>>)
        %add3A_177 = arith.constant 15000 : i32
        %add3A_178 = arith.addi %multiple_of3A_121, %add3A_177 : i32
        %multiple_of3A_179 = tpu.assume_multiple %add3A_178, 8 : i32
        %dma_start3A_180 = arith.constant 5000 : i32
        %dma_start3A_181 = tpu.memref_slice %arg27[%dma_start3A_180] : memref<10000xf32, #tpu.memory_space<vmem>> -> memref<5000xf32, #tpu.memory_space<vmem>>
        %dma_start3A_182 = tpu.memref_slice %arg13[%multiple_of3A_179] : memref<640128xf32, #tpu.memory_space<vmem_shared>> -> memref<5000xf32, #tpu.memory_space<vmem_shared>>
        %dma_start3A_183 = arith.constant 5000 : i32
        %dma_start3A_184 = tpu.memref_slice %arg27[%dma_start3A_183] : memref<10000xf32, #tpu.memory_space<vmem>> -> memref<5000xf32, #tpu.memory_space<vmem>>
        %dma_start3A_185 = tpu.memref_slice %arg13[%multiple_of3A_179] : memref<640128xf32, #tpu.memory_space<vmem_shared>> -> memref<5000xf32, #tpu.memory_space<vmem_shared>>
        tpu.enqueue_dma source(%dma_start3A_185 : memref<5000xf32, #tpu.memory_space<vmem_shared>>) target(%dma_start3A_184 : memref<5000xf32, #tpu.memory_space<vmem>>) target_semaphore(%arg31 : memref<!tpu.dma_semaphore, #tpu.memory_space<semaphore_mem>>)
        %add3A_186 = arith.constant 10000 : i32
        %add3A_187 = arith.addi %multiple_of3A_130, %add3A_186 : i32
        %multiple_of3A_188 = tpu.assume_multiple %add3A_187, 8 : i32
        "tpu.region"() ({
          %run_scoped3A = tpu.sem_alloc : memref<!tpu.dma_semaphore, #tpu.memory_space<semaphore_mem>>
          %dma_start3A_270 = arith.constant 0 : i32
          %dma_start3A_271 = tpu.memref_slice %arg27[%dma_start3A_270] : memref<10000xf32, #tpu.memory_space<vmem>> -> memref<5000xf32, #tpu.memory_space<vmem>>
          %dma_start3A_272 = tpu.memref_slice %arg12[%multiple_of3A_188] : memref<200000000xf32, #tpu.memory_space<hbm>> -> memref<5000xf32, #tpu.memory_space<hbm>>
          %dma_start3A_273 = tpu.memref_slice %arg12[%multiple_of3A_188] : memref<200000000xf32, #tpu.memory_space<hbm>> -> memref<5000xf32, #tpu.memory_space<hbm>>
          %dma_start3A_274 = arith.constant 0 : i32
          %dma_start3A_275 = tpu.memref_slice %arg27[%dma_start3A_274] : memref<10000xf32, #tpu.memory_space<vmem>> -> memref<5000xf32, #tpu.memory_space<vmem>>
          tpu.enqueue_dma source(%dma_start3A_275 : memref<5000xf32, #tpu.memory_space<vmem>>) target(%dma_start3A_273 : memref<5000xf32, #tpu.memory_space<hbm>>) target_semaphore(%run_scoped3A : memref<!tpu.dma_semaphore, #tpu.memory_space<semaphore_mem>>)
          %dma_wait3A_276 = arith.constant 0 : i32
          %dma_wait3A_277 = tpu.memref_slice %arg27[%dma_wait3A_276] : memref<10000xf32, #tpu.memory_space<vmem>> -> memref<5000xf32, #tpu.memory_space<vmem>>
          %dma_wait3A_278 = tpu.memref_slice %arg12[%multiple_of3A_188] : memref<200000000xf32, #tpu.memory_space<hbm>> -> memref<5000xf32, #tpu.memory_space<hbm>>
          %dma_wait3A_279 = tpu.memref_slice %arg12[%multiple_of3A_188] : memref<200000000xf32, #tpu.memory_space<hbm>> -> memref<5000xf32, #tpu.memory_space<hbm>>
          %dma_wait3A_280 = arith.constant 0 : i32
          %dma_wait3A_281 = tpu.memref_slice %arg27[%dma_wait3A_280] : memref<10000xf32, #tpu.memory_space<vmem>> -> memref<5000xf32, #tpu.memory_space<vmem>>
          tpu.wait_dma2 semaphore(%run_scoped3A : memref<!tpu.dma_semaphore, #tpu.memory_space<semaphore_mem>>) src(%dma_wait3A_281 : memref<5000xf32, #tpu.memory_space<vmem>>) dst(%dma_wait3A_279 : memref<5000xf32, #tpu.memory_space<hbm>>)
          tpu.yield
        }) : () -> ()
        %dma_wait3A_189 = arith.constant 5000 : i32
        %dma_wait3A_190 = tpu.memref_slice %arg27[%dma_wait3A_189] : memref<10000xf32, #tpu.memory_space<vmem>> -> memref<5000xf32, #tpu.memory_space<vmem>>
        %dma_wait3A_191 = tpu.memref_slice %arg13[%multiple_of3A_179] : memref<640128xf32, #tpu.memory_space<vmem_shared>> -> memref<5000xf32, #tpu.memory_space<vmem_shared>>
        %dma_wait3A_192 = arith.constant 5000 : i32
        %dma_wait3A_193 = tpu.memref_slice %arg27[%dma_wait3A_192] : memref<10000xf32, #tpu.memory_space<vmem>> -> memref<5000xf32, #tpu.memory_space<vmem>>
        %dma_wait3A_194 = tpu.memref_slice %arg13[%multiple_of3A_179] : memref<640128xf32, #tpu.memory_space<vmem_shared>> -> memref<5000xf32, #tpu.memory_space<vmem_shared>>
        tpu.wait_dma2 semaphore(%arg31 : memref<!tpu.dma_semaphore, #tpu.memory_space<semaphore_mem>>) src(%dma_wait3A_194 : memref<5000xf32, #tpu.memory_space<vmem_shared>>) dst(%dma_wait3A_193 : memref<5000xf32, #tpu.memory_space<vmem>>)
        %add3A_195 = arith.constant 20000 : i32
        %add3A_196 = arith.addi %multiple_of3A_121, %add3A_195 : i32
        %multiple_of3A_197 = tpu.assume_multiple %add3A_196, 8 : i32
        %dma_start3A_198 = arith.constant 0 : i32
        %dma_start3A_199 = tpu.memref_slice %arg27[%dma_start3A_198] : memref<10000xf32, #tpu.memory_space<vmem>> -> memref<5000xf32, #tpu.memory_space<vmem>>
        %dma_start3A_200 = tpu.memref_slice %arg13[%multiple_of3A_197] : memref<640128xf32, #tpu.memory_space<vmem_shared>> -> memref<5000xf32, #tpu.memory_space<vmem_shared>>
        %dma_start3A_201 = arith.constant 0 : i32
        %dma_start3A_202 = tpu.memref_slice %arg27[%dma_start3A_201] : memref<10000xf32, #tpu.memory_space<vmem>> -> memref<5000xf32, #tpu.memory_space<vmem>>
        %dma_start3A_203 = tpu.memref_slice %arg13[%multiple_of3A_197] : memref<640128xf32, #tpu.memory_space<vmem_shared>> -> memref<5000xf32, #tpu.memory_space<vmem_shared>>
        tpu.enqueue_dma source(%dma_start3A_203 : memref<5000xf32, #tpu.memory_space<vmem_shared>>) target(%dma_start3A_202 : memref<5000xf32, #tpu.memory_space<vmem>>) target_semaphore(%arg31 : memref<!tpu.dma_semaphore, #tpu.memory_space<semaphore_mem>>)
        %add3A_204 = arith.constant 15000 : i32
        %add3A_205 = arith.addi %multiple_of3A_130, %add3A_204 : i32
        %multiple_of3A_206 = tpu.assume_multiple %add3A_205, 8 : i32
        "tpu.region"() ({
          %run_scoped3A = tpu.sem_alloc : memref<!tpu.dma_semaphore, #tpu.memory_space<semaphore_mem>>
          %dma_start3A_270 = arith.constant 5000 : i32
          %dma_start3A_271 = tpu.memref_slice %arg27[%dma_start3A_270] : memref<10000xf32, #tpu.memory_space<vmem>> -> memref<5000xf32, #tpu.memory_space<vmem>>
          %dma_start3A_272 = tpu.memref_slice %arg12[%multiple_of3A_206] : memref<200000000xf32, #tpu.memory_space<hbm>> -> memref<5000xf32, #tpu.memory_space<hbm>>
          %dma_start3A_273 = tpu.memref_slice %arg12[%multiple_of3A_206] : memref<200000000xf32, #tpu.memory_space<hbm>> -> memref<5000xf32, #tpu.memory_space<hbm>>
          %dma_start3A_274 = arith.constant 5000 : i32
          %dma_start3A_275 = tpu.memref_slice %arg27[%dma_start3A_274] : memref<10000xf32, #tpu.memory_space<vmem>> -> memref<5000xf32, #tpu.memory_space<vmem>>
          tpu.enqueue_dma source(%dma_start3A_275 : memref<5000xf32, #tpu.memory_space<vmem>>) target(%dma_start3A_273 : memref<5000xf32, #tpu.memory_space<hbm>>) target_semaphore(%run_scoped3A : memref<!tpu.dma_semaphore, #tpu.memory_space<semaphore_mem>>)
          %dma_wait3A_276 = arith.constant 5000 : i32
          %dma_wait3A_277 = tpu.memref_slice %arg27[%dma_wait3A_276] : memref<10000xf32, #tpu.memory_space<vmem>> -> memref<5000xf32, #tpu.memory_space<vmem>>
          %dma_wait3A_278 = tpu.memref_slice %arg12[%multiple_of3A_206] : memref<200000000xf32, #tpu.memory_space<hbm>> -> memref<5000xf32, #tpu.memory_space<hbm>>
          %dma_wait3A_279 = tpu.memref_slice %arg12[%multiple_of3A_206] : memref<200000000xf32, #tpu.memory_space<hbm>> -> memref<5000xf32, #tpu.memory_space<hbm>>
          %dma_wait3A_280 = arith.constant 5000 : i32
          %dma_wait3A_281 = tpu.memref_slice %arg27[%dma_wait3A_280] : memref<10000xf32, #tpu.memory_space<vmem>> -> memref<5000xf32, #tpu.memory_space<vmem>>
          tpu.wait_dma2 semaphore(%run_scoped3A : memref<!tpu.dma_semaphore, #tpu.memory_space<semaphore_mem>>) src(%dma_wait3A_281 : memref<5000xf32, #tpu.memory_space<vmem>>) dst(%dma_wait3A_279 : memref<5000xf32, #tpu.memory_space<hbm>>)
          tpu.yield
        }) : () -> ()
        %dma_wait3A_207 = arith.constant 0 : i32
        %dma_wait3A_208 = tpu.memref_slice %arg27[%dma_wait3A_207] : memref<10000xf32, #tpu.memory_space<vmem>> -> memref<5000xf32, #tpu.memory_space<vmem>>
        %dma_wait3A_209 = tpu.memref_slice %arg13[%multiple_of3A_197] : memref<640128xf32, #tpu.memory_space<vmem_shared>> -> memref<5000xf32, #tpu.memory_space<vmem_shared>>
        %dma_wait3A_210 = arith.constant 0 : i32
        %dma_wait3A_211 = tpu.memref_slice %arg27[%dma_wait3A_210] : memref<10000xf32, #tpu.memory_space<vmem>> -> memref<5000xf32, #tpu.memory_space<vmem>>
        %dma_wait3A_212 = tpu.memref_slice %arg13[%multiple_of3A_197] : memref<640128xf32, #tpu.memory_space<vmem_shared>> -> memref<5000xf32, #tpu.memory_space<vmem_shared>>
        tpu.wait_dma2 semaphore(%arg31 : memref<!tpu.dma_semaphore, #tpu.memory_space<semaphore_mem>>) src(%dma_wait3A_212 : memref<5000xf32, #tpu.memory_space<vmem_shared>>) dst(%dma_wait3A_211 : memref<5000xf32, #tpu.memory_space<vmem>>)
        %add3A_213 = arith.constant 25000 : i32
        %add3A_214 = arith.addi %multiple_of3A_121, %add3A_213 : i32
        %multiple_of3A_215 = tpu.assume_multiple %add3A_214, 8 : i32
        %dma_start3A_216 = arith.constant 5000 : i32
        %dma_start3A_217 = tpu.memref_slice %arg27[%dma_start3A_216] : memref<10000xf32, #tpu.memory_space<vmem>> -> memref<5000xf32, #tpu.memory_space<vmem>>
        %dma_start3A_218 = tpu.memref_slice %arg13[%multiple_of3A_215] : memref<640128xf32, #tpu.memory_space<vmem_shared>> -> memref<5000xf32, #tpu.memory_space<vmem_shared>>
        %dma_start3A_219 = arith.constant 5000 : i32
        %dma_start3A_220 = tpu.memref_slice %arg27[%dma_start3A_219] : memref<10000xf32, #tpu.memory_space<vmem>> -> memref<5000xf32, #tpu.memory_space<vmem>>
        %dma_start3A_221 = tpu.memref_slice %arg13[%multiple_of3A_215] : memref<640128xf32, #tpu.memory_space<vmem_shared>> -> memref<5000xf32, #tpu.memory_space<vmem_shared>>
        tpu.enqueue_dma source(%dma_start3A_221 : memref<5000xf32, #tpu.memory_space<vmem_shared>>) target(%dma_start3A_220 : memref<5000xf32, #tpu.memory_space<vmem>>) target_semaphore(%arg31 : memref<!tpu.dma_semaphore, #tpu.memory_space<semaphore_mem>>)
        %add3A_222 = arith.constant 20000 : i32
        %add3A_223 = arith.addi %multiple_of3A_130, %add3A_222 : i32
        %multiple_of3A_224 = tpu.assume_multiple %add3A_223, 8 : i32
        "tpu.region"() ({
          %run_scoped3A = tpu.sem_alloc : memref<!tpu.dma_semaphore, #tpu.memory_space<semaphore_mem>>
          %dma_start3A_270 = arith.constant 0 : i32
          %dma_start3A_271 = tpu.memref_slice %arg27[%dma_start3A_270] : memref<10000xf32, #tpu.memory_space<vmem>> -> memref<5000xf32, #tpu.memory_space<vmem>>
          %dma_start3A_272 = tpu.memref_slice %arg12[%multiple_of3A_224] : memref<200000000xf32, #tpu.memory_space<hbm>> -> memref<5000xf32, #tpu.memory_space<hbm>>
          %dma_start3A_273 = tpu.memref_slice %arg12[%multiple_of3A_224] : memref<200000000xf32, #tpu.memory_space<hbm>> -> memref<5000xf32, #tpu.memory_space<hbm>>
          %dma_start3A_274 = arith.constant 0 : i32
          %dma_start3A_275 = tpu.memref_slice %arg27[%dma_start3A_274] : memref<10000xf32, #tpu.memory_space<vmem>> -> memref<5000xf32, #tpu.memory_space<vmem>>
          tpu.enqueue_dma source(%dma_start3A_275 : memref<5000xf32, #tpu.memory_space<vmem>>) target(%dma_start3A_273 : memref<5000xf32, #tpu.memory_space<hbm>>) target_semaphore(%run_scoped3A : memref<!tpu.dma_semaphore, #tpu.memory_space<semaphore_mem>>)
          %dma_wait3A_276 = arith.constant 0 : i32
          %dma_wait3A_277 = tpu.memref_slice %arg27[%dma_wait3A_276] : memref<10000xf32, #tpu.memory_space<vmem>> -> memref<5000xf32, #tpu.memory_space<vmem>>
          %dma_wait3A_278 = tpu.memref_slice %arg12[%multiple_of3A_224] : memref<200000000xf32, #tpu.memory_space<hbm>> -> memref<5000xf32, #tpu.memory_space<hbm>>
          %dma_wait3A_279 = tpu.memref_slice %arg12[%multiple_of3A_224] : memref<200000000xf32, #tpu.memory_space<hbm>> -> memref<5000xf32, #tpu.memory_space<hbm>>
          %dma_wait3A_280 = arith.constant 0 : i32
          %dma_wait3A_281 = tpu.memref_slice %arg27[%dma_wait3A_280] : memref<10000xf32, #tpu.memory_space<vmem>> -> memref<5000xf32, #tpu.memory_space<vmem>>
          tpu.wait_dma2 semaphore(%run_scoped3A : memref<!tpu.dma_semaphore, #tpu.memory_space<semaphore_mem>>) src(%dma_wait3A_281 : memref<5000xf32, #tpu.memory_space<vmem>>) dst(%dma_wait3A_279 : memref<5000xf32, #tpu.memory_space<hbm>>)
          tpu.yield
        }) : () -> ()
        %dma_wait3A_225 = arith.constant 5000 : i32
        %dma_wait3A_226 = tpu.memref_slice %arg27[%dma_wait3A_225] : memref<10000xf32, #tpu.memory_space<vmem>> -> memref<5000xf32, #tpu.memory_space<vmem>>
        %dma_wait3A_227 = tpu.memref_slice %arg13[%multiple_of3A_215] : memref<640128xf32, #tpu.memory_space<vmem_shared>> -> memref<5000xf32, #tpu.memory_space<vmem_shared>>
        %dma_wait3A_228 = arith.constant 5000 : i32
        %dma_wait3A_229 = tpu.memref_slice %arg27[%dma_wait3A_228] : memref<10000xf32, #tpu.memory_space<vmem>> -> memref<5000xf32, #tpu.memory_space<vmem>>
        %dma_wait3A_230 = tpu.memref_slice %arg13[%multiple_of3A_215] : memref<640128xf32, #tpu.memory_space<vmem_shared>> -> memref<5000xf32, #tpu.memory_space<vmem_shared>>
        tpu.wait_dma2 semaphore(%arg31 : memref<!tpu.dma_semaphore, #tpu.memory_space<semaphore_mem>>) src(%dma_wait3A_230 : memref<5000xf32, #tpu.memory_space<vmem_shared>>) dst(%dma_wait3A_229 : memref<5000xf32, #tpu.memory_space<vmem>>)
        %add3A_231 = arith.constant 30000 : i32
        %add3A_232 = arith.addi %multiple_of3A_121, %add3A_231 : i32
        %multiple_of3A_233 = tpu.assume_multiple %add3A_232, 8 : i32
        %dma_start3A_234 = arith.constant 0 : i32
        %dma_start3A_235 = tpu.memref_slice %arg27[%dma_start3A_234] : memref<10000xf32, #tpu.memory_space<vmem>> -> memref<5000xf32, #tpu.memory_space<vmem>>
        %dma_start3A_236 = tpu.memref_slice %arg13[%multiple_of3A_233] : memref<640128xf32, #tpu.memory_space<vmem_shared>> -> memref<5000xf32, #tpu.memory_space<vmem_shared>>
        %dma_start3A_237 = arith.constant 0 : i32
        %dma_start3A_238 = tpu.memref_slice %arg27[%dma_start3A_237] : memref<10000xf32, #tpu.memory_space<vmem>> -> memref<5000xf32, #tpu.memory_space<vmem>>
        %dma_start3A_239 = tpu.memref_slice %arg13[%multiple_of3A_233] : memref<640128xf32, #tpu.memory_space<vmem_shared>> -> memref<5000xf32, #tpu.memory_space<vmem_shared>>
        tpu.enqueue_dma source(%dma_start3A_239 : memref<5000xf32, #tpu.memory_space<vmem_shared>>) target(%dma_start3A_238 : memref<5000xf32, #tpu.memory_space<vmem>>) target_semaphore(%arg31 : memref<!tpu.dma_semaphore, #tpu.memory_space<semaphore_mem>>)
        %add3A_240 = arith.constant 25000 : i32
        %add3A_241 = arith.addi %multiple_of3A_130, %add3A_240 : i32
        %multiple_of3A_242 = tpu.assume_multiple %add3A_241, 8 : i32
        "tpu.region"() ({
          %run_scoped3A = tpu.sem_alloc : memref<!tpu.dma_semaphore, #tpu.memory_space<semaphore_mem>>
          %dma_start3A_270 = arith.constant 5000 : i32
          %dma_start3A_271 = tpu.memref_slice %arg27[%dma_start3A_270] : memref<10000xf32, #tpu.memory_space<vmem>> -> memref<5000xf32, #tpu.memory_space<vmem>>
          %dma_start3A_272 = tpu.memref_slice %arg12[%multiple_of3A_242] : memref<200000000xf32, #tpu.memory_space<hbm>> -> memref<5000xf32, #tpu.memory_space<hbm>>
          %dma_start3A_273 = tpu.memref_slice %arg12[%multiple_of3A_242] : memref<200000000xf32, #tpu.memory_space<hbm>> -> memref<5000xf32, #tpu.memory_space<hbm>>
          %dma_start3A_274 = arith.constant 5000 : i32
          %dma_start3A_275 = tpu.memref_slice %arg27[%dma_start3A_274] : memref<10000xf32, #tpu.memory_space<vmem>> -> memref<5000xf32, #tpu.memory_space<vmem>>
          tpu.enqueue_dma source(%dma_start3A_275 : memref<5000xf32, #tpu.memory_space<vmem>>) target(%dma_start3A_273 : memref<5000xf32, #tpu.memory_space<hbm>>) target_semaphore(%run_scoped3A : memref<!tpu.dma_semaphore, #tpu.memory_space<semaphore_mem>>)
          %dma_wait3A_276 = arith.constant 5000 : i32
          %dma_wait3A_277 = tpu.memref_slice %arg27[%dma_wait3A_276] : memref<10000xf32, #tpu.memory_space<vmem>> -> memref<5000xf32, #tpu.memory_space<vmem>>
          %dma_wait3A_278 = tpu.memref_slice %arg12[%multiple_of3A_242] : memref<200000000xf32, #tpu.memory_space<hbm>> -> memref<5000xf32, #tpu.memory_space<hbm>>
          %dma_wait3A_279 = tpu.memref_slice %arg12[%multiple_of3A_242] : memref<200000000xf32, #tpu.memory_space<hbm>> -> memref<5000xf32, #tpu.memory_space<hbm>>
          %dma_wait3A_280 = arith.constant 5000 : i32
          %dma_wait3A_281 = tpu.memref_slice %arg27[%dma_wait3A_280] : memref<10000xf32, #tpu.memory_space<vmem>> -> memref<5000xf32, #tpu.memory_space<vmem>>
          tpu.wait_dma2 semaphore(%run_scoped3A : memref<!tpu.dma_semaphore, #tpu.memory_space<semaphore_mem>>) src(%dma_wait3A_281 : memref<5000xf32, #tpu.memory_space<vmem>>) dst(%dma_wait3A_279 : memref<5000xf32, #tpu.memory_space<hbm>>)
          tpu.yield
        }) : () -> ()
        %dma_wait3A_243 = arith.constant 0 : i32
        %dma_wait3A_244 = tpu.memref_slice %arg27[%dma_wait3A_243] : memref<10000xf32, #tpu.memory_space<vmem>> -> memref<5000xf32, #tpu.memory_space<vmem>>
        %dma_wait3A_245 = tpu.memref_slice %arg13[%multiple_of3A_233] : memref<640128xf32, #tpu.memory_space<vmem_shared>> -> memref<5000xf32, #tpu.memory_space<vmem_shared>>
        %dma_wait3A_246 = arith.constant 0 : i32
        %dma_wait3A_247 = tpu.memref_slice %arg27[%dma_wait3A_246] : memref<10000xf32, #tpu.memory_space<vmem>> -> memref<5000xf32, #tpu.memory_space<vmem>>
        %dma_wait3A_248 = tpu.memref_slice %arg13[%multiple_of3A_233] : memref<640128xf32, #tpu.memory_space<vmem_shared>> -> memref<5000xf32, #tpu.memory_space<vmem_shared>>
        tpu.wait_dma2 semaphore(%arg31 : memref<!tpu.dma_semaphore, #tpu.memory_space<semaphore_mem>>) src(%dma_wait3A_248 : memref<5000xf32, #tpu.memory_space<vmem_shared>>) dst(%dma_wait3A_247 : memref<5000xf32, #tpu.memory_space<vmem>>)
        %add3A_249 = arith.constant 35000 : i32
        %add3A_250 = arith.addi %multiple_of3A_121, %add3A_249 : i32
        %multiple_of3A_251 = tpu.assume_multiple %add3A_250, 8 : i32
        %dma_start3A_252 = arith.constant 5000 : i32
        %dma_start3A_253 = tpu.memref_slice %arg27[%dma_start3A_252] : memref<10000xf32, #tpu.memory_space<vmem>> -> memref<5000xf32, #tpu.memory_space<vmem>>
        %dma_start3A_254 = tpu.memref_slice %arg13[%multiple_of3A_251] : memref<640128xf32, #tpu.memory_space<vmem_shared>> -> memref<5000xf32, #tpu.memory_space<vmem_shared>>
        %dma_start3A_255 = arith.constant 5000 : i32
        %dma_start3A_256 = tpu.memref_slice %arg27[%dma_start3A_255] : memref<10000xf32, #tpu.memory_space<vmem>> -> memref<5000xf32, #tpu.memory_space<vmem>>
        %dma_start3A_257 = tpu.memref_slice %arg13[%multiple_of3A_251] : memref<640128xf32, #tpu.memory_space<vmem_shared>> -> memref<5000xf32, #tpu.memory_space<vmem_shared>>
        tpu.enqueue_dma source(%dma_start3A_257 : memref<5000xf32, #tpu.memory_space<vmem_shared>>) target(%dma_start3A_256 : memref<5000xf32, #tpu.memory_space<vmem>>) target_semaphore(%arg31 : memref<!tpu.dma_semaphore, #tpu.memory_space<semaphore_mem>>)
        %add3A_258 = arith.constant 30000 : i32
        %add3A_259 = arith.addi %multiple_of3A_130, %add3A_258 : i32
        %multiple_of3A_260 = tpu.assume_multiple %add3A_259, 8 : i32
        "tpu.region"() ({
          %run_scoped3A = tpu.sem_alloc : memref<!tpu.dma_semaphore, #tpu.memory_space<semaphore_mem>>
          %dma_start3A_270 = arith.constant 0 : i32
          %dma_start3A_271 = tpu.memref_slice %arg27[%dma_start3A_270] : memref<10000xf32, #tpu.memory_space<vmem>> -> memref<5000xf32, #tpu.memory_space<vmem>>
          %dma_start3A_272 = tpu.memref_slice %arg12[%multiple_of3A_260] : memref<200000000xf32, #tpu.memory_space<hbm>> -> memref<5000xf32, #tpu.memory_space<hbm>>
          %dma_start3A_273 = tpu.memref_slice %arg12[%multiple_of3A_260] : memref<200000000xf32, #tpu.memory_space<hbm>> -> memref<5000xf32, #tpu.memory_space<hbm>>
          %dma_start3A_274 = arith.constant 0 : i32
          %dma_start3A_275 = tpu.memref_slice %arg27[%dma_start3A_274] : memref<10000xf32, #tpu.memory_space<vmem>> -> memref<5000xf32, #tpu.memory_space<vmem>>
          tpu.enqueue_dma source(%dma_start3A_275 : memref<5000xf32, #tpu.memory_space<vmem>>) target(%dma_start3A_273 : memref<5000xf32, #tpu.memory_space<hbm>>) target_semaphore(%run_scoped3A : memref<!tpu.dma_semaphore, #tpu.memory_space<semaphore_mem>>)
          %dma_wait3A_276 = arith.constant 0 : i32
          %dma_wait3A_277 = tpu.memref_slice %arg27[%dma_wait3A_276] : memref<10000xf32, #tpu.memory_space<vmem>> -> memref<5000xf32, #tpu.memory_space<vmem>>
          %dma_wait3A_278 = tpu.memref_slice %arg12[%multiple_of3A_260] : memref<200000000xf32, #tpu.memory_space<hbm>> -> memref<5000xf32, #tpu.memory_space<hbm>>
          %dma_wait3A_279 = tpu.memref_slice %arg12[%multiple_of3A_260] : memref<200000000xf32, #tpu.memory_space<hbm>> -> memref<5000xf32, #tpu.memory_space<hbm>>
          %dma_wait3A_280 = arith.constant 0 : i32
          %dma_wait3A_281 = tpu.memref_slice %arg27[%dma_wait3A_280] : memref<10000xf32, #tpu.memory_space<vmem>> -> memref<5000xf32, #tpu.memory_space<vmem>>
          tpu.wait_dma2 semaphore(%run_scoped3A : memref<!tpu.dma_semaphore, #tpu.memory_space<semaphore_mem>>) src(%dma_wait3A_281 : memref<5000xf32, #tpu.memory_space<vmem>>) dst(%dma_wait3A_279 : memref<5000xf32, #tpu.memory_space<hbm>>)
          tpu.yield
        }) : () -> ()
        %dma_wait3A_261 = arith.constant 5000 : i32
        %dma_wait3A_262 = tpu.memref_slice %arg27[%dma_wait3A_261] : memref<10000xf32, #tpu.memory_space<vmem>> -> memref<5000xf32, #tpu.memory_space<vmem>>
        %dma_wait3A_263 = tpu.memref_slice %arg13[%multiple_of3A_251] : memref<640128xf32, #tpu.memory_space<vmem_shared>> -> memref<5000xf32, #tpu.memory_space<vmem_shared>>
        %dma_wait3A_264 = arith.constant 5000 : i32
        %dma_wait3A_265 = tpu.memref_slice %arg27[%dma_wait3A_264] : memref<10000xf32, #tpu.memory_space<vmem>> -> memref<5000xf32, #tpu.memory_space<vmem>>
        %dma_wait3A_266 = tpu.memref_slice %arg13[%multiple_of3A_251] : memref<640128xf32, #tpu.memory_space<vmem_shared>> -> memref<5000xf32, #tpu.memory_space<vmem_shared>>
        tpu.wait_dma2 semaphore(%arg31 : memref<!tpu.dma_semaphore, #tpu.memory_space<semaphore_mem>>) src(%dma_wait3A_266 : memref<5000xf32, #tpu.memory_space<vmem_shared>>) dst(%dma_wait3A_265 : memref<5000xf32, #tpu.memory_space<vmem>>)
        %add3A_267 = arith.constant 35000 : i32
        %add3A_268 = arith.addi %multiple_of3A_130, %add3A_267 : i32
        %multiple_of3A_269 = tpu.assume_multiple %add3A_268, 8 : i32
        "tpu.region"() ({
          %run_scoped3A = tpu.sem_alloc : memref<!tpu.dma_semaphore, #tpu.memory_space<semaphore_mem>>
          %dma_start3A_270 = arith.constant 5000 : i32
          %dma_start3A_271 = tpu.memref_slice %arg27[%dma_start3A_270] : memref<10000xf32, #tpu.memory_space<vmem>> -> memref<5000xf32, #tpu.memory_space<vmem>>
          %dma_start3A_272 = tpu.memref_slice %arg12[%multiple_of3A_269] : memref<200000000xf32, #tpu.memory_space<hbm>> -> memref<5000xf32, #tpu.memory_space<hbm>>
          %dma_start3A_273 = tpu.memref_slice %arg12[%multiple_of3A_269] : memref<200000000xf32, #tpu.memory_space<hbm>> -> memref<5000xf32, #tpu.memory_space<hbm>>
          %dma_start3A_274 = arith.constant 5000 : i32
          %dma_start3A_275 = tpu.memref_slice %arg27[%dma_start3A_274] : memref<10000xf32, #tpu.memory_space<vmem>> -> memref<5000xf32, #tpu.memory_space<vmem>>
          tpu.enqueue_dma source(%dma_start3A_275 : memref<5000xf32, #tpu.memory_space<vmem>>) target(%dma_start3A_273 : memref<5000xf32, #tpu.memory_space<hbm>>) target_semaphore(%run_scoped3A : memref<!tpu.dma_semaphore, #tpu.memory_space<semaphore_mem>>)
          %dma_wait3A_276 = arith.constant 5000 : i32
          %dma_wait3A_277 = tpu.memref_slice %arg27[%dma_wait3A_276] : memref<10000xf32, #tpu.memory_space<vmem>> -> memref<5000xf32, #tpu.memory_space<vmem>>
          %dma_wait3A_278 = tpu.memref_slice %arg12[%multiple_of3A_269] : memref<200000000xf32, #tpu.memory_space<hbm>> -> memref<5000xf32, #tpu.memory_space<hbm>>
          %dma_wait3A_279 = tpu.memref_slice %arg12[%multiple_of3A_269] : memref<200000000xf32, #tpu.memory_space<hbm>> -> memref<5000xf32, #tpu.memory_space<hbm>>
          %dma_wait3A_280 = arith.constant 5000 : i32
          %dma_wait3A_281 = tpu.memref_slice %arg27[%dma_wait3A_280] : memref<10000xf32, #tpu.memory_space<vmem>> -> memref<5000xf32, #tpu.memory_space<vmem>>
          tpu.wait_dma2 semaphore(%run_scoped3A : memref<!tpu.dma_semaphore, #tpu.memory_space<semaphore_mem>>) src(%dma_wait3A_281 : memref<5000xf32, #tpu.memory_space<vmem>>) dst(%dma_wait3A_279 : memref<5000xf32, #tpu.memory_space<hbm>>)
          tpu.yield
        }) : () -> ()
      } else {
      }
      %eq3A_99 = arith.constant 156 : i32
      %eq3A_100 = arith.cmpi eq, %scan3A_73, %eq3A_99 : i32
      %convert_element_type3A_101 = arith.extui %eq3A_100 : i1 to i32
      %cond3A_102 = arith.constant 0 : i32
      %cond3A_103 = arith.cmpi ne, %convert_element_type3A_101, %cond3A_102 : i32
      scf.if %cond3A_103 {
        %mul3A_119 = arith.constant 10000 : i32
        %mul3A_120 = arith.muli %arg1, %mul3A_119 : i32
        %multiple_of3A_121 = tpu.assume_multiple %mul3A_120, 8 : i32
        %mul3A_122 = arith.constant 100000000 : i32
        %mul3A_123 = arith.muli %arg0, %mul3A_122 : i32
        %add3A_124 = arith.constant 99840000 : i32
        %add3A_125 = arith.addi %mul3A_123, %add3A_124 : i32
        %mul3A_126 = arith.constant 10000 : i32
        %mul3A_127 = arith.muli %arg1, %mul3A_126 : i32
        %add3A_128 = arith.addi %add3A_125, %mul3A_127 : i32
        %multiple_of3A_129 = tpu.assume_multiple %add3A_128, 8 : i32
        %dma_start3A = arith.constant 0 : i32
        %dma_start3A_130 = tpu.memref_slice %arg27[%dma_start3A] : memref<10000xf32, #tpu.memory_space<vmem>> -> memref<5000xf32, #tpu.memory_space<vmem>>
        %dma_start3A_131 = tpu.memref_slice %arg13[%multiple_of3A_121] : memref<640128xf32, #tpu.memory_space<vmem_shared>> -> memref<5000xf32, #tpu.memory_space<vmem_shared>>
        %dma_start3A_132 = arith.constant 0 : i32
        %dma_start3A_133 = tpu.memref_slice %arg27[%dma_start3A_132] : memref<10000xf32, #tpu.memory_space<vmem>> -> memref<5000xf32, #tpu.memory_space<vmem>>
        %dma_start3A_134 = tpu.memref_slice %arg13[%multiple_of3A_121] : memref<640128xf32, #tpu.memory_space<vmem_shared>> -> memref<5000xf32, #tpu.memory_space<vmem_shared>>
        tpu.enqueue_dma source(%dma_start3A_134 : memref<5000xf32, #tpu.memory_space<vmem_shared>>) target(%dma_start3A_133 : memref<5000xf32, #tpu.memory_space<vmem>>) target_semaphore(%arg31 : memref<!tpu.dma_semaphore, #tpu.memory_space<semaphore_mem>>)
        %dma_wait3A = arith.constant 0 : i32
        %dma_wait3A_135 = tpu.memref_slice %arg27[%dma_wait3A] : memref<10000xf32, #tpu.memory_space<vmem>> -> memref<5000xf32, #tpu.memory_space<vmem>>
        %dma_wait3A_136 = tpu.memref_slice %arg13[%multiple_of3A_121] : memref<640128xf32, #tpu.memory_space<vmem_shared>> -> memref<5000xf32, #tpu.memory_space<vmem_shared>>
        %dma_wait3A_137 = arith.constant 0 : i32
        %dma_wait3A_138 = tpu.memref_slice %arg27[%dma_wait3A_137] : memref<10000xf32, #tpu.memory_space<vmem>> -> memref<5000xf32, #tpu.memory_space<vmem>>
        %dma_wait3A_139 = tpu.memref_slice %arg13[%multiple_of3A_121] : memref<640128xf32, #tpu.memory_space<vmem_shared>> -> memref<5000xf32, #tpu.memory_space<vmem_shared>>
        tpu.wait_dma2 semaphore(%arg31 : memref<!tpu.dma_semaphore, #tpu.memory_space<semaphore_mem>>) src(%dma_wait3A_139 : memref<5000xf32, #tpu.memory_space<vmem_shared>>) dst(%dma_wait3A_138 : memref<5000xf32, #tpu.memory_space<vmem>>)
        %add3A_140 = arith.constant 5000 : i32
        %add3A_141 = arith.addi %multiple_of3A_121, %add3A_140 : i32
        %multiple_of3A_142 = tpu.assume_multiple %add3A_141, 8 : i32
        %dma_start3A_143 = arith.constant 5000 : i32
        %dma_start3A_144 = tpu.memref_slice %arg27[%dma_start3A_143] : memref<10000xf32, #tpu.memory_space<vmem>> -> memref<5000xf32, #tpu.memory_space<vmem>>
        %dma_start3A_145 = tpu.memref_slice %arg13[%multiple_of3A_142] : memref<640128xf32, #tpu.memory_space<vmem_shared>> -> memref<5000xf32, #tpu.memory_space<vmem_shared>>
        %dma_start3A_146 = arith.constant 5000 : i32
        %dma_start3A_147 = tpu.memref_slice %arg27[%dma_start3A_146] : memref<10000xf32, #tpu.memory_space<vmem>> -> memref<5000xf32, #tpu.memory_space<vmem>>
        %dma_start3A_148 = tpu.memref_slice %arg13[%multiple_of3A_142] : memref<640128xf32, #tpu.memory_space<vmem_shared>> -> memref<5000xf32, #tpu.memory_space<vmem_shared>>
        tpu.enqueue_dma source(%dma_start3A_148 : memref<5000xf32, #tpu.memory_space<vmem_shared>>) target(%dma_start3A_147 : memref<5000xf32, #tpu.memory_space<vmem>>) target_semaphore(%arg31 : memref<!tpu.dma_semaphore, #tpu.memory_space<semaphore_mem>>)
        %add3A_149 = arith.constant 0 : i32
        %add3A_150 = arith.addi %multiple_of3A_129, %add3A_149 : i32
        %multiple_of3A_151 = tpu.assume_multiple %add3A_150, 8 : i32
        "tpu.region"() ({
          %run_scoped3A = tpu.sem_alloc : memref<!tpu.dma_semaphore, #tpu.memory_space<semaphore_mem>>
          %dma_start3A_161 = arith.constant 0 : i32
          %dma_start3A_162 = tpu.memref_slice %arg27[%dma_start3A_161] : memref<10000xf32, #tpu.memory_space<vmem>> -> memref<5000xf32, #tpu.memory_space<vmem>>
          %dma_start3A_163 = tpu.memref_slice %arg12[%multiple_of3A_151] : memref<200000000xf32, #tpu.memory_space<hbm>> -> memref<5000xf32, #tpu.memory_space<hbm>>
          %dma_start3A_164 = tpu.memref_slice %arg12[%multiple_of3A_151] : memref<200000000xf32, #tpu.memory_space<hbm>> -> memref<5000xf32, #tpu.memory_space<hbm>>
          %dma_start3A_165 = arith.constant 0 : i32
          %dma_start3A_166 = tpu.memref_slice %arg27[%dma_start3A_165] : memref<10000xf32, #tpu.memory_space<vmem>> -> memref<5000xf32, #tpu.memory_space<vmem>>
          tpu.enqueue_dma source(%dma_start3A_166 : memref<5000xf32, #tpu.memory_space<vmem>>) target(%dma_start3A_164 : memref<5000xf32, #tpu.memory_space<hbm>>) target_semaphore(%run_scoped3A : memref<!tpu.dma_semaphore, #tpu.memory_space<semaphore_mem>>)
          %dma_wait3A_167 = arith.constant 0 : i32
          %dma_wait3A_168 = tpu.memref_slice %arg27[%dma_wait3A_167] : memref<10000xf32, #tpu.memory_space<vmem>> -> memref<5000xf32, #tpu.memory_space<vmem>>
          %dma_wait3A_169 = tpu.memref_slice %arg12[%multiple_of3A_151] : memref<200000000xf32, #tpu.memory_space<hbm>> -> memref<5000xf32, #tpu.memory_space<hbm>>
          %dma_wait3A_170 = tpu.memref_slice %arg12[%multiple_of3A_151] : memref<200000000xf32, #tpu.memory_space<hbm>> -> memref<5000xf32, #tpu.memory_space<hbm>>
          %dma_wait3A_171 = arith.constant 0 : i32
          %dma_wait3A_172 = tpu.memref_slice %arg27[%dma_wait3A_171] : memref<10000xf32, #tpu.memory_space<vmem>> -> memref<5000xf32, #tpu.memory_space<vmem>>
          tpu.wait_dma2 semaphore(%run_scoped3A : memref<!tpu.dma_semaphore, #tpu.memory_space<semaphore_mem>>) src(%dma_wait3A_172 : memref<5000xf32, #tpu.memory_space<vmem>>) dst(%dma_wait3A_170 : memref<5000xf32, #tpu.memory_space<hbm>>)
          tpu.yield
        }) : () -> ()
        %dma_wait3A_152 = arith.constant 5000 : i32
        %dma_wait3A_153 = tpu.memref_slice %arg27[%dma_wait3A_152] : memref<10000xf32, #tpu.memory_space<vmem>> -> memref<5000xf32, #tpu.memory_space<vmem>>
        %dma_wait3A_154 = tpu.memref_slice %arg13[%multiple_of3A_142] : memref<640128xf32, #tpu.memory_space<vmem_shared>> -> memref<5000xf32, #tpu.memory_space<vmem_shared>>
        %dma_wait3A_155 = arith.constant 5000 : i32
        %dma_wait3A_156 = tpu.memref_slice %arg27[%dma_wait3A_155] : memref<10000xf32, #tpu.memory_space<vmem>> -> memref<5000xf32, #tpu.memory_space<vmem>>
        %dma_wait3A_157 = tpu.memref_slice %arg13[%multiple_of3A_142] : memref<640128xf32, #tpu.memory_space<vmem_shared>> -> memref<5000xf32, #tpu.memory_space<vmem_shared>>
        tpu.wait_dma2 semaphore(%arg31 : memref<!tpu.dma_semaphore, #tpu.memory_space<semaphore_mem>>) src(%dma_wait3A_157 : memref<5000xf32, #tpu.memory_space<vmem_shared>>) dst(%dma_wait3A_156 : memref<5000xf32, #tpu.memory_space<vmem>>)
        %add3A_158 = arith.constant 5000 : i32
        %add3A_159 = arith.addi %multiple_of3A_129, %add3A_158 : i32
        %multiple_of3A_160 = tpu.assume_multiple %add3A_159, 8 : i32
        "tpu.region"() ({
          %run_scoped3A = tpu.sem_alloc : memref<!tpu.dma_semaphore, #tpu.memory_space<semaphore_mem>>
          %dma_start3A_161 = arith.constant 5000 : i32
          %dma_start3A_162 = tpu.memref_slice %arg27[%dma_start3A_161] : memref<10000xf32, #tpu.memory_space<vmem>> -> memref<5000xf32, #tpu.memory_space<vmem>>
          %dma_start3A_163 = tpu.memref_slice %arg12[%multiple_of3A_160] : memref<200000000xf32, #tpu.memory_space<hbm>> -> memref<5000xf32, #tpu.memory_space<hbm>>
          %dma_start3A_164 = tpu.memref_slice %arg12[%multiple_of3A_160] : memref<200000000xf32, #tpu.memory_space<hbm>> -> memref<5000xf32, #tpu.memory_space<hbm>>
          %dma_start3A_165 = arith.constant 5000 : i32
          %dma_start3A_166 = tpu.memref_slice %arg27[%dma_start3A_165] : memref<10000xf32, #tpu.memory_space<vmem>> -> memref<5000xf32, #tpu.memory_space<vmem>>
          tpu.enqueue_dma source(%dma_start3A_166 : memref<5000xf32, #tpu.memory_space<vmem>>) target(%dma_start3A_164 : memref<5000xf32, #tpu.memory_space<hbm>>) target_semaphore(%run_scoped3A : memref<!tpu.dma_semaphore, #tpu.memory_space<semaphore_mem>>)
          %dma_wait3A_167 = arith.constant 5000 : i32
          %dma_wait3A_168 = tpu.memref_slice %arg27[%dma_wait3A_167] : memref<10000xf32, #tpu.memory_space<vmem>> -> memref<5000xf32, #tpu.memory_space<vmem>>
          %dma_wait3A_169 = tpu.memref_slice %arg12[%multiple_of3A_160] : memref<200000000xf32, #tpu.memory_space<hbm>> -> memref<5000xf32, #tpu.memory_space<hbm>>
          %dma_wait3A_170 = tpu.memref_slice %arg12[%multiple_of3A_160] : memref<200000000xf32, #tpu.memory_space<hbm>> -> memref<5000xf32, #tpu.memory_space<hbm>>
          %dma_wait3A_171 = arith.constant 5000 : i32
          %dma_wait3A_172 = tpu.memref_slice %arg27[%dma_wait3A_171] : memref<10000xf32, #tpu.memory_space<vmem>> -> memref<5000xf32, #tpu.memory_space<vmem>>
          tpu.wait_dma2 semaphore(%run_scoped3A : memref<!tpu.dma_semaphore, #tpu.memory_space<semaphore_mem>>) src(%dma_wait3A_172 : memref<5000xf32, #tpu.memory_space<vmem>>) dst(%dma_wait3A_170 : memref<5000xf32, #tpu.memory_space<hbm>>)
          tpu.yield
        }) : () -> ()
      } else {
      }
      %barrier3A_104 = arith.constant 0 : index
      tpu.barrier barrier_id(%barrier3A_104)
      %while3A_105 = arith.constant 0 : i32
      %while3A_106 = arith.constant 0 : i32
      %while3A_107 = arith.subi %shift_right_logical3A_82, %while3A_105 : i32
      %while3A_108 = arith.addi %while3A_105, %while3A_107 : i32
      %while3A_109 = arith.constant 1 : i32
      %while3A_110 = arith.divsi %while3A_107, %while3A_109 : i32
      %while3A_111 = arith.muli %while3A_110, %while3A_109 : i32
      %while3A_112 = arith.addi %while3A_105, %while3A_111 : i32
      %while3A_113 = arith.constant 1 : i32
      %while3A_114 = scf.for %while3A_119 = %while3A_105 to %while3A_112 step %while3A_113 iter_args(%while3A_120 = %while3A_106) -> (i32)  : i32 {
        %mul3A_121 = arith.constant 128 : i32
        %mul3A_122 = arith.muli %while3A_119, %mul3A_121 : i32
        %add3A_123 = arith.addi %squeeze3A, %mul3A_122 : i32
        %multiple_of3A_124 = tpu.assume_multiple %add3A_123, 8 : i32
        %add3A_125 = arith.constant 0 : i32
        %add3A_126 = arith.addi %multiple_of3A_124, %add3A_125 : i32
        %get3A_127 = arith.index_cast %add3A_126 : i32 to index
        %get3A_128 = tpu.vector_load %arg21[%get3A_127] {strides = array<i32>} : memref<11536xi32, #tpu.memory_space<vmem>>, vector<16xi32>,
        %swap3A = arith.constant 0 : i32
        %swap3A_129 = arith.index_cast %swap3A : i32 to index
        %swap3A_130 = arith.constant 0 : index
        %swap3A_131 = tpu.vector_load %arg25[%swap3A_129, %swap3A_130] {strides = array<i32>} : memref<1x128xi32, #tpu.memory_space<vmem>>, vector<16xi32>,
        tpu.vector_store %arg25[%swap3A_129, %swap3A_130], %get3A_128 {strides = array<i32>} : memref<1x128xi32, #tpu.memory_space<vmem>>, vector<16xi32>,
        %add3A_132 = arith.constant 16 : i32
        %add3A_133 = arith.addi %multiple_of3A_124, %add3A_132 : i32
        %get3A_134 = arith.index_cast %add3A_133 : i32 to index
        %get3A_135 = tpu.vector_load %arg21[%get3A_134] {strides = array<i32>} : memref<11536xi32, #tpu.memory_space<vmem>>, vector<16xi32>,
        %swap3A_136 = arith.constant 0 : i32
        %swap3A_137 = arith.index_cast %swap3A_136 : i32 to index
        %swap3A_138 = arith.constant 16 : index
        %swap3A_139 = tpu.vector_load %arg25[%swap3A_137, %swap3A_138] {strides = array<i32>} : memref<1x128xi32, #tpu.memory_space<vmem>>, vector<16xi32>,
        tpu.vector_store %arg25[%swap3A_137, %swap3A_138], %get3A_135 {strides = array<i32>} : memref<1x128xi32, #tpu.memory_space<vmem>>, vector<16xi32>,
        %add3A_140 = arith.constant 32 : i32
        %add3A_141 = arith.addi %multiple_of3A_124, %add3A_140 : i32
        %get3A_142 = arith.index_cast %add3A_141 : i32 to index
        %get3A_143 = tpu.vector_load %arg21[%get3A_142] {strides = array<i32>} : memref<11536xi32, #tpu.memory_space<vmem>>, vector<16xi32>,
        %swap3A_144 = arith.constant 0 : i32
        %swap3A_145 = arith.index_cast %swap3A_144 : i32 to index
        %swap3A_146 = arith.constant 32 : index
        %swap3A_147 = tpu.vector_load %arg25[%swap3A_145, %swap3A_146] {strides = array<i32>} : memref<1x128xi32, #tpu.memory_space<vmem>>, vector<16xi32>,
        tpu.vector_store %arg25[%swap3A_145, %swap3A_146], %get3A_143 {strides = array<i32>} : memref<1x128xi32, #tpu.memory_space<vmem>>, vector<16xi32>,
        %add3A_148 = arith.constant 48 : i32
        %add3A_149 = arith.addi %multiple_of3A_124, %add3A_148 : i32
        %get3A_150 = arith.index_cast %add3A_149 : i32 to index
        %get3A_151 = tpu.vector_load %arg21[%get3A_150] {strides = array<i32>} : memref<11536xi32, #tpu.memory_space<vmem>>, vector<16xi32>,
        %swap3A_152 = arith.constant 0 : i32
        %swap3A_153 = arith.index_cast %swap3A_152 : i32 to index
        %swap3A_154 = arith.constant 48 : index
        %swap3A_155 = tpu.vector_load %arg25[%swap3A_153, %swap3A_154] {strides = array<i32>} : memref<1x128xi32, #tpu.memory_space<vmem>>, vector<16xi32>,
        tpu.vector_store %arg25[%swap3A_153, %swap3A_154], %get3A_151 {strides = array<i32>} : memref<1x128xi32, #tpu.memory_space<vmem>>, vector<16xi32>,
        %add3A_156 = arith.constant 64 : i32
        %add3A_157 = arith.addi %multiple_of3A_124, %add3A_156 : i32
        %get3A_158 = arith.index_cast %add3A_157 : i32 to index
        %get3A_159 = tpu.vector_load %arg21[%get3A_158] {strides = array<i32>} : memref<11536xi32, #tpu.memory_space<vmem>>, vector<16xi32>,
        %swap3A_160 = arith.constant 0 : i32
        %swap3A_161 = arith.index_cast %swap3A_160 : i32 to index
        %swap3A_162 = arith.constant 64 : index
        %swap3A_163 = tpu.vector_load %arg25[%swap3A_161, %swap3A_162] {strides = array<i32>} : memref<1x128xi32, #tpu.memory_space<vmem>>, vector<16xi32>,
        tpu.vector_store %arg25[%swap3A_161, %swap3A_162], %get3A_159 {strides = array<i32>} : memref<1x128xi32, #tpu.memory_space<vmem>>, vector<16xi32>,
        %add3A_164 = arith.constant 80 : i32
        %add3A_165 = arith.addi %multiple_of3A_124, %add3A_164 : i32
        %get3A_166 = arith.index_cast %add3A_165 : i32 to index
        %get3A_167 = tpu.vector_load %arg21[%get3A_166] {strides = array<i32>} : memref<11536xi32, #tpu.memory_space<vmem>>, vector<16xi32>,
        %swap3A_168 = arith.constant 0 : i32
        %swap3A_169 = arith.index_cast %swap3A_168 : i32 to index
        %swap3A_170 = arith.constant 80 : index
        %swap3A_171 = tpu.vector_load %arg25[%swap3A_169, %swap3A_170] {strides = array<i32>} : memref<1x128xi32, #tpu.memory_space<vmem>>, vector<16xi32>,
        tpu.vector_store %arg25[%swap3A_169, %swap3A_170], %get3A_167 {strides = array<i32>} : memref<1x128xi32, #tpu.memory_space<vmem>>, vector<16xi32>,
        %add3A_172 = arith.constant 96 : i32
        %add3A_173 = arith.addi %multiple_of3A_124, %add3A_172 : i32
        %get3A_174 = arith.index_cast %add3A_173 : i32 to index
        %get3A_175 = tpu.vector_load %arg21[%get3A_174] {strides = array<i32>} : memref<11536xi32, #tpu.memory_space<vmem>>, vector<16xi32>,
        %swap3A_176 = arith.constant 0 : i32
        %swap3A_177 = arith.index_cast %swap3A_176 : i32 to index
        %swap3A_178 = arith.constant 96 : index
        %swap3A_179 = tpu.vector_load %arg25[%swap3A_177, %swap3A_178] {strides = array<i32>} : memref<1x128xi32, #tpu.memory_space<vmem>>, vector<16xi32>,
        tpu.vector_store %arg25[%swap3A_177, %swap3A_178], %get3A_175 {strides = array<i32>} : memref<1x128xi32, #tpu.memory_space<vmem>>, vector<16xi32>,
        %add3A_180 = arith.constant 112 : i32
        %add3A_181 = arith.addi %multiple_of3A_124, %add3A_180 : i32
        %get3A_182 = arith.index_cast %add3A_181 : i32 to index
        %get3A_183 = tpu.vector_load %arg21[%get3A_182] {strides = array<i32>} : memref<11536xi32, #tpu.memory_space<vmem>>, vector<16xi32>,
        %swap3A_184 = arith.constant 0 : i32
        %swap3A_185 = arith.index_cast %swap3A_184 : i32 to index
        %swap3A_186 = arith.constant 112 : index
        %swap3A_187 = tpu.vector_load %arg25[%swap3A_185, %swap3A_186] {strides = array<i32>} : memref<1x128xi32, #tpu.memory_space<vmem>>, vector<16xi32>,
        tpu.vector_store %arg25[%swap3A_185, %swap3A_186], %get3A_183 {strides = array<i32>} : memref<1x128xi32, #tpu.memory_space<vmem>>, vector<16xi32>,
        %run_scoped3A = arith.constant 0 : i32
        "tpu.region"() ({
          %run_scoped3A_189 = tpu.sem_alloc : memref<!tpu.dma_semaphore, #tpu.memory_space<semaphore_mem>>
          %dma_start3A = arith.constant 0 : i32
          %dma_start3A_190 = tpu.memref_slice %arg20[%dma_start3A] : memref<10000xf32, #tpu.memory_space<vmem>> -> memref<128xf32, #tpu.memory_space<vmem>>
          %dma_start3A_191 = arith.constant 0 : i32
          %dma_start3A_192 = tpu.memref_slice %arg25[%run_scoped3A, %dma_start3A_191] : memref<1x128xi32, #tpu.memory_space<vmem>> -> memref<1x128xi32, #tpu.memory_space<vmem>>
          %dma_start3A_193 = tpu.memref_squeeze %dma_start3A_192 : memref<1x128xi32, #tpu.memory_space<vmem>> -> memref<128xi32, #tpu.memory_space<vmem>>
          %dma_start3A_194 = arith.constant 0 : i32
          %dma_start3A_195 = tpu.memref_slice %arg13[%dma_start3A_194] : memref<640128xf32, #tpu.memory_space<vmem_shared>> -> memref<640128xf32, #tpu.memory_space<vmem_shared>>
          tpu.enqueue_indirect_dma source(%dma_start3A_190 : memref<128xf32, #tpu.memory_space<vmem>>) target(%dma_start3A_195 : memref<640128xf32, #tpu.memory_space<vmem_shared>>) offsets(%dma_start3A_193 : memref<128xi32, #tpu.memory_space<vmem>>) semaphore(%run_scoped3A_189 : memref<!tpu.dma_semaphore, #tpu.memory_space<semaphore_mem>>)
          %dma_wait3A = arith.constant 0 : i32
          %dma_wait3A_196 = tpu.memref_slice %arg20[%dma_wait3A] : memref<10000xf32, #tpu.memory_space<vmem>> -> memref<128xf32, #tpu.memory_space<vmem>>
          %dma_wait3A_197 = arith.constant 0 : i32
          %dma_wait3A_198 = tpu.memref_slice %arg25[%run_scoped3A, %dma_wait3A_197] : memref<1x128xi32, #tpu.memory_space<vmem>> -> memref<1x128xi32, #tpu.memory_space<vmem>>
          %dma_wait3A_199 = tpu.memref_squeeze %dma_wait3A_198 : memref<1x128xi32, #tpu.memory_space<vmem>> -> memref<128xi32, #tpu.memory_space<vmem>>
          %dma_wait3A_200 = arith.constant 0 : i32
          %dma_wait3A_201 = tpu.memref_slice %arg13[%dma_wait3A_200] : memref<640128xf32, #tpu.memory_space<vmem_shared>> -> memref<640128xf32, #tpu.memory_space<vmem_shared>>
          tpu.wait_indirect_dma semaphore(%run_scoped3A_189 : memref<!tpu.dma_semaphore, #tpu.memory_space<semaphore_mem>>) src(%dma_wait3A_196 : memref<128xf32, #tpu.memory_space<vmem>>) dst(%dma_wait3A_201 : memref<640128xf32, #tpu.memory_space<vmem_shared>>)
          tpu.yield
        }) : () -> ()
        %while3A_188 = arith.constant 0 : i32
        scf.yield %while3A_188 : i32
      }
      %while3A_115 = arith.constant 1 : i32
      %while3A_116 = scf.for %while3A_119 = %while3A_112 to %while3A_108 step %while3A_115 iter_args(%while3A_120 = %while3A_114) -> (i32)  : i32 {
        %mul3A_121 = arith.constant 128 : i32
        %mul3A_122 = arith.muli %while3A_119, %mul3A_121 : i32
        %add3A_123 = arith.addi %squeeze3A, %mul3A_122 : i32
        %multiple_of3A_124 = tpu.assume_multiple %add3A_123, 8 : i32
        %add3A_125 = arith.constant 0 : i32
        %add3A_126 = arith.addi %multiple_of3A_124, %add3A_125 : i32
        %get3A_127 = arith.index_cast %add3A_126 : i32 to index
        %get3A_128 = tpu.vector_load %arg21[%get3A_127] {strides = array<i32>} : memref<11536xi32, #tpu.memory_space<vmem>>, vector<16xi32>,
        %swap3A = arith.constant 0 : i32
        %swap3A_129 = arith.index_cast %swap3A : i32 to index
        %swap3A_130 = arith.constant 0 : index
        %swap3A_131 = tpu.vector_load %arg25[%swap3A_129, %swap3A_130] {strides = array<i32>} : memref<1x128xi32, #tpu.memory_space<vmem>>, vector<16xi32>,
        tpu.vector_store %arg25[%swap3A_129, %swap3A_130], %get3A_128 {strides = array<i32>} : memref<1x128xi32, #tpu.memory_space<vmem>>, vector<16xi32>,
        %add3A_132 = arith.constant 16 : i32
        %add3A_133 = arith.addi %multiple_of3A_124, %add3A_132 : i32
        %get3A_134 = arith.index_cast %add3A_133 : i32 to index
        %get3A_135 = tpu.vector_load %arg21[%get3A_134] {strides = array<i32>} : memref<11536xi32, #tpu.memory_space<vmem>>, vector<16xi32>,
        %swap3A_136 = arith.constant 0 : i32
        %swap3A_137 = arith.index_cast %swap3A_136 : i32 to index
        %swap3A_138 = arith.constant 16 : index
        %swap3A_139 = tpu.vector_load %arg25[%swap3A_137, %swap3A_138] {strides = array<i32>} : memref<1x128xi32, #tpu.memory_space<vmem>>, vector<16xi32>,
        tpu.vector_store %arg25[%swap3A_137, %swap3A_138], %get3A_135 {strides = array<i32>} : memref<1x128xi32, #tpu.memory_space<vmem>>, vector<16xi32>,
        %add3A_140 = arith.constant 32 : i32
        %add3A_141 = arith.addi %multiple_of3A_124, %add3A_140 : i32
        %get3A_142 = arith.index_cast %add3A_141 : i32 to index
        %get3A_143 = tpu.vector_load %arg21[%get3A_142] {strides = array<i32>} : memref<11536xi32, #tpu.memory_space<vmem>>, vector<16xi32>,
        %swap3A_144 = arith.constant 0 : i32
        %swap3A_145 = arith.index_cast %swap3A_144 : i32 to index
        %swap3A_146 = arith.constant 32 : index
        %swap3A_147 = tpu.vector_load %arg25[%swap3A_145, %swap3A_146] {strides = array<i32>} : memref<1x128xi32, #tpu.memory_space<vmem>>, vector<16xi32>,
        tpu.vector_store %arg25[%swap3A_145, %swap3A_146], %get3A_143 {strides = array<i32>} : memref<1x128xi32, #tpu.memory_space<vmem>>, vector<16xi32>,
        %add3A_148 = arith.constant 48 : i32
        %add3A_149 = arith.addi %multiple_of3A_124, %add3A_148 : i32
        %get3A_150 = arith.index_cast %add3A_149 : i32 to index
        %get3A_151 = tpu.vector_load %arg21[%get3A_150] {strides = array<i32>} : memref<11536xi32, #tpu.memory_space<vmem>>, vector<16xi32>,
        %swap3A_152 = arith.constant 0 : i32
        %swap3A_153 = arith.index_cast %swap3A_152 : i32 to index
        %swap3A_154 = arith.constant 48 : index
        %swap3A_155 = tpu.vector_load %arg25[%swap3A_153, %swap3A_154] {strides = array<i32>} : memref<1x128xi32, #tpu.memory_space<vmem>>, vector<16xi32>,
        tpu.vector_store %arg25[%swap3A_153, %swap3A_154], %get3A_151 {strides = array<i32>} : memref<1x128xi32, #tpu.memory_space<vmem>>, vector<16xi32>,
        %add3A_156 = arith.constant 64 : i32
        %add3A_157 = arith.addi %multiple_of3A_124, %add3A_156 : i32
        %get3A_158 = arith.index_cast %add3A_157 : i32 to index
        %get3A_159 = tpu.vector_load %arg21[%get3A_158] {strides = array<i32>} : memref<11536xi32, #tpu.memory_space<vmem>>, vector<16xi32>,
        %swap3A_160 = arith.constant 0 : i32
        %swap3A_161 = arith.index_cast %swap3A_160 : i32 to index
        %swap3A_162 = arith.constant 64 : index
        %swap3A_163 = tpu.vector_load %arg25[%swap3A_161, %swap3A_162] {strides = array<i32>} : memref<1x128xi32, #tpu.memory_space<vmem>>, vector<16xi32>,
        tpu.vector_store %arg25[%swap3A_161, %swap3A_162], %get3A_159 {strides = array<i32>} : memref<1x128xi32, #tpu.memory_space<vmem>>, vector<16xi32>,
        %add3A_164 = arith.constant 80 : i32
        %add3A_165 = arith.addi %multiple_of3A_124, %add3A_164 : i32
        %get3A_166 = arith.index_cast %add3A_165 : i32 to index
        %get3A_167 = tpu.vector_load %arg21[%get3A_166] {strides = array<i32>} : memref<11536xi32, #tpu.memory_space<vmem>>, vector<16xi32>,
        %swap3A_168 = arith.constant 0 : i32
        %swap3A_169 = arith.index_cast %swap3A_168 : i32 to index
        %swap3A_170 = arith.constant 80 : index
        %swap3A_171 = tpu.vector_load %arg25[%swap3A_169, %swap3A_170] {strides = array<i32>} : memref<1x128xi32, #tpu.memory_space<vmem>>, vector<16xi32>,
        tpu.vector_store %arg25[%swap3A_169, %swap3A_170], %get3A_167 {strides = array<i32>} : memref<1x128xi32, #tpu.memory_space<vmem>>, vector<16xi32>,
        %add3A_172 = arith.constant 96 : i32
        %add3A_173 = arith.addi %multiple_of3A_124, %add3A_172 : i32
        %get3A_174 = arith.index_cast %add3A_173 : i32 to index
        %get3A_175 = tpu.vector_load %arg21[%get3A_174] {strides = array<i32>} : memref<11536xi32, #tpu.memory_space<vmem>>, vector<16xi32>,
        %swap3A_176 = arith.constant 0 : i32
        %swap3A_177 = arith.index_cast %swap3A_176 : i32 to index
        %swap3A_178 = arith.constant 96 : index
        %swap3A_179 = tpu.vector_load %arg25[%swap3A_177, %swap3A_178] {strides = array<i32>} : memref<1x128xi32, #tpu.memory_space<vmem>>, vector<16xi32>,
        tpu.vector_store %arg25[%swap3A_177, %swap3A_178], %get3A_175 {strides = array<i32>} : memref<1x128xi32, #tpu.memory_space<vmem>>, vector<16xi32>,
        %add3A_180 = arith.constant 112 : i32
        %add3A_181 = arith.addi %multiple_of3A_124, %add3A_180 : i32
        %get3A_182 = arith.index_cast %add3A_181 : i32 to index
        %get3A_183 = tpu.vector_load %arg21[%get3A_182] {strides = array<i32>} : memref<11536xi32, #tpu.memory_space<vmem>>, vector<16xi32>,
        %swap3A_184 = arith.constant 0 : i32
        %swap3A_185 = arith.index_cast %swap3A_184 : i32 to index
        %swap3A_186 = arith.constant 112 : index
        %swap3A_187 = tpu.vector_load %arg25[%swap3A_185, %swap3A_186] {strides = array<i32>} : memref<1x128xi32, #tpu.memory_space<vmem>>, vector<16xi32>,
        tpu.vector_store %arg25[%swap3A_185, %swap3A_186], %get3A_183 {strides = array<i32>} : memref<1x128xi32, #tpu.memory_space<vmem>>, vector<16xi32>,
        %run_scoped3A = arith.constant 0 : i32
        "tpu.region"() ({
          %run_scoped3A_189 = tpu.sem_alloc : memref<!tpu.dma_semaphore, #tpu.memory_space<semaphore_mem>>
          %dma_start3A = arith.constant 0 : i32
          %dma_start3A_190 = tpu.memref_slice %arg20[%dma_start3A] : memref<10000xf32, #tpu.memory_space<vmem>> -> memref<128xf32, #tpu.memory_space<vmem>>
          %dma_start3A_191 = arith.constant 0 : i32
          %dma_start3A_192 = tpu.memref_slice %arg25[%run_scoped3A, %dma_start3A_191] : memref<1x128xi32, #tpu.memory_space<vmem>> -> memref<1x128xi32, #tpu.memory_space<vmem>>
          %dma_start3A_193 = tpu.memref_squeeze %dma_start3A_192 : memref<1x128xi32, #tpu.memory_space<vmem>> -> memref<128xi32, #tpu.memory_space<vmem>>
          %dma_start3A_194 = arith.constant 0 : i32
          %dma_start3A_195 = tpu.memref_slice %arg13[%dma_start3A_194] : memref<640128xf32, #tpu.memory_space<vmem_shared>> -> memref<640128xf32, #tpu.memory_space<vmem_shared>>
          tpu.enqueue_indirect_dma source(%dma_start3A_190 : memref<128xf32, #tpu.memory_space<vmem>>) target(%dma_start3A_195 : memref<640128xf32, #tpu.memory_space<vmem_shared>>) offsets(%dma_start3A_193 : memref<128xi32, #tpu.memory_space<vmem>>) semaphore(%run_scoped3A_189 : memref<!tpu.dma_semaphore, #tpu.memory_space<semaphore_mem>>)
          %dma_wait3A = arith.constant 0 : i32
          %dma_wait3A_196 = tpu.memref_slice %arg20[%dma_wait3A] : memref<10000xf32, #tpu.memory_space<vmem>> -> memref<128xf32, #tpu.memory_space<vmem>>
          %dma_wait3A_197 = arith.constant 0 : i32
          %dma_wait3A_198 = tpu.memref_slice %arg25[%run_scoped3A, %dma_wait3A_197] : memref<1x128xi32, #tpu.memory_space<vmem>> -> memref<1x128xi32, #tpu.memory_space<vmem>>
          %dma_wait3A_199 = tpu.memref_squeeze %dma_wait3A_198 : memref<1x128xi32, #tpu.memory_space<vmem>> -> memref<128xi32, #tpu.memory_space<vmem>>
          %dma_wait3A_200 = arith.constant 0 : i32
          %dma_wait3A_201 = tpu.memref_slice %arg13[%dma_wait3A_200] : memref<640128xf32, #tpu.memory_space<vmem_shared>> -> memref<640128xf32, #tpu.memory_space<vmem_shared>>
          tpu.wait_indirect_dma semaphore(%run_scoped3A_189 : memref<!tpu.dma_semaphore, #tpu.memory_space<semaphore_mem>>) src(%dma_wait3A_196 : memref<128xf32, #tpu.memory_space<vmem>>) dst(%dma_wait3A_201 : memref<640128xf32, #tpu.memory_space<vmem_shared>>)
          tpu.yield
        }) : () -> ()
        %while3A_188 = arith.constant 0 : i32
        scf.yield %while3A_188 : i32
      }
      %barrier3A_117 = arith.constant 0 : index
      tpu.barrier barrier_id(%barrier3A_117)
      %scan3A_118 = arith.constant 0 : i32
      scf.yield %scan3A_118 : i32
    }
    %scan3A_72 = arith.constant 157 : i32
    return
  }
}

</mosaic_0001>

<sc_bundles>
// kernel: kernel.3.cloned.1.call-start
scs
__scs_entry_jumppad:
0x0: {  	(pc) =	sbr.rel $0x88, $3  }
0x1: {  	(tag) =	ssettag $0x0;
	lr =	simm.s32 $0x1  }
0x2: {  	[smem:$0x3F97] =	sst lr;
	_ =	strace $0xD0000000  }
0x3: {  	_ = 	snop  }
0x4: {  	_ = 	snop  }
0x5: {  	_ = 	snop  }
0x6: {  	_ = 	snop  }
0x7: {  	_ = 	snop  }
__scs_overlays_trampoline_lowered:
0x8: {  	[smem:$0x3FA6] =	sst s0  }
0x9: {  	[smem:$0x3FA7] =	sst s1  }
0xa: {  	[smem:$0x3FA8] =	sst s2  }
0xb: {  	[smem:$0x3FA9] =	sst s3  }
0xc: {  	[smem:$0x3FAA] =	sst s4  }
0xd: {  	[smem:$0x3FAB] =	sst s5  }
0xe: {  	[smem:$0x3FAC] =	sst s6  }
0xf: {  	[smem:$0x3FAD] =	sst s7  }
0x10: {  	[smem:$0x3FAE] =	sst s8  }
0x11: {  	[smem:$0x3FAF] =	sst s9;
	s0 =	simm.s32 @!p0 $0x0  }
0x12: {  	s1 =	sld [smem:$0x3F95];
	s0 =	simm.s32 @p0 $0x1  }
0x13: {  	[smem:$0x3FB0] =	sst s0;
	s0 =	simm.s32 @!p1 $0x0  }
0x14: {  	s2 =	sld [smem:$0x3F94];
	s0 =	simm.s32 @p1 $0x1  }
0x15: {  	[smem:$0x3FB1] =	sst s0;
	s0 =	simm.s32 @!p2 $0x0  }
0x16: {  	s3 =	sld [smem:$0x3FDB];
	s0 =	simm.s32 @p2 $0x1  }
0x17: {  	s4 =	simm.s32 $0x1BF5;
	[smem:$0x3FB3] =	sst s0  }
0x18: {  	s0 =	sld [smem:$0x3F96];
	_ =	swait.ge [sflag:s4], $0x0  }
0x19: {  	s7 =	sld [smem:$0x3F97]  }
0x1a: {  	s8 =	sadd.s32 $0xFFFFE003, lr  }
0x1b: {  	s9 =	sadd.s32 $0xFFFFFEF7, lr;
	s5 =	simm.s32 $0xFFFFFFFF;
	p2 =	slt.u32 s8, $0xFFFFF086  }
0x1c: {  	p1 =	slt.u32 s9, $0xF7A;
	s5 =	simm.s32 @!p2 $0x0  }
0x1d: {  	s5 =	simm.s32 @p1 $0x1;
	p0 =	seq.s32 s7, s2  }
0x1e: {  	s7 =	smul.u32 @!p0 $0xF7A, s2;
	p2 =	seq.s32 @!p0 s5, $0x0  }
0x1f: {  	s9 =	smul.u32 $0xF7A, s1;
	s8 =	simm.s32 @!p0 $0x1BF5;
	p2 =	por !p2, p0  }
0x20: {  	[sflag:s8] =	ssyncset.s32 @!p0 $0xFFFFF086;
	s6 =	sadd.s32 @!p0 s3, s7;
	s7 =	simm.s32 @!p0 $0x108  }
0x21: {  	s3 =	sadd.s32 s3, s9;
	s6 =	sadd.s32 @!p0 $0x88, s6;
	s7 =	simm.s32 @p2 $0x1082  }
0x22: {  	[simem:s7], [sflag:s8] =	dma.local @!p0 [hbm:s6], $0xF7A  }
0x23: {  	s9 =	sor.u32 $0xD0000000, s2;
	s6 =	simm.s32 $0x108;
	_ =	swait.ge @!p0 [sflag:s8], $0x0  }
0x24: {  	s3 =	sadd.s32 $0x88, s3;
	s6 =	simm.s32 @!p1 $0x1082;
	[sflag:s4] =	ssyncset.s32 $0xFFFFF086  }
0x25: {  	[simem:s6], [sflag:s4] =	dma.local [hbm:s3], $0xF7A  }
0x26: {  	[smem:$0x3F97] =	sst s1;
	(tag) =	ssettag s2;
	_ =	strace s9  }
0x27: {  	s1 =	sld [smem:$0x3FA7]  }
0x28: {  	s2 =	sld [smem:$0x3FA8]  }
0x29: {  	s4 =	sld [smem:$0x3FAA]  }
0x2a: {  	p0 =	seq.s32 s5, $0x0;
	s5 =	sld [smem:$0x3FAB]  }
0x2b: {  	s6 =	sld [smem:$0x3FAC]  }
0x2c: {  	s7 =	sld [smem:$0x3FAD]  }
0x2d: {  	s3 =	simm.s32 $0x108;
	s8 =	sld [smem:$0x3FAE]  }
0x2e: {  	s3 =	simm.s32 @!p0 $0x1082;
	s9 =	sld [smem:$0x3FAF]  }
0x2f: {  	lr =	sadd.s32 s0, s3;
	s0 =	sld [smem:$0x3FA6]  }
0x30: {  	s3 =	sld [smem:$0x3FA9]  }
0x31: {  	[smem:$0x3FB2] =	sst s10  }
0x32: {  	s10 =	sld [smem:$0x3FB0];
	_ =	sdelay $0x3  }
0x33: {  	p0 =	seq.s32 s10, $0x1;
	s10 =	sld [smem:$0x3FB2];
	_ =	sdelay $0x3  }
0x34: {  	[smem:$0x3FB2] =	sst s10  }
0x35: {  	s10 =	sld [smem:$0x3FB1];
	_ =	sdelay $0x3  }
0x36: {  	p1 =	seq.s32 s10, $0x1;
	s10 =	sld [smem:$0x3FB2];
	_ =	sdelay $0x3  }
0x37: {  	[smem:$0x3FB2] =	sst s10  }
0x38: {  	s10 =	sld [smem:$0x3FB3]  }
0x39: {  	_ = 	snop;
	(pc) =	sbr.ind lr, $3  }
0x3a: {  	_ = 	snop  }
0x3b: {  	_ = 	snop  }
0x3c: {  	p2 =	seq.s32 s10, $0x1;
	s10 =	sld [smem:$0x3FB2]  }
0x3d: {  	_ =	shalt  }
0x3e: {  	_ =	shalt  }
0x3f: {  	_ =	shalt  }
0x40: {  	_ =	shalt  }
0x41: {  	_ =	shalt  }
0x42: {  	_ =	shalt  }
0x43: {  	_ =	shalt  }
0x44: {  	_ =	shalt  }
0x45: {  	_ =	shalt  }
0x46: {  	_ =	shalt  }
0x47: {  	_ =	shalt  }
0x48: {  	_ =	shalt  }
0x49: {  	_ =	shalt  }
0x4a: {  	_ =	shalt  }
0x4b: {  	_ =	shalt  }
0x4c: {  	_ =	shalt  }
0x4d: {  	_ =	shalt  }
0x4e: {  	_ =	shalt  }
0x4f: {  	_ =	shalt  }
0x50: {  	_ =	shalt  }
0x51: {  	_ =	shalt  }
0x52: {  	_ =	shalt  }
0x53: {  	_ =	shalt  }
0x54: {  	_ =	shalt  }
0x55: {  	_ =	shalt  }
0x56: {  	_ =	shalt  }
0x57: {  	_ =	shalt  }
0x58: {  	_ =	shalt  }
0x59: {  	_ =	shalt  }
0x5a: {  	_ =	shalt  }
0x5b: {  	_ =	shalt  }
0x5c: {  	_ =	shalt  }
0x5d: {  	_ =	shalt  }
0x5e: {  	_ =	shalt  }
0x5f: {  	_ =	shalt  }
0x60: {  	_ =	shalt  }
0x61: {  	_ =	shalt  }
0x62: {  	_ =	shalt  }
0x63: {  	_ =	shalt  }
0x64: {  	_ =	shalt  }
0x65: {  	_ =	shalt  }
0x66: {  	_ =	shalt  }
0x67: {  	_ =	shalt  }
0x68: {  	_ =	shalt  }
0x69: {  	_ =	shalt  }
0x6a: {  	_ =	shalt  }
0x6b: {  	_ =	shalt  }
0x6c: {  	_ =	shalt  }
0x6d: {  	_ =	shalt  }
0x6e: {  	_ =	shalt  }
0x6f: {  	_ =	shalt  }
0x70: {  	_ =	shalt  }
0x71: {  	_ =	shalt  }
0x72: {  	_ =	shalt  }
0x73: {  	_ =	shalt  }
0x74: {  	_ =	shalt  }
0x75: {  	_ =	shalt  }
0x76: {  	_ =	shalt  }
0x77: {  	_ =	shalt  }
0x78: {  	_ =	shalt  }
0x79: {  	_ =	shalt  }
0x7a: {  	_ =	shalt  }
0x7b: {  	_ =	shalt  }
0x7c: {  	_ =	shalt  }
0x7d: {  	_ =	shalt  }
0x7e: {  	_ =	shalt  }
0x7f: {  	_ =	shalt  }
0x80: {  	_ =	shalt  }
0x81: {  	_ =	shalt  }
0x82: {  	_ =	shalt  }
0x83: {  	_ =	shalt  }
0x84: {  	_ =	shalt  }
0x85: {  	_ =	shalt  }
0x86: {  	_ =	shalt  }
0x87: {  	_ =	shalt  }
.Lfunc_end0:
.L_simem_size_0:
called_computation_lowered:
.L_overlay_start_0:
0x88: {  	s2 =	sld [smem:$0x3FD9]  }
0x89: {  	s3 =	sld [smem:$0x3FFE];
	_ =	sdelay $0x1  }
0x8a: {  	s1 =	srdreg.scid  }
0x8b: {  	s0 =	sand.u32 $0x1, s1  }
0x8c: {  	s17 =	sshll.u32 s0, $0xA;
	s2 =	sadd.s32 s3, s2  }
0x8d: {  	s2 =	sadd.s32 s2, s17  }
0x8e: {  	[smem:$0x3FBE] =	sst s2  }
0x8f: {  	_ = 	snop  }
0x90: {  	s2 =	sld [smem:$0x3FC9]  }
0x91: {  	s18 =	sld [smem:$0x3FC8]  }
0x92: {  	s4 =	sld [smem:$0x3FC7]  }
0x93: {  	s5 =	sld [smem:$0x3FC6]  }
0x94: {  	s6 =	sld [smem:$0x3FC5]  }
0x95: {  	s7 =	sld [smem:$0x3FC4]  }
0x96: {  	s8 =	sld [smem:$0x3FC3]  }
0x97: {  	s9 =	sld [smem:$0x3FC2]  }
0x98: {  	s10 =	sld [smem:$0x3FC1]  }
0x99: {  	s11 =	sld [smem:$0x3FC0];
	(tm) =	ssettm $0x1  }
0x9a: {  	s12 =	sld [smem:$0x3FFB];
	_ =	sdelay $0x3  }
0x9b: {  	_ =	strace s12  }
0x9c: {  	s12 =	sld [smem:$0x3FFC];
	_ =	sdelay $0x3  }
0x9d: {  	_ =	strace s12  }
0x9e: {  	s12 =	sld [smem:$0x3FFD];
	_ =	sdelay $0x3  }
0x9f: {  	_ =	strace s12  }
0xa0: {  	_ =	strace $0x8FFFFFFF  }
0xa1: {  	s19 =	sld [smem:$0x3FDB];
	_ =	sdelay $0x1  }
0xa2: {  	s13 =	simm.s32 $_scs_section_size  }
0xa3: {  	s14 =	simm.s32 $_size__tile_overlayer_lowered;
	s15 =	simm.s32 $_tile_overlayer_lowered  }
0xa4: {  	s22 =	simm.s32 $0x1BFF;
	s21 =	sshll.u32 s15, $0x1;
	s12 =	sadd.s32 s13, s19  }
0xa5: {  	s16 =	simm.s32 $0x0;
	s20 =	sshll.u32 s14, $0x1;
	s14 =	sadd.s32 s21, s12  }
0xa6: {  	[timem:s16], [sflag:s22] =	dma.local [hbm:s14], s20  }
0xa7: {  	_ =	swait.ge [sflag:s22], s20  }
0xa8: {  	s13 =	ssub.s32 $0x0, s20;
	[sflag:s22] =	ssyncset.done $0x0  }
0xa9: {  	[sflag:s22] =	ssyncadd.s32 s13;
	_ =	sdelay $0x1  }
0xaa: {  	s23 =	simm.s32 $0x1B8B  }
0xab: {  	_ =	swait.ge [sflag:s23], $0x1  }
0xac: {  	[sflag:s23] =	ssyncset.done $0x0  }
0xad: {  	s25 =	simm.s32 $0x1B8E;
	s24 =	sld [smem:$0x3FFE];
	[sflag:s23] =	ssyncadd.s32 $0xFFFFFFFF  }
0xae: {  	s26 =	simm.s32 $execute0_lowered;
	[smem:$0x3FD2] =	sst s25  }
0xaf: {  	s14 =	sshll.u32 s26, $0x1;
	_ =	strace $0x80000046;
	[dreg:$0x1] =	wrdreg $0xFFFFFFFF  }
0xb0: {  	s28 =	simm.s32 $_size_execute0_lowered;
	s12 =	sadd.s32 s12, s14;
	[dreg:$0x0] =	wrdreg $0x0  }
0xb1: {  	s14 =	sshll.u32 s28, $0x1;
	[dreg:$0x2] =	wrdreg s12  }
0xb2: {  	[dreg:$0x3] =	wrdreg s14  }
0xb3: {  	[dreg:$0x4] =	wrdreg $0xC0  }
0xb4: {  	_ =	task [dreg:s16], $0x5FFFF  }
0xb5: {  	[dreg:$0x1] =	wrdreg $0xFFFFFFFF  }
0xb6: {  	[dreg:$0x0] =	wrdreg $0x60  }
0xb7: {  	[dreg:$0x2] =	wrdreg s2  }
0xb8: {  	[dreg:$0x3] =	wrdreg s18  }
0xb9: {  	[dreg:$0x4] =	wrdreg s4  }
0xba: {  	[dreg:$0x5] =	wrdreg s5  }
0xbb: {  	[dreg:$0x6] =	wrdreg s6  }
0xbc: {  	[dreg:$0x7] =	wrdreg s7  }
0xbd: {  	[dreg:$0x8] =	wrdreg s8  }
0xbe: {  	[dreg:$0x9] =	wrdreg s9  }
0xbf: {  	[dreg:$0xa] =	wrdreg s10  }
0xc0: {  	[dreg:$0xb] =	wrdreg s11  }
0xc1: {  	[dreg:$0xc] =	wrdreg s24  }
0xc2: {  	[dreg:$0xd] =	wrdreg $0x0  }
0xc3: {  	[dreg:$0xe] =	wrdreg $0x9  }
0xc4: {  	_ =	task.clear_ibuf [dreg:s16], $0xFFFFF;
	_ =	strace $0x90000046  }
0xc5: {  	s29 =	simm.s32 $0x9;
	_ =	strace $0x80000048  }
0xc6: {  	_ =	swait.ge [sflag:s29], $0x1  }
0xc7: {  	[sflag:s29] =	ssyncadd.s32 $0xFFFFFFFF  }
0xc8: {  	_ =	strace $0x90000048  }
0xc9: {  	_ =	sfence  }
0xca: {  	s30 =	sld [smem:$0x0];
	_ =	sdelay $0x2  }
0xcb: {  	s31 =	sshll.u32 s1, $0xD;
	s1 =	sshrl.u32 s1, $0x2  }
0xcc: {  	s3 =	sand.u32 $0x4000, s31;
	s1 =	sadd.s32 s1, s30  }
0xcd: {  	s0 =	sor.u32 s3, s0;
	s1 =	sshll.u32 s1, $0x11  }
0xce: {  	s0 =	sor.u32 s1, s0  }
0xcf: {  	s0 =	sadd.s32 $0x8F2B, s0  }
0xd0: {  	[sflag:s0] =	ssyncadd.remote.s32 $0x1  }
0xd1: {  	_ =	sfence.sel $0xFFFF  }
0xd2: {  	[dreg:$0x0] =	wrdreg $0xFFFFFFFF;
	(pc) =	sbr.abs _section_cstart, $3  }
0xd3: {  	[dreg:$0x1] =	wrdreg $0xFFFFFFFF  }
0xd4: {  	_ =	task.clear_ibuf [dreg:s16], $0x2FFFF;
	_ =	strace $0x9FFFFFFF  }
0xd5: {  	(tm) =	ssettm $0x7FFFFFFF  }
tec
execute0_lowered:
.L_overlay_start_1:
0x0: {  	(tag) =	ssettag $0x1  }
0x1: {  	s0 =	rddreg [dreg:$0x4]  }
0x2: {  	s1 =	rddreg [dreg:$0x5]  }
0x3: {  	s2 =	rddreg [dreg:$0x6]  }
0x4: {  	s3 =	rddreg [dreg:$0x7]  }
0x5: {  	s4 =	rddreg [dreg:$0x8]  }
0x6: {  	s6 =	rddreg [dreg:$0x9]  }
0x7: {  	s8 =	rddreg [dreg:$0xa];
	s14 =	stileid.u32  }
0x8: {  	s7 =	srdreg.scid;
	s12 =	smul.u32 $0x2710, s14  }
0x9: {  	s5 =	rddreg [dreg:$0xb];
	s9 =	sand.u32 $0x1, s7;
	s13 =	smul.u32 $0x27120, s14  }
0xa: {  	s7 =	simm.s32 $0x0;
	s8 =	sadd.s32 $0x400, s8;
	s19 =	smul.u32 $0x9C40, s14  }
0xb: {  	s14 =	simm.s32 $0x15248;
	s10 =	ssub.s32 $0x2, s9;
	[smem:$0x7FF] =	sst s7  }
0xc: {  	p0 =	seq.s32 s9, $0x1;
	s28 =	sshrl.u32 s12, $0x3;
	s21 =	sadd.s32 s19, s5  }
0xd: {  	_ =	strace $0x80000047;
	s0 =	sadd.s32 s0, s28;
	[dreg:$0x1a] =	wrdreg s21  }
0xe: {  	s30 =	smul.u32 $0x5F5E100, s9;
	s29 =	sadd.s32 s1, s28;
	[dreg:$0xd] =	wrdreg s0  }
0xf: {  	s11 =	sshrl.u32 s10, $0x1;
	s31 =	sadd.s32 s2, s28;
	[dreg:$0xe] =	wrdreg s29  }
0x10: {  	s22 =	sadd.s32 s12, s5;
	s2 =	sadd.s32 s3, s28;
	[dreg:$0xf] =	wrdreg s31  }
0x11: {  	s10 =	ssub.s32 s10, s11;
	s4 =	sadd.s32 s4, s28;
	[dreg:$0x10] =	wrdreg s2  }
0x12: {  	s3 =	sshrl.u32 s13, $0x2;
	s15 =	sadd.s32 s6, s28;
	[dreg:$0x11] =	wrdreg s4  }
0x13: {  	s13 =	sadd.s32 s30, s12;
	s24 =	sadd.s32 $0x1388, s21;
	[dreg:$0x13] =	wrdreg s15  }
0x14: {  	s25 =	sadd.s32 $0x2710, s21;
	s26 =	sadd.s32 $0x3A98, s21;
	[dreg:$0x1d] =	wrdreg s24  }
0x15: {  	s28 =	sadd.s32 $0x4E20, s21;
	s12 =	smov.u32 s22;
	[dreg:$0x1e] =	wrdreg s25  }
0x16: {  	s11 =	simm.s32 $0x5;
	s6 =	simm.s32 $0x0;
	[dreg:$0x1f] =	wrdreg s26  }
0x17: {  	v0 =	vimm.s32 $0xFEDCBA98;
	v1 =	vimm.s32 $0x76543210;
	s9 =	sadd.s32 s3, s5;
	s17 =	sshrl.u32 s13, $0x3;
	[smem:$0x7F9] =	sst s28  }
0x18: {  	v2 =	vimm.s32 $0xBA98FEDC;
	v3 =	vimm.s32 $0x32107654;
	s0 =	sadd.s32 s30, s19;
	s1 =	sadd.s32 $0x5F38388, s13;
	[dreg:$0x12] =	wrdreg s9  }
0x19: {  	v4 =	vimm.s32 $0xDCFE98BA;
	v5 =	vimm.s32 $0x54761032;
	s23 =	smax.u32 s10, $0x1;
	s29 =	sadd.s32 $0x61A8, s21;
	[dreg:$0x19] =	wrdreg s0  }
0x1a: {  	v6 =	vimm.s32 $0xEFCDAB89;
	v7 =	vimm.s32 $0x67452301;
	s30 =	sadd.s32 $0x7530, s21;
	s31 =	sadd.s32 $0x1388, s22;
	[dreg:$0x1b] =	wrdreg s1  }
0x1b: {  	v0 =	vunpack.c.l.s4.s8 v0;
	v1 =	vunpack.c.l.s4.s8 v1;
	v2 =	vunpack.c.l.s4.s8 v2;
	s10 =	simm.s32 $0x10;
	s13 =	simm.s32 $0x122C8;
	[dreg:$0x1c] =	wrdreg s23  }
0x1c: {  	v3 =	vunpack.c.l.s4.s8 v3;
	v4 =	vunpack.c.l.s4.s8 v4;
	v5 =	vunpack.c.l.s4.s8 v5;
	s19 =	simm.s32 $0x1AD48;
	s25 =	simm.s32 $0x1AE48;
	[smem:$0x7FA] =	sst s29  }
0x1d: {  	v6 =	vunpack.c.l.s4.s8 v6;
	v7 =	vunpack.c.l.s4.s8 v7;
	v0 =	vunpack.c.0.s8.s32 v0;
	s3 =	simm.s32 $0x12AC8;
	s24 =	simm.s32 $0x1AF48;
	[smem:$0x7FB] =	sst s30  }
0x1e: {  	v1 =	vunpack.c.0.s8.s32 v1;
	v2 =	vunpack.c.0.s8.s32 v2;
	v3 =	vunpack.c.0.s8.s32 v3;
	s26 =	simm.s32 $0x1AFC8;
	s16 =	sadd.s32 $0x2710, s9;
	[smem:$0x7FD] =	sst s31  }
0x1f: {  	v4 =	vunpack.c.0.s8.s32 v4;
	v5 =	vunpack.c.0.s8.s32 v5;
	v0 =	vand.u32 $0xF, v0;
	s18 =	sadd.s32 $0x4E20, s9;
	s2 =	sadd.s32 s8, s17;
	[dreg:$0x14] =	wrdreg s16  }
0x20: {  	v6 =	vunpack.c.0.s8.s32 v6;
	v7 =	vunpack.c.0.s8.s32 v7;
	s20 =	sadd.s32 $0x7530, s9;
	s4 =	sadd.s32 $0x9C40, s9;
	v0 =	vcombine.low v0, v1;
	[dreg:$0x15] =	wrdreg s18  }
.Ltmp0:
0x21: {  	s0 =	sadd.s32 $0x88B8, s21;
	v1 =	vcombine.low v3, v2;
	v2 =	vcombine.low v5, v4;
	v3 =	vlaneseq.u32;
	[dreg:$0x16] =	wrdreg s20;
	(pc) =	sbr.rel .LBB2_1-.Ltmp0, $4  }
0x22: {  	s17 =	simm.s32 $0x2;
	v4 =	vcombine.low v7, v6;
	v5 =	vimm.s32 $0x0;
	v7 =	vimm.f32 $0.0e+00;
	s1 =	simm.s32 $0x4;
	[dreg:$0x17] =	wrdreg s4  }
0x23: {  	s21 =	simm.s32 $0x80;
	s2 =	sadd.s32 $0xBE6E00, s2;
	[smem:$0x7FC] =	sst s0;
	v6 =	vor.u32 $0x9C400, v3;
	v8 =	vadd.s32 $0x1, v3;
	v9 =	vadd.s32 $0x11, v3  }
0x24: {  	s16 =	simm.s32 $0x1;
	s18 =	simm.s32 $0x3;
	s0 =	simm.s32 $0x1B048;
	v10 =	vadd.s32 $0x21, v3;
	v11 =	vadd.s32 $0x31, v3;
	v12 =	vadd.s32 $0x41, v3  }
0x25: {  	s20 =	simm.s32 $0x1C3D0;
	v13 =	vadd.s32 $0x51, v3;
	v14 =	vadd.s32 $0x61, v3;
	v15 =	vadd.s32 $0x71, v3;
	[dreg:$0x18] =	wrdreg s2;
	s2 =	simm.s32 $0x17FC8  }
.LBB2_36:
0x26: {  	s6 =	sld [smem:$0x7F8];
	_ =	sdelay $0x2  }
0x27: {  	s4 =	rddreg [dreg:$0x1c];
	s6 =	sadd.s32 $0x1, s6  }
0x28: {  	p1 =	sne.s32 s6, s4  }
.Ltmp1:
0x29: {  	_ = 	snop;
	(pc) =	sbr.rel @!p1 .LBB2_37-.Ltmp1, $1  }
0x2a: {  	_ =	sdelay $0x3  }
.LBB2_1:
.Ltmp2:
0x2b: {  	(pc) =	sbr.rel @!p0 .LBB2_2-.Ltmp2, $2  }
0x2c: {  	_ =	sdelay $0x2  }
0x2d: {  	[smem:$0x7F8] =	sst s6;
	s23 =	simm.s32 $0x0  }
0x2e: {  	s4 =	rddreg [dreg:$0x10];
	s6 =	simm.s32 $0x9C48  }
0x2f: {  	[tilespmem:s6], [sflag:$0x5] =	stream.linear.gather [hbm4b:s4+s23], $0x2710, $0x38;
	[tilespmem:$0x1D7C8] =	vst v63  }
0x30: {  	_ =	swait.ge [sflag:s11], $0x2710  }
0x31: {  	[sflag:s11] =	ssyncset.done $0x0  }
0x32: {  	s29 =	simm.s32 $0xC3C8;
	s28 =	rddreg [dreg:$0x11];
	[sflag:s11] =	ssyncadd.s32 $0xFFFFD8F0  }
0x33: {  	[tilespmem:s29], [sflag:$0x5] =	stream.linear.gather [hbm4b:s28+s23], $0x2710, $0x38;
	[tilespmem:$0x1D7C8] =	vst v63  }
0x34: {  	_ =	swait.ge [sflag:s11], $0x2710  }
0x35: {  	[sflag:s11] =	ssyncset.done $0x0  }
0x36: {  	s31 =	simm.s32 $0xEB48;
	s30 =	rddreg [dreg:$0x13];
	[sflag:s11] =	ssyncadd.s32 $0xFFFFD8F0  }
0x37: {  	[tilespmem:s31], [sflag:$0x5] =	stream.linear.gather [hbm4b:s30+s23], $0x2710, $0x38;
	[tilespmem:$0x1D7C8] =	vst v63  }
0x38: {  	_ =	swait.ge [sflag:s11], $0x2710  }
0x39: {  	[sflag:s11] =	ssyncset.done $0x0  }
0x3a: {  	[sflag:s11] =	ssyncadd.s32 $0xFFFFD8F0  }
.LBB2_7:
0x3b: {  	s28 =	sshll.u32 s23, $0x4  }
0x3c: {  	s6 =	rddreg [dreg:$0x1];
	s9 =	simm.s32 $0x112C8;
	s4 =	sadd.s32 $0x9C48, s28  }
0x3d: {  	[tilespmem:s9], [sflag:$0x1] =	stream.indirect.gather [hbm4b:s6+s10], $0x80, s4, s10, $0xb8;
	[tilespmem:$0x1D7C8] =	vst v63  }
0x3e: {  	s31 =	simm.s32 $0x11AC8;
	s22 =	sadd.s32 $0xC3C8, s28  }
0x3f: {  	[tilespmem:s31], [sflag:$0x2] =	stream.indirect.gather [hbm4b:s6+s10], $0x80, s22, s10, $0xb8;
	[tilespmem:$0x1D7C8] =	vst v63  }
0x40: {  	s9 =	rddreg [dreg:$0x3];
	s6 =	sadd.s32 $0xEB48, s28  }
0x41: {  	[tilespmem:s13], [sflag:$0x3] =	stream.indirect.gather [hbm4b:s9+s10], $0x80, s6, s10, $0xb8;
	[tilespmem:$0x1D7C8] =	vst v63  }
0x42: {  	_ =	swait.ge [sflag:s16], $0x800  }
0x43: {  	[sflag:s16] =	ssyncset.done $0x0  }
0x44: {  	[sflag:s16] =	ssyncadd.s32 $0xFFFFF800  }
0x45: {  	_ =	swait.ge [sflag:s17], $0x800  }
0x46: {  	[sflag:s17] =	ssyncset.done $0x0  }
0x47: {  	[sflag:s17] =	ssyncadd.s32 $0xFFFFF800  }
0x48: {  	_ =	swait.ge [sflag:s18], $0x800  }
0x49: {  	[sflag:s18] =	ssyncset.done $0x0  }
0x4a: {  	s15 =	simm.s32 $0x11B08;
	[sflag:s18] =	ssyncadd.s32 $0xFFFFF800  }
0x4b: {  	v16 =	vld [tilespmem:s15+$0x20]  }
0x4c: {  	v20 =	vld [tilespmem:s15+$0x10]  }
0x4d: {  	v17 =	vld [tilespmem:s15+$0x0]  }
0x4e: {  	s22 =	simm.s32 $0x11308;
	v18 =	vld [tilespmem:s15+$0xFFFFFFF0]  }
0x4f: {  	v19 =	vld [tilespmem:s22+$0x0]  }
0x50: {  	v21 =	vld [tilespmem:s22+$0xFFFFFFF0]  }
0x51: {  	v22 =	vld [tilespmem:s15+$0xFFFFFFC0]  }
0x52: {  	v23 =	vld [tilespmem:s22+$0xFFFFFFE0]  }
0x53: {  	s31 =	simm.s32 $0x12308;
	v24 =	vld [tilespmem:s22+$0xFFFFFFC0]  }
0x54: {  	v25 =	vld [tilespmem:s31+$0xFFFFFFC0]  }
0x55: {  	v26 =	vld [tilespmem:s22+$0xFFFFFFD0]  }
0x56: {  	v27 =	vld [tilespmem:s31+$0xFFFFFFD0]  }
0x57: {  	v28 =	vld [tilespmem:s31+$0xFFFFFFE0]  }
0x58: {  	v29 =	vld [tilespmem:s15+$0xFFFFFFD0]  }
0x59: {  	v30 =	vld [tilespmem:s31+$0xFFFFFFF0]  }
0x5a: {  	v31 =	vld [tilespmem:s15+$0xFFFFFFE0]  }
0x5b: {  	v24 =	vadd.f32 v25, v24;
	v25 =	vld [tilespmem:s31+$0x0];
	v26 =	vadd.f32 v27, v26  }
0x5c: {  	v27 =	vld [tilespmem:s22+$0x10];
	v23 =	vadd.f32 v28, v23  }
0x5d: {  	v28 =	vld [tilespmem:s22+$0x20];
	v22 =	vsub.f32 v24, v22;
	v26 =	vsub.f32 v26, v29  }
0x5e: {  	v21 =	vadd.f32 v30, v21;
	v24 =	vld [tilespmem:s31+$0x10]  }
0x5f: {  	v29 =	vld [tilespmem:s31+$0x20];
	v23 =	vsub.f32 v23, v31;
	v22 =	vmul.f32 v22, v22;
	v26 =	vmul.f32 v26, v26  }
0x60: {  	v30 =	vld [tilespmem:s22+$0x30];
	s22 =	simm.s32 $0x11B88;
	v19 =	vadd.f32 v25, v19  }
0x61: {  	v21 =	vsub.f32 v21, v18;
	v18 =	vld [tilespmem:s22+$0x20];
	v23 =	vmul.f32 v23, v23;
	v22 =	vadd.f32 v26, v22  }
0x62: {  	v25 =	vld [tilespmem:s31+$0x30];
	v31 =	vsub.f32 v19, v17  }
0x63: {  	v21 =	vmul.f32 v21, v21;
	v26 =	vld [tilespmem:s15+$0x30];
	v24 =	vadd.f32 v24, v27;
	v22 =	vadd.f32 v23, v22  }
0x64: {  	v17 =	vld [tilespmem:s22+$0x10];
	v23 =	vadd.f32 v29, v28  }
0x65: {  	s6 =	simm.s32 $0x12388;
	v19 =	vld [tilespmem:s22+$0x0];
	v24 =	vsub.f32 v24, v20;
	v27 =	vmul.f32 v31, v31;
	v22 =	vadd.f32 v21, v22  }
0x66: {  	v28 =	vld [tilespmem:s6+$0xFFFFFFC0];
	v16 =	vsub.f32 v23, v16  }
0x67: {  	s4 =	simm.s32 $0x11388;
	v20 =	vld [tilespmem:s22+$0xFFFFFFF0];
	v23 =	vadd.f32 v25, v30;
	v25 =	vadd.f32 v27, v22;
	v27 =	vmul.f32 v24, v24  }
0x68: {  	v21 =	vld [tilespmem:s4+$0x0]  }
0x69: {  	v22 =	vld [tilespmem:s4+$0xFFFFFFF0];
	v16 =	vmul.f32 v16, v16;
	v23 =	vsub.f32 v23, v26;
	v27 =	vadd.f32 v27, v25  }
0x6a: {  	v24 =	vld [tilespmem:s22+$0xFFFFFFC0]  }
0x6b: {  	v26 =	vld [tilespmem:s4+$0xFFFFFFC0];
	v23 =	vmul.f32 v23, v23;
	v29 =	vadd.f32 v16, v27  }
0x6c: {  	v25 =	vld [tilespmem:s4+$0xFFFFFFE0]  }
0x6d: {  	v27 =	vld [tilespmem:s4+$0xFFFFFFD0];
	v23 =	vadd.f32 v23, v29  }
0x6e: {  	s29 =	simm.s32 $0x1;
	s30 =	simm.s32 $0x0;
	s9 =	simm.s32 $0x2;
	v16 =	vimm.f32 $0.0e+00;
	v29 =	vld [tilespmem:s6+$0xFFFFFFD0]  }
.LBB2_8:
0x6f: {  	p1 =	sne.s32 s9, $0xF;
	v30 =	vld [tilespmem:s6+$0xFFFFFFE0];
	v31 =	vperm.xlane v23, v0  }
0x70: {  	v32 =	vld [tilespmem:s22+$0xFFFFFFD0]  }
0x71: {  	v33 =	vld [tilespmem:s6+$0xFFFFFFF0];
	v23 =	vadd.f32 v23, v31  }
0x72: {  	v26 =	vadd.f32 v28, v26;
	v28 =	vld [tilespmem:s22+$0xFFFFFFE0]  }
0x73: {  	v27 =	vadd.f32 v29, v27;
	v29 =	vld [tilespmem:s6+$0x0];
	v31 =	vperm.xlane v23, v1  }
0x74: {  	v24 =	vsub.f32 v26, v24;
	v25 =	vadd.f32 v30, v25;
	v26 =	vld [tilespmem:s4+$0x10]  }
0x75: {  	v27 =	vsub.f32 v27, v32;
	v30 =	vld [tilespmem:s6+$0x10];
	v23 =	vadd.f32 v23, v31  }
0x76: {  	v24 =	vmul.f32 v24, v24;
	v22 =	vadd.f32 v33, v22;
	v31 =	vld [tilespmem:s4+$0x20]  }
0x77: {  	v27 =	vmul.f32 v27, v27;
	v25 =	vsub.f32 v25, v28;
	v28 =	vld [tilespmem:s6+$0x20];
	v32 =	vperm.xlane v23, v2  }
0x78: {  	v20 =	vsub.f32 v22, v20;
	v21 =	vadd.f32 v29, v21;
	v22 =	vld [tilespmem:s4+$0x30]  }
0x79: {  	v24 =	vadd.f32 v27, v24;
	v25 =	vmul.f32 v25, v25;
	v27 =	vld [tilespmem:s6+$0x30];
	v23 =	vadd.f32 v23, v32  }
0x7a: {  	v21 =	vsub.f32 v21, v19;
	v19 =	vadd.f32 v30, v26;
	v26 =	vld [tilespmem:s22+$0x30];
	s22 =	sadd.s32 $0x80, s22  }
0x7b: {  	v20 =	vmul.f32 v20, v20;
	v29 =	vld [tilespmem:s22+$0x20];
	v24 =	vadd.f32 v25, v24;
	v25 =	vperm.xlane v23, v4  }
0x7c: {  	v30 =	vsub.f32 v19, v17;
	v17 =	vld [tilespmem:s22+$0x10];
	v28 =	vadd.f32 v28, v31;
	v31 =	vmov s30;
	s30 =	smov.u32 s29;
	s29 =	smov.u32 s9  }
0x7d: {  	v32 =	vmul.f32 v21, v21;
	v19 =	vld [tilespmem:s22+$0x0];
	v24 =	vadd.f32 v20, v24;
	v23 =	vadd.f32 v23, v25  }
0x7e: {  	s4 =	sadd.s32 $0x80, s4;
	vm0 =	veq.s32 v31, v3;
	v20 =	vld [tilespmem:s22+$0xFFFFFFF0];
	v25 =	vsub.f32 v28, v18;
	v27 =	vadd.f32 v27, v22  }
0x7f: {  	v30 =	vmul.f32 v30, v30;
	v21 =	vld [tilespmem:s4+$0x0];
	v28 =	vadd.f32 v32, v24;
	v16 =	vsel vm0, v23, v16  }
0x80: {  	v22 =	vld [tilespmem:s4+$0xFFFFFFF0];
	v18 =	vmov v29  }
0x81: {  	v27 =	vsub.f32 v27, v26;
	v24 =	vld [tilespmem:s22+$0xFFFFFFC0];
	v23 =	vadd.f32 v30, v28;
	v28 =	vmul.f32 v25, v25  }
.Ltmp3:
0x82: {  	v25 =	vld [tilespmem:s4+$0xFFFFFFE0];
	(pc) =	sbr.rel @p1 .LBB2_8-.Ltmp3, $4  }
0x83: {  	s6 =	sadd.s32 $0x80, s6;
	v29 =	vmul.f32 v27, v27;
	v26 =	vld [tilespmem:s4+$0xFFFFFFC0];
	v23 =	vadd.f32 v28, v23  }
0x84: {  	v28 =	vld [tilespmem:s6+$0xFFFFFFC0]  }
0x85: {  	v27 =	vld [tilespmem:s4+$0xFFFFFFD0];
	v23 =	vadd.f32 v29, v23  }
0x86: {  	s9 =	sadd.s32 $0x1, s9;
	v29 =	vld [tilespmem:s6+$0xFFFFFFD0]  }
0x87: {  	v30 =	vld [tilespmem:s6+$0xFFFFFFE0]  }
0x88: {  	v31 =	vld [tilespmem:s22+$0xFFFFFFD0]  }
0x89: {  	v32 =	vld [tilespmem:s6+$0xFFFFFFF0]  }
0x8a: {  	v42 =	vld [tilespmem:s22+$0xFFFFFFE0];
	v26 =	vadd.f32 v28, v26  }
0x8b: {  	v43 =	vld [tilespmem:s6+$0x0];
	v27 =	vadd.f32 v29, v27  }
0x8c: {  	v44 =	vld [tilespmem:s4+$0x10];
	v24 =	vsub.f32 v26, v24  }
0x8d: {  	v45 =	vld [tilespmem:s6+$0x10];
	v25 =	vadd.f32 v30, v25;
	v27 =	vsub.f32 v27, v31  }
0x8e: {  	v46 =	vld [tilespmem:s4+$0x20];
	v22 =	vadd.f32 v32, v22  }
0x8f: {  	v47 =	vld [tilespmem:s6+$0x20];
	v24 =	vmul.f32 v24, v24;
	v25 =	vsub.f32 v25, v42;
	v27 =	vmul.f32 v27, v27  }
0x90: {  	v48 =	vld [tilespmem:s4+$0x30];
	v21 =	vadd.f32 v43, v21  }
0x91: {  	v49 =	vld [tilespmem:s6+$0x30];
	v20 =	vsub.f32 v22, v20;
	v25 =	vmul.f32 v25, v25;
	v24 =	vadd.f32 v27, v24  }
0x92: {  	v50 =	vadd.f32 v45, v44  }
0x93: {  	v19 =	vsub.f32 v21, v19;
	v20 =	vmul.f32 v20, v20;
	v24 =	vadd.f32 v25, v24  }
0x94: {  	v51 =	vld [tilespmem:s22+$0x30];
	v52 =	vadd.f32 v47, v46  }
0x95: {  	v17 =	vsub.f32 v50, v17;
	v19 =	vmul.f32 v19, v19;
	v20 =	vadd.f32 v20, v24  }
0x96: {  	v53 =	vadd.f32 v49, v48  }
0x97: {  	v18 =	vsub.f32 v52, v18;
	v17 =	vmul.f32 v17, v17;
	v19 =	vadd.f32 v19, v20;
	_ =	sdelay $0x1  }
0x98: {  	v54 =	vsub.f32 v53, v51;
	v18 =	vmul.f32 v18, v18;
	v17 =	vadd.f32 v17, v19;
	_ =	sdelay $0x1  }
0x99: {  	v55 =	vmul.f32 v54, v54;
	v17 =	vadd.f32 v18, v17;
	_ =	sdelay $0x1  }
0x9a: {  	v17 =	vadd.f32 v55, v17  }
0x9b: {  	v56 =	vperm.xlane v23, v0  }
0x9c: {  	v57 =	vperm.xlane v17, v0  }
0x9d: {  	v18 =	vadd.f32 v23, v56  }
0x9e: {  	v17 =	vadd.f32 v17, v57  }
0x9f: {  	v58 =	vperm.xlane v18, v1  }
0xa0: {  	v59 =	vperm.xlane v17, v1  }
0xa1: {  	v18 =	vadd.f32 v18, v58  }
0xa2: {  	v17 =	vadd.f32 v17, v59  }
0xa3: {  	v19 =	vperm.xlane v18, v2  }
0xa4: {  	v20 =	vperm.xlane v17, v2  }
0xa5: {  	v18 =	vadd.f32 v18, v19  }
0xa6: {  	v17 =	vadd.f32 v17, v20  }
0xa7: {  	v19 =	vperm.xlane v18, v4  }
0xa8: {  	v20 =	vperm.xlane v17, v4  }
0xa9: {  	v60 =	vmov s30;
	v18 =	vadd.f32 v18, v19  }
0xaa: {  	v61 =	vmov s29;
	vm0 =	veq.s32 v60, v3;
	v17 =	vadd.f32 v17, v20  }
0xab: {  	vm15 =	veq.s32 v61, v3;
	v16 =	vsel vm0, v18, v16  }
0xac: {  	v16 =	vsel vm15, v17, v16  }
0xad: {  	v16 =	vmax.f32 v16, $1.000000000e-30  }
0xae: {  	v17 =	vshra.s32 v16, $0x1;
	v62 =	vmul.f32 $5.000000000e-01, v16  }
0xaf: {  	v17 =	vsub.s32 $0x5F3759DF, v17  }
0xb0: {  	v63 =	vmul.f32 v17, v62;
	_ =	sdelay $0x1  }
0xb1: {  	v19 =	vmul.f32 v17, v63;
	_ =	sdelay $0x1  }
0xb2: {  	v19 =	vsub.f32 $1.500000000e+00, v19;
	_ =	sdelay $0x1  }
0xb3: {  	v17 =	vmul.f32 v17, v19;
	_ =	sdelay $0x1  }
0xb4: {  	v19 =	vmul.f32 v17, v62;
	_ =	sdelay $0x1  }
0xb5: {  	v19 =	vmul.f32 v19, v17;
	_ =	sdelay $0x1  }
0xb6: {  	v19 =	vsub.f32 $1.500000000e+00, v19;
	_ =	sdelay $0x1  }
0xb7: {  	v17 =	vmul.f32 v19, v17;
	_ =	sdelay $0x1  }
0xb8: {  	v18 =	vmul.f32 v17, v62;
	_ =	sdelay $0x1  }
0xb9: {  	v18 =	vmul.f32 v18, v17;
	_ =	sdelay $0x1  }
0xba: {  	v18 =	vsub.f32 $1.500000000e+00, v18;
	_ =	sdelay $0x1  }
0xbb: {  	v17 =	vmul.f32 v18, v17;
	_ =	sdelay $0x1  }
0xbc: {  	s23 =	sadd.s32 $0x1, s23;
	v16 =	vmul.f32 v17, v16  }
0xbd: {  	p1 =	sne.s32 s23, $0x271  }
.Ltmp4:
0xbe: {  	v16 =	vmul.f32 $-2.946278270e-02, v16;
	(pc) =	sbr.rel @p1 .LBB2_7-.Ltmp4, $4  }
.Ltmp5:
0xbf: {  	_ = 	snop;
	(pc) =	sbr.rel @!p1 .LBB2_10-.Ltmp5, $4  }
0xc0: {  	v16 =	vadd.f32 $1.000000000e+00, v16  }
0xc1: {  	_ = 	snop  }
0xc2: {  	[tilespmem:s28+$0x12AC8] =	vst v16  }
0xc3: {  	_ = 	snop  }
.LBB2_2:
0xc4: {  	s4 =	rddreg [dreg:$0xd];
	s6 =	simm.s32 $0x9C48  }
0xc5: {  	[tilespmem:s6], [sflag:$0x5] =	stream.linear.gather [hbm4b:s4+s23], $0x2710, $0x38;
	[tilespmem:$0x1D7C8] =	vst v63  }
0xc6: {  	_ =	swait.ge [sflag:s11], $0x2710  }
0xc7: {  	[sflag:s11] =	ssyncset.done $0x0  }
0xc8: {  	s29 =	simm.s32 $0xC3C8;
	s28 =	rddreg [dreg:$0xe];
	[sflag:s11] =	ssyncadd.s32 $0xFFFFD8F0  }
0xc9: {  	[tilespmem:s29], [sflag:$0x5] =	stream.linear.gather [hbm4b:s28+s23], $0x2710, $0x38;
	[tilespmem:$0x1D7C8] =	vst v63  }
0xca: {  	_ =	swait.ge [sflag:s11], $0x2710  }
0xcb: {  	[sflag:s11] =	ssyncset.done $0x0  }
0xcc: {  	s31 =	simm.s32 $0xEB48;
	s30 =	rddreg [dreg:$0xf];
	[sflag:s11] =	ssyncadd.s32 $0xFFFFD8F0  }
0xcd: {  	[tilespmem:s31], [sflag:$0x5] =	stream.linear.gather [hbm4b:s30+s23], $0x2710, $0x38;
	[tilespmem:$0x1D7C8] =	vst v63  }
0xce: {  	_ =	swait.ge [sflag:s11], $0x2710  }
0xcf: {  	[sflag:s11] =	ssyncset.done $0x0  }
0xd0: {  	[sflag:s11] =	ssyncadd.s32 $0xFFFFD8F0  }
.LBB2_3:
0xd1: {  	s28 =	sshll.u32 s23, $0x4  }
0xd2: {  	s6 =	rddreg [dreg:$0x0];
	s9 =	simm.s32 $0x112C8;
	s4 =	sadd.s32 $0x9C48, s28  }
0xd3: {  	[tilespmem:s9], [sflag:$0x1] =	stream.indirect.gather [hbm4b:s6+s10], $0x80, s4, s10, $0xb8;
	[tilespmem:$0x1D7C8] =	vst v63  }
0xd4: {  	s31 =	simm.s32 $0x11AC8;
	s22 =	sadd.s32 $0xC3C8, s28  }
0xd5: {  	[tilespmem:s31], [sflag:$0x2] =	stream.indirect.gather [hbm4b:s6+s10], $0x80, s22, s10, $0xb8;
	[tilespmem:$0x1D7C8] =	vst v63  }
0xd6: {  	s9 =	rddreg [dreg:$0x2];
	s6 =	sadd.s32 $0xEB48, s28  }
0xd7: {  	[tilespmem:s13], [sflag:$0x3] =	stream.indirect.gather [hbm4b:s9+s10], $0x80, s6, s10, $0xb8;
	[tilespmem:$0x1D7C8] =	vst v63  }
0xd8: {  	_ =	swait.ge [sflag:s16], $0x800  }
0xd9: {  	[sflag:s16] =	ssyncset.done $0x0  }
0xda: {  	[sflag:s16] =	ssyncadd.s32 $0xFFFFF800  }
0xdb: {  	_ =	swait.ge [sflag:s17], $0x800  }
0xdc: {  	[sflag:s17] =	ssyncset.done $0x0  }
0xdd: {  	[sflag:s17] =	ssyncadd.s32 $0xFFFFF800  }
0xde: {  	_ =	swait.ge [sflag:s18], $0x800  }
0xdf: {  	[sflag:s18] =	ssyncset.done $0x0  }
0xe0: {  	s15 =	simm.s32 $0x11B08;
	[sflag:s18] =	ssyncadd.s32 $0xFFFFF800  }
0xe1: {  	v16 =	vld [tilespmem:s15+$0x20]  }
0xe2: {  	v20 =	vld [tilespmem:s15+$0x10]  }
0xe3: {  	v17 =	vld [tilespmem:s15+$0x0]  }
0xe4: {  	s22 =	simm.s32 $0x11308;
	v18 =	vld [tilespmem:s15+$0xFFFFFFF0]  }
0xe5: {  	v19 =	vld [tilespmem:s22+$0x0]  }
0xe6: {  	v21 =	vld [tilespmem:s22+$0xFFFFFFF0]  }
0xe7: {  	v22 =	vld [tilespmem:s15+$0xFFFFFFC0]  }
0xe8: {  	v23 =	vld [tilespmem:s22+$0xFFFFFFE0]  }
0xe9: {  	s31 =	simm.s32 $0x12308;
	v24 =	vld [tilespmem:s22+$0xFFFFFFC0]  }
0xea: {  	v25 =	vld [tilespmem:s31+$0xFFFFFFC0]  }
0xeb: {  	v26 =	vld [tilespmem:s22+$0xFFFFFFD0]  }
0xec: {  	v27 =	vld [tilespmem:s31+$0xFFFFFFD0]  }
0xed: {  	v28 =	vld [tilespmem:s31+$0xFFFFFFE0]  }
0xee: {  	v29 =	vld [tilespmem:s15+$0xFFFFFFD0]  }
0xef: {  	v30 =	vld [tilespmem:s31+$0xFFFFFFF0]  }
0xf0: {  	v31 =	vld [tilespmem:s15+$0xFFFFFFE0]  }
0xf1: {  	v24 =	vadd.f32 v25, v24;
	v25 =	vld [tilespmem:s31+$0x0];
	v26 =	vadd.f32 v27, v26  }
0xf2: {  	v27 =	vld [tilespmem:s22+$0x10];
	v23 =	vadd.f32 v28, v23  }
0xf3: {  	v28 =	vld [tilespmem:s22+$0x20];
	v22 =	vsub.f32 v24, v22;
	v26 =	vsub.f32 v26, v29  }
0xf4: {  	v21 =	vadd.f32 v30, v21;
	v24 =	vld [tilespmem:s31+$0x10]  }
0xf5: {  	v29 =	vld [tilespmem:s31+$0x20];
	v23 =	vsub.f32 v23, v31;
	v22 =	vmul.f32 v22, v22;
	v26 =	vmul.f32 v26, v26  }
0xf6: {  	v30 =	vld [tilespmem:s22+$0x30];
	s22 =	simm.s32 $0x11B88;
	v19 =	vadd.f32 v25, v19  }
0xf7: {  	v21 =	vsub.f32 v21, v18;
	v18 =	vld [tilespmem:s22+$0x20];
	v23 =	vmul.f32 v23, v23;
	v22 =	vadd.f32 v26, v22  }
0xf8: {  	v25 =	vld [tilespmem:s31+$0x30];
	v31 =	vsub.f32 v19, v17  }
0xf9: {  	v21 =	vmul.f32 v21, v21;
	v26 =	vld [tilespmem:s15+$0x30];
	v24 =	vadd.f32 v24, v27;
	v22 =	vadd.f32 v23, v22  }
0xfa: {  	v17 =	vld [tilespmem:s22+$0x10];
	v23 =	vadd.f32 v29, v28  }
0xfb: {  	s6 =	simm.s32 $0x12388;
	v19 =	vld [tilespmem:s22+$0x0];
	v24 =	vsub.f32 v24, v20;
	v27 =	vmul.f32 v31, v31;
	v22 =	vadd.f32 v21, v22  }
0xfc: {  	v28 =	vld [tilespmem:s6+$0xFFFFFFC0];
	v16 =	vsub.f32 v23, v16  }
0xfd: {  	s4 =	simm.s32 $0x11388;
	v20 =	vld [tilespmem:s22+$0xFFFFFFF0];
	v23 =	vadd.f32 v25, v30;
	v25 =	vadd.f32 v27, v22;
	v27 =	vmul.f32 v24, v24  }
0xfe: {  	v21 =	vld [tilespmem:s4+$0x0]  }
0xff: {  	v22 =	vld [tilespmem:s4+$0xFFFFFFF0];
	v16 =	vmul.f32 v16, v16;
	v23 =	vsub.f32 v23, v26;
	v27 =	vadd.f32 v27, v25  }
0x100: {  	v24 =	vld [tilespmem:s22+$0xFFFFFFC0]  }
0x101: {  	v26 =	vld [tilespmem:s4+$0xFFFFFFC0];
	v23 =	vmul.f32 v23, v23;
	v29 =	vadd.f32 v16, v27  }
0x102: {  	v25 =	vld [tilespmem:s4+$0xFFFFFFE0]  }
0x103: {  	v27 =	vld [tilespmem:s4+$0xFFFFFFD0];
	v23 =	vadd.f32 v23, v29  }
0x104: {  	s29 =	simm.s32 $0x1;
	s30 =	simm.s32 $0x0;
	s9 =	simm.s32 $0x2;
	v16 =	vimm.f32 $0.0e+00;
	v29 =	vld [tilespmem:s6+$0xFFFFFFD0]  }
.LBB2_4:
0x105: {  	p1 =	sne.s32 s9, $0xF;
	v30 =	vld [tilespmem:s6+$0xFFFFFFE0];
	v31 =	vperm.xlane v23, v0  }
0x106: {  	v32 =	vld [tilespmem:s22+$0xFFFFFFD0]  }
0x107: {  	v33 =	vld [tilespmem:s6+$0xFFFFFFF0];
	v23 =	vadd.f32 v23, v31  }
0x108: {  	v26 =	vadd.f32 v28, v26;
	v28 =	vld [tilespmem:s22+$0xFFFFFFE0]  }
0x109: {  	v27 =	vadd.f32 v29, v27;
	v29 =	vld [tilespmem:s6+$0x0];
	v31 =	vperm.xlane v23, v1  }
0x10a: {  	v24 =	vsub.f32 v26, v24;
	v25 =	vadd.f32 v30, v25;
	v26 =	vld [tilespmem:s4+$0x10]  }
0x10b: {  	v27 =	vsub.f32 v27, v32;
	v30 =	vld [tilespmem:s6+$0x10];
	v23 =	vadd.f32 v23, v31  }
0x10c: {  	v24 =	vmul.f32 v24, v24;
	v22 =	vadd.f32 v33, v22;
	v31 =	vld [tilespmem:s4+$0x20]  }
0x10d: {  	v27 =	vmul.f32 v27, v27;
	v25 =	vsub.f32 v25, v28;
	v28 =	vld [tilespmem:s6+$0x20];
	v32 =	vperm.xlane v23, v2  }
0x10e: {  	v20 =	vsub.f32 v22, v20;
	v21 =	vadd.f32 v29, v21;
	v22 =	vld [tilespmem:s4+$0x30]  }
0x10f: {  	v24 =	vadd.f32 v27, v24;
	v25 =	vmul.f32 v25, v25;
	v27 =	vld [tilespmem:s6+$0x30];
	v23 =	vadd.f32 v23, v32  }
0x110: {  	v21 =	vsub.f32 v21, v19;
	v19 =	vadd.f32 v30, v26;
	v26 =	vld [tilespmem:s22+$0x30];
	s22 =	sadd.s32 $0x80, s22  }
0x111: {  	v20 =	vmul.f32 v20, v20;
	v29 =	vld [tilespmem:s22+$0x20];
	v24 =	vadd.f32 v25, v24;
	v25 =	vperm.xlane v23, v4  }
0x112: {  	v30 =	vsub.f32 v19, v17;
	v17 =	vld [tilespmem:s22+$0x10];
	v28 =	vadd.f32 v28, v31;
	v31 =	vmov s30;
	s30 =	smov.u32 s29;
	s29 =	smov.u32 s9  }
0x113: {  	v32 =	vmul.f32 v21, v21;
	v19 =	vld [tilespmem:s22+$0x0];
	v24 =	vadd.f32 v20, v24;
	v23 =	vadd.f32 v23, v25  }
0x114: {  	s4 =	sadd.s32 $0x80, s4;
	vm0 =	veq.s32 v31, v3;
	v20 =	vld [tilespmem:s22+$0xFFFFFFF0];
	v25 =	vsub.f32 v28, v18;
	v27 =	vadd.f32 v27, v22  }
0x115: {  	v30 =	vmul.f32 v30, v30;
	v21 =	vld [tilespmem:s4+$0x0];
	v28 =	vadd.f32 v32, v24;
	v16 =	vsel vm0, v23, v16  }
0x116: {  	v22 =	vld [tilespmem:s4+$0xFFFFFFF0];
	v18 =	vmov v29  }
0x117: {  	v27 =	vsub.f32 v27, v26;
	v24 =	vld [tilespmem:s22+$0xFFFFFFC0];
	v23 =	vadd.f32 v30, v28;
	v28 =	vmul.f32 v25, v25  }
.Ltmp6:
0x118: {  	v25 =	vld [tilespmem:s4+$0xFFFFFFE0];
	(pc) =	sbr.rel @p1 .LBB2_4-.Ltmp6, $4  }
0x119: {  	s6 =	sadd.s32 $0x80, s6;
	v29 =	vmul.f32 v27, v27;
	v26 =	vld [tilespmem:s4+$0xFFFFFFC0];
	v23 =	vadd.f32 v28, v23  }
0x11a: {  	v28 =	vld [tilespmem:s6+$0xFFFFFFC0]  }
0x11b: {  	v27 =	vld [tilespmem:s4+$0xFFFFFFD0];
	v23 =	vadd.f32 v29, v23  }
0x11c: {  	s9 =	sadd.s32 $0x1, s9;
	v29 =	vld [tilespmem:s6+$0xFFFFFFD0]  }
0x11d: {  	v30 =	vld [tilespmem:s6+$0xFFFFFFE0]  }
0x11e: {  	v31 =	vld [tilespmem:s22+$0xFFFFFFD0]  }
0x11f: {  	v32 =	vld [tilespmem:s6+$0xFFFFFFF0]  }
0x120: {  	v42 =	vld [tilespmem:s22+$0xFFFFFFE0];
	v26 =	vadd.f32 v28, v26  }
0x121: {  	v43 =	vld [tilespmem:s6+$0x0];
	v27 =	vadd.f32 v29, v27  }
0x122: {  	v44 =	vld [tilespmem:s4+$0x10];
	v24 =	vsub.f32 v26, v24  }
0x123: {  	v45 =	vld [tilespmem:s6+$0x10];
	v25 =	vadd.f32 v30, v25;
	v27 =	vsub.f32 v27, v31  }
0x124: {  	v46 =	vld [tilespmem:s4+$0x20];
	v22 =	vadd.f32 v32, v22  }
0x125: {  	v47 =	vld [tilespmem:s6+$0x20];
	v24 =	vmul.f32 v24, v24;
	v25 =	vsub.f32 v25, v42;
	v27 =	vmul.f32 v27, v27  }
0x126: {  	v48 =	vld [tilespmem:s4+$0x30];
	v21 =	vadd.f32 v43, v21  }
0x127: {  	v49 =	vld [tilespmem:s6+$0x30];
	v20 =	vsub.f32 v22, v20;
	v25 =	vmul.f32 v25, v25;
	v24 =	vadd.f32 v27, v24  }
0x128: {  	v50 =	vadd.f32 v45, v44  }
0x129: {  	v19 =	vsub.f32 v21, v19;
	v20 =	vmul.f32 v20, v20;
	v24 =	vadd.f32 v25, v24  }
0x12a: {  	v51 =	vld [tilespmem:s22+$0x30];
	v52 =	vadd.f32 v47, v46  }
0x12b: {  	v17 =	vsub.f32 v50, v17;
	v19 =	vmul.f32 v19, v19;
	v20 =	vadd.f32 v20, v24  }
0x12c: {  	v53 =	vadd.f32 v49, v48  }
0x12d: {  	v18 =	vsub.f32 v52, v18;
	v17 =	vmul.f32 v17, v17;
	v19 =	vadd.f32 v19, v20;
	_ =	sdelay $0x1  }
0x12e: {  	v54 =	vsub.f32 v53, v51;
	v18 =	vmul.f32 v18, v18;
	v17 =	vadd.f32 v17, v19;
	_ =	sdelay $0x1  }
0x12f: {  	v55 =	vmul.f32 v54, v54;
	v17 =	vadd.f32 v18, v17;
	_ =	sdelay $0x1  }
0x130: {  	v17 =	vadd.f32 v55, v17  }
0x131: {  	v56 =	vperm.xlane v23, v0  }
0x132: {  	v57 =	vperm.xlane v17, v0  }
0x133: {  	v18 =	vadd.f32 v23, v56  }
0x134: {  	v17 =	vadd.f32 v17, v57  }
0x135: {  	v58 =	vperm.xlane v18, v1  }
0x136: {  	v59 =	vperm.xlane v17, v1  }
0x137: {  	v18 =	vadd.f32 v18, v58  }
0x138: {  	v17 =	vadd.f32 v17, v59  }
0x139: {  	v19 =	vperm.xlane v18, v2  }
0x13a: {  	v20 =	vperm.xlane v17, v2  }
0x13b: {  	v18 =	vadd.f32 v18, v19  }
0x13c: {  	v17 =	vadd.f32 v17, v20  }
0x13d: {  	v19 =	vperm.xlane v18, v4  }
0x13e: {  	v20 =	vperm.xlane v17, v4  }
0x13f: {  	v60 =	vmov s30;
	v18 =	vadd.f32 v18, v19  }
0x140: {  	v61 =	vmov s29;
	vm0 =	veq.s32 v60, v3;
	v17 =	vadd.f32 v17, v20  }
0x141: {  	vm15 =	veq.s32 v61, v3;
	v16 =	vsel vm0, v18, v16  }
0x142: {  	v16 =	vsel vm15, v17, v16  }
0x143: {  	v16 =	vmax.f32 v16, $1.000000000e-30  }
0x144: {  	v17 =	vshra.s32 v16, $0x1;
	v62 =	vmul.f32 $5.000000000e-01, v16  }
0x145: {  	v17 =	vsub.s32 $0x5F3759DF, v17  }
0x146: {  	v63 =	vmul.f32 v17, v62;
	_ =	sdelay $0x1  }
0x147: {  	v19 =	vmul.f32 v17, v63;
	_ =	sdelay $0x1  }
0x148: {  	v19 =	vsub.f32 $1.500000000e+00, v19;
	_ =	sdelay $0x1  }
0x149: {  	v17 =	vmul.f32 v17, v19;
	_ =	sdelay $0x1  }
0x14a: {  	v19 =	vmul.f32 v17, v62;
	_ =	sdelay $0x1  }
0x14b: {  	v19 =	vmul.f32 v19, v17;
	_ =	sdelay $0x1  }
0x14c: {  	v19 =	vsub.f32 $1.500000000e+00, v19;
	_ =	sdelay $0x1  }
0x14d: {  	v17 =	vmul.f32 v19, v17;
	_ =	sdelay $0x1  }
0x14e: {  	v18 =	vmul.f32 v17, v62;
	_ =	sdelay $0x1  }
0x14f: {  	v18 =	vmul.f32 v18, v17;
	_ =	sdelay $0x1  }
0x150: {  	v18 =	vsub.f32 $1.500000000e+00, v18;
	_ =	sdelay $0x1  }
0x151: {  	v17 =	vmul.f32 v18, v17;
	_ =	sdelay $0x1  }
0x152: {  	s23 =	sadd.s32 $0x1, s23;
	v16 =	vmul.f32 v17, v16  }
0x153: {  	p1 =	seq.s32 s23, $0x271  }
.Ltmp7:
0x154: {  	v16 =	vmul.f32 $-2.946278270e-02, v16;
	(pc) =	sbr.rel @!p1 .LBB2_3-.Ltmp7, $3  }
0x155: {  	_ = 	snop  }
0x156: {  	v16 =	vadd.f32 $1.000000000e+00, v16;
	_ =	sdelay $0x1  }
0x157: {  	[tilespmem:s28+$0x12AC8] =	vst v16  }
.LBB2_10:
0x158: {  	[tilespmem:$0x1AD48] =	vst v5  }
0x159: {  	[tilespmem:$0x1AD58] =	vst v5  }
0x15a: {  	[tilespmem:$0x1AD68] =	vst v5  }
0x15b: {  	[tilespmem:$0x1AD78] =	vst v5  }
0x15c: {  	[tilespmem:$0x1AD88] =	vst v5  }
0x15d: {  	[tilespmem:$0x1AD98] =	vst v5  }
0x15e: {  	[tilespmem:$0x1ADA8] =	vst v5  }
0x15f: {  	[tilespmem:$0x1ADB8] =	vst v5  }
0x160: {  	[tilespmem:$0x1ADC8] =	vst v5  }
0x161: {  	[tilespmem:$0x1ADD8] =	vst v5  }
0x162: {  	[tilespmem:$0x1ADE8] =	vst v5;
	s4 =	simm.s32 $0x0;
	s9 =	simm.s32 $0x0;
	s6 =	simm.s32 $0x40  }
.LBB2_11:
0x163: {  	p1 =	sne.s32 s6, $0x9C00;
	v16 =	vld [tilespmem:s9+$0x9C48];
	_ =	sdelay $0x4  }
0x164: {  	v16 =	vshrl.u32 v16, $0x6  }
0x165: {  	(xrf1) =	vunique.msk.u32 $0xffff, v16;
	_ =	sdelay $0xc  }
0x166: {  	v17 =	vld.idx.msk [tilespmem:v16+s19+$0x0], $0xffff  }
0x167: {  	_, v18, vm0 =	vpop (xrf1);
	_ =	sdelay $0x1  }
.Ltmp8:
0x168: {  	(pc) =	sbr.rel @p1 .LBB2_11-.Ltmp8, $3  }
0x169: {  	_ =	sdelay $0x1  }
0x16a: {  	v17 =	vadd.s32 v17, v18  }
0x16b: {  	s9 =	sshra.s32 s6, $0x2;
	s6 =	sadd.s32 $0x40, s6;
	[tilespmem:v16+s19+$0x0] =	vst.idx.msk vm0, v17  }
0x16c: {  	v16 =	vld [tilespmem:s9+$0x9C48];
	_ =	sdelay $0x4  }
0x16d: {  	v16 =	vshrl.u32 v16, $0x6  }
0x16e: {  	(xrf1) =	vunique.msk.u32 $0xffff, v16;
	_ =	sdelay $0xd  }
0x16f: {  	v17 =	vld.idx.msk [tilespmem:v16+s19+$0x0], $0xffff;
	_, v18, vm0 =	vpop (xrf1);
	_ =	sdelay $0x4  }
0x170: {  	v17 =	vadd.s32 v17, v18  }
0x171: {  	s22 =	simm.s32 $0x0;
	[tilespmem:v16+s19+$0x0] =	vst.idx.msk vm0, v17  }
0x172: {  	v16 =	vld [tilespmem:s22+$0x1AD48];
	_ =	sdelay $0x4  }
0x173: {  	v16 =	vadd.s32 $0x7, v16  }
0x174: {  	v16 =	vand.u32 $0xFFFFFFF8, v16  }
0x175: {  	(xrf0) =	vadd.scan.msk.s32 $0xffff, v16;
	_ =	sdelay $0x5  }
0x176: {  	v17, _, _ =	vpop (xrf0)  }
0x177: {  	(v2sf) =	vpush v17, $0xF  }
0x178: {  	v16 =	vsub.s32 v17, v16  }
0x179: {  	v17 =	vadd.s32 s4, v16  }
0x17a: {  	s6 =	simm.s32 $0x10;
	[tilespmem:s22+$0x1AD48] =	vst v17  }
0x17b: {  	v16 =	vld [tilespmem:s6+$0x1AD48];
	_ =	sdelay $0x4  }
0x17c: {  	v16 =	vadd.s32 $0x7, v16  }
0x17d: {  	v16 =	vand.u32 $0xFFFFFFF8, v16  }
0x17e: {  	(xrf0) =	vadd.scan.msk.s32 $0xffff, v16;
	_ =	sdelay $0x3  }
0x17f: {  	s9 =	simm.s32 $0x80;
	[tilespmem:s22+$0x1AE48] =	vst v17;
	s22 =	spop (v2sf)  }
.LBB2_13:
0x180: {  	p1 =	sne.s32 s9, $0x280  }
0x181: {  	v17, _, _ =	vpop (xrf0);
	s4 =	sadd.s32 s4, s22;
	s22 =	smov.u32 s9;
	s9 =	sadd.s32 $0x40, s9  }
0x182: {  	v16 =	vsub.s32 v17, v16;
	(v2sf) =	vpush v17, $0xF  }
0x183: {  	v16 =	vadd.s32 s4, v16  }
0x184: {  	s22 =	sshra.s32 s22, $0x2;
	[tilespmem:s6+$0x1AD48] =	vst v16  }
0x185: {  	v17 =	vld [tilespmem:s22+$0x1AD48];
	[tilespmem:s6+$0x1AE48] =	vst v16;
	s6 =	smov.u32 s22;
	_ =	sdelay $0x4  }
0x186: {  	v16 =	vadd.s32 $0x7, v17  }
0x187: {  	v16 =	vand.u32 $0xFFFFFFF8, v16  }
0x188: {  	(xrf0) =	vadd.scan.msk.s32 $0xffff, v16  }
.Ltmp9:
0x189: {  	(pc) =	sbr.rel @p1 .LBB2_13-.Ltmp9, $2  }
0x18a: {  	_ =	sdelay $0x2  }
0x18b: {  	s22 =	spop (v2sf)  }
0x18c: {  	v17, _, _ =	vpop (xrf0)  }
0x18d: {  	(v2sf) =	vpush v17, $0xF;
	_ =	sdelay $0x9  }
0x18e: {  	p1 =	por $0x1, $0x1  }
.Ltmp10:
0x18f: {  	_ = 	snop;
	(pc) =	sbr.rel @!p1 .LBB2_16-.Ltmp10, $4  }
0x190: {  	s4 =	sadd.s32 s4, s22;
	v16 =	vsub.s32 v17, v16  }
0x191: {  	v16 =	vadd.s32 s4, v16  }
0x192: {  	s9 =	simm.s32 $0x0;
	[tilespmem:s6+$0x1AD48] =	vst v16  }
0x193: {  	s4 =	simm.s32 $0x0;
	[tilespmem:s6+$0x1AE48] =	vst v16;
	s6 =	simm.s32 $0x40;
	s31 =	spop (v2sf)  }
.LBB2_15:
0x194: {  	p1 =	sne.s32 s6, $0xB400;
	[tilespmem:s9+$0x15248] =	vst v6;
	s22 =	smov.u32 s6;
	s6 =	sadd.s32 $0x40, s6  }
.Ltmp11:
0x195: {  	[tilespmem:s9+$0x17FC8] =	vst v7;
	(pc) =	sbr.rel @p1 .LBB2_15-.Ltmp11, $2  }
0x196: {  	_ =	sdelay $0x2  }
0x197: {  	s9 =	sshra.s32 s22, $0x2  }
.LBB2_16:
0x198: {  	[tilespmem:s9+$0x15248] =	vst v6  }
0x199: {  	[tilespmem:s9+$0x17FC8] =	vst v7  }
.LBB2_17:
0x19a: {  	s6 =	sshra.s32 s4, $0x2  }
0x19b: {  	v16 =	vld [tilespmem:s6+$0x9C48];
	_ =	sdelay $0x4  }
0x19c: {  	v17 =	vshrl.u32 v16, $0x6  }
0x19d: {  	(xrf1) =	vunique.msk.u32 $0xffff, v17;
	_ =	sdelay $0x9  }
0x19e: {  	v18 =	vld.idx.msk [tilespmem:v17+s25+$0x0], $0xffff;
	_ =	sdelay $0x3  }
0x19f: {  	_, v19, vm0 =	vpop (xrf1)  }
0x1a0: {  	v20 =	vld [tilespmem:s6+$0xC3C8];
	v18 =	vadd.s32 v19, v18  }
0x1a1: {  	v19 =	vadd.s32 $0xFFFFFFFF, v18  }
0x1a2: {  	v21 =	vld [tilespmem:s6+$0x12AC8];
	v16 =	vand.u32 $0x3F, v16  }
0x1a3: {  	p1 =	sne.s32 s4, $0x9C00;
	v16 =	vmul.u32 $0x2710, v16  }
.Ltmp12:
0x1a4: {  	_ = 	snop;
	(pc) =	sbr.rel @p1 .LBB2_17-.Ltmp12, $4  }
0x1a5: {  	v16 =	vadd.s32 v20, v16  }
0x1a6: {  	[tilespmem:v19+s14+$0x0] =	vst.idx.msk $0xffff, v16  }
0x1a7: {  	[tilespmem:v19+s2+$0x0] =	vst.idx.msk $0xffff, v21  }
0x1a8: {  	s4 =	sadd.s32 $0x40, s4;
	[tilespmem:v17+s25+$0x0] =	vst.idx.msk vm0, v18  }
0x1a9: {  	s4 =	simm.s32 $0x40;
	s6 =	simm.s32 $0x0  }
.LBB2_19:
0x1aa: {  	p1 =	sne.s32 s4, $0x9C00;
	[tilespmem:s6+$0x12AC8] =	vst v7;
	s6 =	smov.u32 s4;
	s4 =	sadd.s32 $0x40, s4  }
.Ltmp13:
0x1ab: {  	(pc) =	sbr.rel @p1 .LBB2_19-.Ltmp13, $2  }
0x1ac: {  	_ =	sdelay $0x2  }
0x1ad: {  	s6 =	sshra.s32 s6, $0x2  }
0x1ae: {  	[tilespmem:s6+$0x12AC8] =	vst v7;
	s4 =	rddreg [dreg:$0x12]  }
0x1af: {  	[spmem:s4] =	stream.linear.scatter [tilespmem:s3], [sflag:$0x5], $0x2710, $0x38;
	[tilespmem:$0x1D7C8] =	vst v63  }
0x1b0: {  	_ =	swait.ge [sflag:s11], $0x2710  }
0x1b1: {  	[sflag:s11] =	ssyncset.done $0x0  }
0x1b2: {  	s23 =	rddreg [dreg:$0x14];
	[sflag:s11] =	ssyncadd.s32 $0xFFFFD8F0  }
0x1b3: {  	[spmem:s23] =	stream.linear.scatter [tilespmem:s3], [sflag:$0x5], $0x2710, $0x38;
	[tilespmem:$0x1D7C8] =	vst v63  }
0x1b4: {  	_ =	swait.ge [sflag:s11], $0x2710  }
0x1b5: {  	[sflag:s11] =	ssyncset.done $0x0  }
0x1b6: {  	s29 =	rddreg [dreg:$0x15];
	[sflag:s11] =	ssyncadd.s32 $0xFFFFD8F0  }
0x1b7: {  	[spmem:s29] =	stream.linear.scatter [tilespmem:s3], [sflag:$0x5], $0x2710, $0x38;
	[tilespmem:$0x1D7C8] =	vst v63  }
0x1b8: {  	_ =	swait.ge [sflag:s11], $0x2710  }
0x1b9: {  	[sflag:s11] =	ssyncset.done $0x0  }
0x1ba: {  	s30 =	rddreg [dreg:$0x16];
	[sflag:s11] =	ssyncadd.s32 $0xFFFFD8F0  }
0x1bb: {  	[spmem:s30] =	stream.linear.scatter [tilespmem:s3], [sflag:$0x5], $0x2710, $0x38;
	[tilespmem:$0x1D7C8] =	vst v63  }
0x1bc: {  	_ =	swait.ge [sflag:s11], $0x2710  }
0x1bd: {  	[sflag:s11] =	ssyncset.done $0x0  }
0x1be: {  	s31 =	rddreg [dreg:$0x17];
	[sflag:s11] =	ssyncadd.s32 $0xFFFFD8F0  }
0x1bf: {  	[spmem:s31] =	stream.linear.scatter [tilespmem:s3], [sflag:$0x5], $0x8, $0x38;
	[tilespmem:$0x1D7C8] =	vst v63  }
.Ltmp14:
0x1c0: {  	_ =	swait.ge [sflag:s11], $0x8;
	(pc) =	sbr.rel .LBB2_21-.Ltmp14, $4  }
0x1c1: {  	[sflag:s11] =	ssyncset.done $0x0  }
0x1c2: {  	[sflag:s11] =	ssyncadd.s32 $0xFFFFFFF8  }
0x1c3: {  	[bflag:$0x0] =	sbarrier.arrive $0xFFFF  }
0x1c4: {  	s28 =	simm.s32 $0x0  }
.LBB2_30:
0x1c5: {  	s6 =	smov.u32 s4  }
.LBB2_34:
0x1c6: {  	_ =	sdelay $0x2  }
0x1c7: {  	s9 =	sand.u32 $0xFFFFFF80, s9;
	[sflag:s11] =	ssyncadd.s32 @p1 $0xFFFFFF80  }
0x1c8: {  	v16 =	vld.idx.msk [tilespmem:v16+s9+$0x0 ss:$0x1], $0xffff;
	_ =	sdelay $0x3  }
0x1c9: {  	s6 =	sadd.s32 @p1 $0x80, s6  }
0x1ca: {  	s4 =	smov.u32 @p1 s6;
	[tilespmem:$0x1AF48] =	vst v16  }
0x1cb: {  	v16 =	vld [tilespmem:s4+$0xFFFFFFD0];
	_ =	sdelay $0x4  }
0x1cc: {  	[tilespmem:$0x1AF58] =	vst v16  }
0x1cd: {  	v16 =	vld [tilespmem:s4+$0xFFFFFFE0];
	_ =	sdelay $0x4  }
0x1ce: {  	[tilespmem:$0x1AF68] =	vst v16  }
0x1cf: {  	v16 =	vld [tilespmem:s4+$0xFFFFFFF0];
	_ =	sdelay $0x4  }
0x1d0: {  	[tilespmem:$0x1AF78] =	vst v16  }
0x1d1: {  	v16 =	vld [tilespmem:s4+$0x0];
	_ =	sdelay $0x4  }
0x1d2: {  	[tilespmem:$0x1AF88] =	vst v16  }
0x1d3: {  	v16 =	vld [tilespmem:s4+$0x10];
	_ =	sdelay $0x4  }
0x1d4: {  	[tilespmem:$0x1AF98] =	vst v16  }
0x1d5: {  	v16 =	vld [tilespmem:s4+$0x20];
	_ =	sdelay $0x4  }
0x1d6: {  	[tilespmem:$0x1AFA8] =	vst v16  }
0x1d7: {  	v16 =	vld [tilespmem:s4+$0x30];
	_ =	sdelay $0x4  }
0x1d8: {  	[tilespmem:$0x1AFB8] =	vst v16  }
0x1d9: {  	[spmem:s5] =	stream.indirect.scatter [tilespmem:s3], [sflag:$0x5], $0x1, s24, s21, $0xb8;
	[tilespmem:$0x1D7C8] =	vst v63  }
0x1da: {  	_ =	swait.ge [sflag:s11], $0x80  }
0x1db: {  	[sflag:s11] =	ssyncset.done $0x0  }
0x1dc: {  	[sflag:s11] =	ssyncadd.s32 $0xFFFFFF80  }
.LBB2_35:
0x1dd: {  	s28 =	sadd.s32 $0x1, s28  }
0x1de: {  	p1 =	sne.s32 s28, $0x9D  }
.Ltmp15:
0x1df: {  	_ = 	snop;
	(pc) =	sbr.rel @!p1 .LBB2_36-.Ltmp15, $2  }
0x1e0: {  	_ =	sdelay $0x1  }
0x1e1: {  	[bflag:$0x0] =	sbarrier.arrive $0xFFFF;
	_ =	sdelay $0x1  }
.LBB2_21:
0x1e2: {  	v16 =	vld [tilespmem:s28+$0x1AD48]  }
0x1e3: {  	v17 =	vld [tilespmem:s28+$0x1AE48];
	_ =	sdelay $0x3  }
0x1e4: {  	(v2sf) =	vpush v16, $0x0  }
0x1e5: {  	(v2sf) =	vpush v17, $0x0;
	_ =	sdelay $0xd  }
0x1e6: {  	s9 =	spop (v2sf)  }
0x1e7: {  	s4 =	spop (v2sf)  }
0x1e8: {  	s30 =	ssub.s32 s4, s9  }
0x1e9: {  	s4 =	sadd.s32 $0x7F, s30  }
0x1ea: {  	s29 =	sshrl.u32 s4, $0x7  }
0x1eb: {  	p1 =	seq.s32 s29, $0x0  }
.Ltmp16:
0x1ec: {  	_ = 	snop;
	(pc) =	sbr.rel @p1 .LBB2_25-.Ltmp16, $1  }
0x1ed: {  	_ =	sdelay $0x3  }
0x1ee: {  	s22 =	sand.u32 $0x78, s9;
	s4 =	sand.u32 $0xFFFFFF80, s9  }
0x1ef: {  	s4 =	sor.u32 s22, s4  }
0x1f0: {  	v16 =	vld [tilespmem:s4+$0x15248]  }
0x1f1: {  	v17 =	vld [tilespmem:s4+$0x17FC8];
	_ =	sdelay $0x1  }
0x1f2: {  	v18 =	vmov s30  }
0x1f3: {  	vm0 =	vlt.s32 v18, v8  }
0x1f4: {  	s23 =	sshll.u32 s9, $0x2;
	v16 =	vsel vm0, v6, v16  }
0x1f5: {  	s4 =	sshra.s32 s23, $0x2;
	[tilespmem:$0x1AF48] =	vst v16;
	v16 =	vsel vm0, $0x0, v17  }
0x1f6: {  	s6 =	sadd.s32 $0x15288, s4;
	[tilespmem:$0x1AFC8] =	vst v16  }
0x1f7: {  	s31 =	sadd.s32 $0x18008, s4;
	v16 =	vld [tilespmem:s6+$0xFFFFFFD0]  }
0x1f8: {  	v17 =	vld [tilespmem:s31+$0xFFFFFFD0];
	_ =	sdelay $0x2  }
0x1f9: {  	vm0 =	vlt.s32 v18, v9  }
0x1fa: {  	v16 =	vsel vm0, v6, v16  }
0x1fb: {  	[tilespmem:$0x1AF58] =	vst v16;
	v16 =	vsel vm0, $0x0, v17  }
0x1fc: {  	[tilespmem:$0x1AFD8] =	vst v16  }
0x1fd: {  	v16 =	vld [tilespmem:s6+$0xFFFFFFE0]  }
0x1fe: {  	v17 =	vld [tilespmem:s31+$0xFFFFFFE0];
	_ =	sdelay $0x2  }
0x1ff: {  	vm0 =	vlt.s32 v18, v10  }
0x200: {  	v16 =	vsel vm0, v6, v16  }
0x201: {  	[tilespmem:$0x1AF68] =	vst v16;
	v16 =	vsel vm0, $0x0, v17  }
0x202: {  	[tilespmem:$0x1AFE8] =	vst v16  }
0x203: {  	v16 =	vld [tilespmem:s6+$0xFFFFFFF0]  }
0x204: {  	v17 =	vld [tilespmem:s31+$0xFFFFFFF0];
	_ =	sdelay $0x2  }
0x205: {  	vm0 =	vlt.s32 v18, v11  }
0x206: {  	v16 =	vsel vm0, v6, v16  }
0x207: {  	[tilespmem:$0x1AF78] =	vst v16;
	v16 =	vsel vm0, $0x0, v17  }
0x208: {  	[tilespmem:$0x1AFF8] =	vst v16  }
0x209: {  	v16 =	vld [tilespmem:s6+$0x0]  }
0x20a: {  	v17 =	vld [tilespmem:s31+$0x0];
	_ =	sdelay $0x2  }
0x20b: {  	vm0 =	vlt.s32 v18, v12  }
0x20c: {  	v16 =	vsel vm0, v6, v16  }
0x20d: {  	[tilespmem:$0x1AF88] =	vst v16;
	v16 =	vsel vm0, $0x0, v17  }
0x20e: {  	[tilespmem:$0x1B008] =	vst v16  }
0x20f: {  	v16 =	vld [tilespmem:s6+$0x10]  }
0x210: {  	v17 =	vld [tilespmem:s31+$0x10];
	_ =	sdelay $0x2  }
0x211: {  	vm0 =	vlt.s32 v18, v13  }
0x212: {  	v16 =	vsel vm0, v6, v16  }
0x213: {  	[tilespmem:$0x1AF98] =	vst v16;
	v16 =	vsel vm0, $0x0, v17  }
0x214: {  	[tilespmem:$0x1B018] =	vst v16  }
0x215: {  	v16 =	vld [tilespmem:s6+$0x20]  }
0x216: {  	v17 =	vld [tilespmem:s31+$0x20];
	_ =	sdelay $0x2  }
0x217: {  	vm0 =	vlt.s32 v18, v14  }
0x218: {  	p2 =	sne.s32 s29, $0x1;
	v16 =	vsel vm0, v6, v16  }
.Ltmp17:
0x219: {  	[tilespmem:$0x1AFA8] =	vst v16;
	v16 =	vsel vm0, $0x0, v17;
	(pc) =	sbr.rel @!p2 .LBB2_24-.Ltmp17, $4  }
0x21a: {  	[tilespmem:$0x1B028] =	vst v16  }
0x21b: {  	v16 =	vld [tilespmem:s6+$0x30]  }
0x21c: {  	v17 =	vld [tilespmem:s31+$0x30]  }
0x21d: {  	s23 =	smov.u32 s9;
	s4 =	sadd.s32 $0xFFFFFFFF, s29;
	vm0 =	vlt.s32 v18, v15;
	s6 =	sadd.s32 $0x80, s6  }
.LBB2_23:
0x21e: {  	s23 =	sadd.s32 $0x80, s23;
	s30 =	sadd.s32 $0xFFFFFF80, s30;
	s31 =	sadd.s32 $0x80, s31  }
0x21f: {  	p2 =	sne.s32 s4, $0x1;
	s4 =	sadd.s32 $0xFFFFFFFF, s4  }
0x220: {  	v16 =	vsel vm0, v6, v16  }
0x221: {  	[tilespmem:$0x1AFB8] =	vst v16;
	v16 =	vsel vm0, $0x0, v17  }
0x222: {  	[tilespmem:$0x1B038] =	vst v16  }
0x223: {  	[spmem:s5] =	stream.indirect.scatter.add.f32 [tilespmem:s26], [sflag:$0x5], $0x1, s24, s21, $0xb8;
	[tilespmem:$0x1D7C8] =	vst v63  }
0x224: {  	_ =	swait.ge [sflag:s11], $0x80  }
0x225: {  	s15 =	sand.u32 $0xFFFFFF80, s23;
	[sflag:s11] =	ssyncset.done $0x0  }
0x226: {  	s15 =	sor.u32 s22, s15;
	[sflag:s11] =	ssyncadd.s32 $0xFFFFFF80  }
0x227: {  	v16 =	vld [tilespmem:s15+$0x15248]  }
0x228: {  	v17 =	vld [tilespmem:s15+$0x17FC8];
	_ =	sdelay $0x1  }
0x229: {  	v18 =	vmov s30  }
0x22a: {  	vm0 =	vlt.s32 v18, v8  }
0x22b: {  	v16 =	vsel vm0, v6, v16  }
0x22c: {  	[tilespmem:$0x1AF48] =	vst v16;
	v16 =	vsel vm0, $0x0, v17  }
0x22d: {  	[tilespmem:$0x1AFC8] =	vst v16  }
0x22e: {  	v16 =	vld [tilespmem:s6+$0xFFFFFFD0]  }
0x22f: {  	v17 =	vld [tilespmem:s31+$0xFFFFFFD0];
	_ =	sdelay $0x1  }
0x230: {  	vm0 =	vlt.s32 v18, v9;
	_ =	sdelay $0x1  }
0x231: {  	v16 =	vsel vm0, v6, v16  }
0x232: {  	[tilespmem:$0x1AF58] =	vst v16;
	v16 =	vsel vm0, $0x0, v17  }
0x233: {  	[tilespmem:$0x1AFD8] =	vst v16  }
0x234: {  	v16 =	vld [tilespmem:s6+$0xFFFFFFE0]  }
0x235: {  	v17 =	vld [tilespmem:s31+$0xFFFFFFE0]  }
0x236: {  	vm0 =	vlt.s32 v18, v10;
	_ =	sdelay $0x2  }
0x237: {  	v16 =	vsel vm0, v6, v16  }
0x238: {  	[tilespmem:$0x1AF68] =	vst v16;
	v16 =	vsel vm0, $0x0, v17  }
0x239: {  	[tilespmem:$0x1AFE8] =	vst v16  }
0x23a: {  	v16 =	vld [tilespmem:s6+$0xFFFFFFF0]  }
0x23b: {  	vm0 =	vlt.s32 v18, v11;
	v17 =	vld [tilespmem:s31+$0xFFFFFFF0];
	_ =	sdelay $0x3  }
0x23c: {  	v16 =	vsel vm0, v6, v16  }
0x23d: {  	[tilespmem:$0x1AF78] =	vst v16;
	v16 =	vsel vm0, $0x0, v17  }
0x23e: {  	[tilespmem:$0x1AFF8] =	vst v16  }
0x23f: {  	vm0 =	vlt.s32 v18, v12;
	v16 =	vld [tilespmem:s6+$0x0]  }
0x240: {  	v17 =	vld [tilespmem:s31+$0x0];
	_ =	sdelay $0x3  }
0x241: {  	v16 =	vsel vm0, v6, v16  }
0x242: {  	[tilespmem:$0x1AF88] =	vst v16;
	v16 =	vsel vm0, $0x0, v17  }
0x243: {  	vm0 =	vlt.s32 v18, v13;
	[tilespmem:$0x1B008] =	vst v16  }
0x244: {  	v16 =	vld [tilespmem:s6+$0x10]  }
0x245: {  	v17 =	vld [tilespmem:s31+$0x10];
	_ =	sdelay $0x3  }
0x246: {  	v16 =	vsel vm0, v6, v16  }
0x247: {  	vm1 =	vlt.s32 v18, v14;
	[tilespmem:$0x1AF98] =	vst v16;
	v16 =	vsel vm0, $0x0, v17  }
0x248: {  	[tilespmem:$0x1B018] =	vst v16  }
0x249: {  	v16 =	vld [tilespmem:s6+$0x20]  }
0x24a: {  	v17 =	vld [tilespmem:s31+$0x20];
	_ =	sdelay $0x3  }
0x24b: {  	vm0 =	vlt.s32 v18, v15;
	v16 =	vsel vm1, v6, v16  }
.Ltmp18:
0x24c: {  	[tilespmem:$0x1AFA8] =	vst v16;
	v16 =	vsel vm1, $0x0, v17;
	(pc) =	sbr.rel @p2 .LBB2_23-.Ltmp18, $4  }
0x24d: {  	[tilespmem:$0x1B028] =	vst v16  }
0x24e: {  	v16 =	vld [tilespmem:s6+$0x30]  }
0x24f: {  	v17 =	vld [tilespmem:s31+$0x30]  }
0x250: {  	s6 =	sadd.s32 $0x80, s6  }
.LBB2_24:
0x251: {  	_ =	sdelay $0x1  }
0x252: {  	v16 =	vsel vm0, v6, v16  }
0x253: {  	[tilespmem:$0x1AFB8] =	vst v16;
	v16 =	vsel vm0, $0x0, v17  }
0x254: {  	[tilespmem:$0x1B038] =	vst v16  }
0x255: {  	[spmem:s5] =	stream.indirect.scatter.add.f32 [tilespmem:s26], [sflag:$0x5], $0x1, s24, s21, $0xb8;
	[tilespmem:$0x1D7C8] =	vst v63  }
0x256: {  	_ =	swait.ge [sflag:s11], $0x80  }
0x257: {  	[sflag:s11] =	ssyncset.done $0x0  }
0x258: {  	[sflag:s11] =	ssyncadd.s32 $0xFFFFFF80  }
.LBB2_25:
0x259: {  	p2 =	seq.s32 s28, $0x9C  }
.Ltmp19:
0x25a: {  	_ = 	snop;
	(pc) =	sbr.rel @!p2 .LBB2_26-.Ltmp19, $2  }
0x25b: {  	_ =	sdelay $0x1  }
0x25c: {  	[bflag:$0x0] =	sbarrier.arrive $0xFFFF;
	_ =	sdelay $0x1  }
0x25d: {  	[tilespmem:s0], [sflag:$0x4] =	stream.linear.gather [spmem:s12], $0x1388, $0x38;
	[tilespmem:$0x1D7C8] =	vst v63  }
0x25e: {  	_ =	swait.ge [sflag:s1], $0x1388  }
0x25f: {  	s4 =	sld [smem:$0x7FD]  }
0x260: {  	[sflag:s1] =	ssyncset.done $0x0  }
0x261: {  	[sflag:s1] =	ssyncadd.s32 $0xFFFFEC78  }
0x262: {  	[tilespmem:s20], [sflag:$0x4] =	stream.linear.gather [spmem:s4], $0x1388, $0x38;
	[tilespmem:$0x1D7C8] =	vst v63  }
0x263: {  	s31 =	rddreg [dreg:$0x18]  }
0x264: {  	[hbm4b:s31+s7] =	stream.linear.scatter [tilespmem:s0], [sflag:$0x5], $0x1388, $0x38;
	[tilespmem:$0x1D7C8] =	vst v63  }
0x265: {  	_ =	swait.ge [sflag:s11], $0x1388  }
.Ltmp20:
0x266: {  	[sflag:s11] =	ssyncset.done $0x0;
	(pc) =	sbr.rel .LBB2_28-.Ltmp20, $4  }
0x267: {  	[sflag:s11] =	ssyncadd.s32 $0xFFFFEC78  }
0x268: {  	_ =	swait.ge [sflag:s1], $0x1388  }
0x269: {  	[sflag:s1] =	ssyncset.done $0x0  }
0x26a: {  	s4 =	rddreg [dreg:$0x1b];
	[sflag:s1] =	ssyncadd.s32 $0xFFFFEC78  }
.LBB2_26:
0x26b: {  	s4 =	rddreg [dreg:$0x1a]  }
0x26c: {  	[tilespmem:s0], [sflag:$0x4] =	stream.linear.gather [spmem:s4], $0x1388, $0x38;
	[tilespmem:$0x1D7C8] =	vst v63  }
0x26d: {  	s15 =	smul.u32 $0x9C400, s28;
	_ =	swait.ge [sflag:s1], $0x1388  }
0x26e: {  	[sflag:s1] =	ssyncset.done $0x0;
	s6 =	rddreg [dreg:$0x19]  }
0x26f: {  	s22 =	rddreg [dreg:$0x1d];
	s4 =	sadd.s32 s15, s6;
	[sflag:s1] =	ssyncadd.s32 $0xFFFFEC78  }
0x270: {  	[tilespmem:s20], [sflag:$0x4] =	stream.linear.gather [spmem:s22], $0x1388, $0x38;
	[tilespmem:$0x1D7C8] =	vst v63  }
0x271: {  	s23 =	sshrl.u32 s4, $0x3  }
0x272: {  	s6 =	sadd.s32 s8, s23  }
0x273: {  	[hbm4b:s6+s7] =	stream.linear.scatter [tilespmem:s0], [sflag:$0x5], $0x1388, $0x38;
	[tilespmem:$0x1D7C8] =	vst v63  }
0x274: {  	_ =	swait.ge [sflag:s11], $0x1388  }
0x275: {  	[sflag:s11] =	ssyncset.done $0x0  }
0x276: {  	[sflag:s11] =	ssyncadd.s32 $0xFFFFEC78  }
0x277: {  	_ =	swait.ge [sflag:s1], $0x1388  }
0x278: {  	[sflag:s1] =	ssyncset.done $0x0  }
0x279: {  	s30 =	sadd.s32 $0x1388, s4;
	s15 =	rddreg [dreg:$0x1e];
	[sflag:s1] =	ssyncadd.s32 $0xFFFFEC78  }
0x27a: {  	[tilespmem:s0], [sflag:$0x4] =	stream.linear.gather [spmem:s15], $0x1388, $0x38;
	[tilespmem:$0x1D7C8] =	vst v63  }
0x27b: {  	s15 =	sshrl.u32 s30, $0x3  }
0x27c: {  	s15 =	sadd.s32 s8, s15  }
0x27d: {  	[hbm4b:s15+s7] =	stream.linear.scatter [tilespmem:s20], [sflag:$0x5], $0x1388, $0x38;
	[tilespmem:$0x1D7C8] =	vst v63  }
0x27e: {  	_ =	swait.ge [sflag:s11], $0x1388  }
0x27f: {  	[sflag:s11] =	ssyncset.done $0x0  }
0x280: {  	[sflag:s11] =	ssyncadd.s32 $0xFFFFEC78  }
0x281: {  	_ =	swait.ge [sflag:s1], $0x1388  }
0x282: {  	[sflag:s1] =	ssyncset.done $0x0  }
0x283: {  	s31 =	rddreg [dreg:$0x1f];
	[sflag:s1] =	ssyncadd.s32 $0xFFFFEC78  }
0x284: {  	[tilespmem:s20], [sflag:$0x4] =	stream.linear.gather [spmem:s31], $0x1388, $0x38;
	[tilespmem:$0x1D7C8] =	vst v63  }
0x285: {  	s22 =	sadd.s32 $0x4E2, s6  }
0x286: {  	[hbm4b:s22+s7] =	stream.linear.scatter [tilespmem:s0], [sflag:$0x5], $0x1388, $0x38;
	[tilespmem:$0x1D7C8] =	vst v63  }
0x287: {  	_ =	swait.ge [sflag:s11], $0x1388  }
0x288: {  	[sflag:s11] =	ssyncset.done $0x0  }
0x289: {  	[sflag:s11] =	ssyncadd.s32 $0xFFFFEC78  }
0x28a: {  	_ =	swait.ge [sflag:s1], $0x1388  }
0x28b: {  	s23 =	sld [smem:$0x7F9]  }
0x28c: {  	s30 =	sadd.s32 $0x3A98, s4;
	[sflag:s1] =	ssyncset.done $0x0  }
0x28d: {  	s15 =	sshrl.u32 s30, $0x3;
	[sflag:s1] =	ssyncadd.s32 $0xFFFFEC78  }
0x28e: {  	[tilespmem:s0], [sflag:$0x4] =	stream.linear.gather [spmem:s23], $0x1388, $0x38;
	[tilespmem:$0x1D7C8] =	vst v63  }
0x28f: {  	s15 =	sadd.s32 s8, s15  }
0x290: {  	[hbm4b:s15+s7] =	stream.linear.scatter [tilespmem:s20], [sflag:$0x5], $0x1388, $0x38;
	[tilespmem:$0x1D7C8] =	vst v63  }
0x291: {  	_ =	swait.ge [sflag:s11], $0x1388  }
0x292: {  	[sflag:s11] =	ssyncset.done $0x0  }
0x293: {  	[sflag:s11] =	ssyncadd.s32 $0xFFFFEC78  }
0x294: {  	_ =	swait.ge [sflag:s1], $0x1388  }
0x295: {  	s31 =	sld [smem:$0x7FA]  }
0x296: {  	[sflag:s1] =	ssyncset.done $0x0  }
0x297: {  	[sflag:s1] =	ssyncadd.s32 $0xFFFFEC78  }
0x298: {  	[tilespmem:s20], [sflag:$0x4] =	stream.linear.gather [spmem:s31], $0x1388, $0x38;
	[tilespmem:$0x1D7C8] =	vst v63  }
0x299: {  	s22 =	sadd.s32 $0x9C4, s6  }
0x29a: {  	[hbm4b:s22+s7] =	stream.linear.scatter [tilespmem:s0], [sflag:$0x5], $0x1388, $0x38;
	[tilespmem:$0x1D7C8] =	vst v63  }
0x29b: {  	_ =	swait.ge [sflag:s11], $0x1388  }
0x29c: {  	[sflag:s11] =	ssyncset.done $0x0  }
0x29d: {  	[sflag:s11] =	ssyncadd.s32 $0xFFFFEC78  }
0x29e: {  	_ =	swait.ge [sflag:s1], $0x1388  }
0x29f: {  	s23 =	sld [smem:$0x7FB]  }
0x2a0: {  	s30 =	sadd.s32 $0x61A8, s4;
	[sflag:s1] =	ssyncset.done $0x0  }
0x2a1: {  	s15 =	sshrl.u32 s30, $0x3;
	[sflag:s1] =	ssyncadd.s32 $0xFFFFEC78  }
0x2a2: {  	[tilespmem:s0], [sflag:$0x4] =	stream.linear.gather [spmem:s23], $0x1388, $0x38;
	[tilespmem:$0x1D7C8] =	vst v63  }
0x2a3: {  	s15 =	sadd.s32 s8, s15  }
0x2a4: {  	[hbm4b:s15+s7] =	stream.linear.scatter [tilespmem:s20], [sflag:$0x5], $0x1388, $0x38;
	[tilespmem:$0x1D7C8] =	vst v63  }
0x2a5: {  	_ =	swait.ge [sflag:s11], $0x1388  }
0x2a6: {  	[sflag:s11] =	ssyncset.done $0x0  }
0x2a7: {  	[sflag:s11] =	ssyncadd.s32 $0xFFFFEC78  }
0x2a8: {  	_ =	swait.ge [sflag:s1], $0x1388  }
0x2a9: {  	s31 =	sld [smem:$0x7FC]  }
0x2aa: {  	[sflag:s1] =	ssyncset.done $0x0  }
0x2ab: {  	[sflag:s1] =	ssyncadd.s32 $0xFFFFEC78  }
0x2ac: {  	[tilespmem:s20], [sflag:$0x4] =	stream.linear.gather [spmem:s31], $0x1388, $0x38;
	[tilespmem:$0x1D7C8] =	vst v63  }
0x2ad: {  	s6 =	sadd.s32 $0xEA6, s6  }
0x2ae: {  	[hbm4b:s6+s7] =	stream.linear.scatter [tilespmem:s0], [sflag:$0x5], $0x1388, $0x38;
	[tilespmem:$0x1D7C8] =	vst v63  }
0x2af: {  	_ =	swait.ge [sflag:s11], $0x1388  }
0x2b0: {  	[sflag:s11] =	ssyncset.done $0x0  }
0x2b1: {  	[sflag:s11] =	ssyncadd.s32 $0xFFFFEC78  }
0x2b2: {  	_ =	swait.ge [sflag:s1], $0x1388  }
0x2b3: {  	[sflag:s1] =	ssyncset.done $0x0  }
0x2b4: {  	s4 =	sadd.s32 $0x88B8, s4;
	[sflag:s1] =	ssyncadd.s32 $0xFFFFEC78  }
.LBB2_28:
0x2b5: {  	s4 =	sshrl.u32 s4, $0x3  }
0x2b6: {  	s4 =	sadd.s32 s8, s4  }
0x2b7: {  	[hbm4b:s4+s7] =	stream.linear.scatter [tilespmem:s20], [sflag:$0x5], $0x1388, $0x38;
	[tilespmem:$0x1D7C8] =	vst v63  }
.Ltmp21:
0x2b8: {  	_ =	swait.ge [sflag:s11], $0x1388;
	(pc) =	sbr.rel @p1 .LBB2_35-.Ltmp21, $3  }
0x2b9: {  	[sflag:s11] =	ssyncset.done $0x0  }
0x2ba: {  	[sflag:s11] =	ssyncadd.s32 $0xFFFFEC78  }
0x2bb: {  	[bflag:$0x0] =	sbarrier.arrive $0xFFFF;
	_ =	sdelay $0x1  }
0x2bc: {  	s4 =	sand.u32 $0x78, s9;
	p2 =	sne.s32 s29, $0x1  }
.Ltmp22:
0x2bd: {  	s15 =	sadd.s32 $0x15248, s4;
	(pc) =	sbr.rel @!p2 .LBB2_30-.Ltmp22, $4  }
0x2be: {  	v16 =	vmov s15  }
0x2bf: {  	s6 =	sshll.u32 s9, $0x2  }
0x2c0: {  	s31 =	sshra.s32 s6, $0x2  }
0x2c1: {  	p1 =	por $0x0, $0x0;
	s6 =	sadd.s32 $0xFFFFFFFF, s29;
	s4 =	sadd.s32 $0x15288, s31  }
0x2c2: {  	_ =	sdelay $0x2  }
0x2c3: {  	s15 =	sand.u32 $0xFFFFFF80, s9  }
0x2c4: {  	v17 =	vld.idx.msk [tilespmem:v16+s15+$0x0 ss:$0x1], $0xffff;
	_ =	sdelay $0x4  }
0x2c5: {  	[tilespmem:$0x1AF48] =	vst v17  }
0x2c6: {  	v17 =	vld [tilespmem:s4+$0xFFFFFFD0];
	_ =	sdelay $0x4  }
0x2c7: {  	[tilespmem:$0x1AF58] =	vst v17  }
0x2c8: {  	v17 =	vld [tilespmem:s4+$0xFFFFFFE0];
	_ =	sdelay $0x4  }
0x2c9: {  	[tilespmem:$0x1AF68] =	vst v17  }
0x2ca: {  	v17 =	vld [tilespmem:s4+$0xFFFFFFF0];
	_ =	sdelay $0x4  }
0x2cb: {  	[tilespmem:$0x1AF78] =	vst v17  }
0x2cc: {  	v17 =	vld [tilespmem:s4+$0x0];
	_ =	sdelay $0x4  }
0x2cd: {  	[tilespmem:$0x1AF88] =	vst v17  }
0x2ce: {  	v17 =	vld [tilespmem:s4+$0x10];
	_ =	sdelay $0x4  }
0x2cf: {  	[tilespmem:$0x1AF98] =	vst v17  }
0x2d0: {  	v17 =	vld [tilespmem:s4+$0x20];
	_ =	sdelay $0x4  }
0x2d1: {  	[tilespmem:$0x1AFA8] =	vst v17  }
0x2d2: {  	v17 =	vld [tilespmem:s4+$0x30];
	_ =	sdelay $0x2  }
0x2d3: {  	p2 =	sne.s32 s6, $0x1  }
.Ltmp23:
0x2d4: {  	_ = 	snop;
	(pc) =	sbr.rel @!p2 .LBB2_32-.Ltmp23, $4  }
0x2d5: {  	[tilespmem:$0x1AFB8] =	vst v17  }
0x2d6: {  	[spmem:s5] =	stream.indirect.scatter [tilespmem:s3], [sflag:$0x5], $0x1, s24, s21, $0xb8;
	[tilespmem:$0x1D7C8] =	vst v63  }
0x2d7: {  	s22 =	sadd.s32 $0xFFFFFFFF, s6;
	s9 =	sadd.s32 $0x80, s9;
	_ =	swait.ge [sflag:s11], $0x80  }
0x2d8: {  	p1 =	por $0x1, $0x1;
	s6 =	smov.u32 s4;
	[sflag:s11] =	ssyncset.done $0x0  }
.LBB2_33:
0x2d9: {  	s15 =	sand.u32 $0xFFFFFF80, s9;
	[sflag:s11] =	ssyncadd.s32 $0xFFFFFF80;
	s6 =	sadd.s32 $0x80, s6  }
0x2da: {  	p2 =	sne.s32 s22, $0x1;
	s22 =	sadd.s32 $0xFFFFFFFF, s22;
	v17 =	vld.idx.msk [tilespmem:v16+s15+$0x0 ss:$0x1], $0xffff;
	_ =	sdelay $0x5  }
0x2db: {  	[tilespmem:$0x1AF48] =	vst v17  }
0x2dc: {  	v17 =	vld [tilespmem:s6+$0xFFFFFFD0];
	_ =	sdelay $0x4  }
0x2dd: {  	[tilespmem:$0x1AF58] =	vst v17  }
0x2de: {  	v17 =	vld [tilespmem:s6+$0xFFFFFFE0];
	_ =	sdelay $0x4  }
0x2df: {  	[tilespmem:$0x1AF68] =	vst v17  }
0x2e0: {  	v17 =	vld [tilespmem:s6+$0xFFFFFFF0];
	_ =	sdelay $0x4  }
0x2e1: {  	[tilespmem:$0x1AF78] =	vst v17  }
0x2e2: {  	v17 =	vld [tilespmem:s6+$0x0];
	_ =	sdelay $0x4  }
0x2e3: {  	[tilespmem:$0x1AF88] =	vst v17  }
0x2e4: {  	v17 =	vld [tilespmem:s6+$0x10];
	_ =	sdelay $0x4  }
0x2e5: {  	[tilespmem:$0x1AF98] =	vst v17  }
0x2e6: {  	v17 =	vld [tilespmem:s6+$0x20];
	_ =	sdelay $0x4  }
0x2e7: {  	[tilespmem:$0x1AFA8] =	vst v17  }
0x2e8: {  	v17 =	vld [tilespmem:s6+$0x30];
	_ =	sdelay $0x3  }
.Ltmp24:
0x2e9: {  	(pc) =	sbr.rel @p2 .LBB2_33-.Ltmp24, $4  }
0x2ea: {  	[tilespmem:$0x1AFB8] =	vst v17  }
0x2eb: {  	[spmem:s5] =	stream.indirect.scatter [tilespmem:s3], [sflag:$0x5], $0x1, s24, s21, $0xb8;
	[tilespmem:$0x1D7C8] =	vst v63  }
0x2ec: {  	_ =	swait.ge [sflag:s11], $0x80  }
0x2ed: {  	s9 =	sadd.s32 $0x80, s9;
	[sflag:s11] =	ssyncset.done $0x0  }
.Ltmp25:
0x2ee: {  	_ = 	snop;
	(pc) =	sbr.rel .LBB2_34-.Ltmp25, $1  }
0x2ef: {  	_ =	sdelay $0x3  }
.LBB2_32:
.Ltmp26:
0x2f0: {  	(pc) =	sbr.rel .LBB2_34-.Ltmp26, $2  }
0x2f1: {  	_ =	sdelay $0x2  }
0x2f2: {  	s6 =	smov.u32 s4  }
.LBB2_37:
0x2f3: {  	_ =	sfence.sel $0x180000  }
0x2f4: {  	[bflag:$0x0] =	sbarrier.arrive $0xFFFF  }
0x2f5: {  	_ =	strace $0x90000047  }
0x2f6: {  	s0 =	stileid.u32;
	[bflag:$0x2] =	sbarrier.arrive $0xFFFF  }
0x2f7: {  	p0 =	sne.s32 s0, $0x0;
	s0 =	rddreg [dreg:$0xc]  }
0x2f8: {  	s0 =	sadd.s32 @!p0 $0x100000, s0  }
0x2f9: {  	[sflag:s0] =	ssyncadd.tile.s32 @!p0 $0x1;
	_ =	shalt  }
.Lfunc_end2:
_tile_overlayer_lowered:
.L_overlay_start_2:
0x2fa: {  	(tag) =	ssettag $0x2  }
0x2fb: {  	s0 =	rddreg [dreg:$0x0];
	s2 =	stileid.u32  }
0x2fc: {  	s1 =	rddreg [dreg:$0x1];
	p0 =	sne.s32 s2, $0x0  }
0x2fd: {  	s3 =	rddreg [dreg:$0x2];
	[bflag:$0x3] =	sbarrier.arrive $0xFFFF;
	s2 =	simm.s32 @!p0 $0x1C05  }
0x2fe: {  	[timem:s3], [sflag:s2] =	dma.local @!p0 [hbm:s0], s1  }
0x2ff: {  	s0 =	simm.s32 @!p0 $0x5  }
0x300: {  	_ =	swait.ge @!p0 [sflag:s0], s1  }
0x301: {  	s1 =	ssub.s32 @!p0 $0x0, s1;
	[sflag:s0] =	ssyncset.done @!p0 $0x0  }
0x302: {  	[sflag:s0] =	ssyncadd.s32 @!p0 s1  }
0x303: {  	[bflag:$0x3] =	sbarrier.arrive $0xFFFF  }
0x304: {  	_ =	shalt  }

</sc_bundles>
